<compile_context>
chip_gen: v7x
topology: tpu7x:2x2x1
jax: 0.10.2.dev20260603
libtpu: 0.0.44.dev20260713+nightly
codegen_flags: <defaults>
</compile_context>

<pallas_src>
import jax
import jax.numpy as jnp
from jax import lax
from jax.experimental import pallas as pl
from jax.experimental.pallas import tpu as pltpu
from jax.experimental.pallas import tpu_sc as plsc

N = 10000
E = 320000
IN_DIM = 128
H = 8
D = 16
HD = H * D
HH = H // 2
HW = HH * D

NC = 2
NS = 16
C = 80
EPT = E // NS
EP = NS * EPT
NCHUNK = EPT // C
NPAIR = NCHUNK // 2
ROWW = 80
NACC = N
RPT = NACC // NS


def _proj_body(x_ref, wq_ref, bq_ref, wk_ref, bk_ref, wv_ref, bv_ref,
               qt_ref, kvt_ref):
    x = x_ref[...]
    scale = 1.0 / (D ** 0.5)
    q = lax.dot_general(x, wq_ref[...], (((1,), (0,)), ((), ())),
                        preferred_element_type=jnp.float32)
    k = lax.dot_general(x, wk_ref[...], (((1,), (0,)), ((), ())),
                        preferred_element_type=jnp.float32)
    v = lax.dot_general(x, wv_ref[...], (((1,), (0,)), ((), ())),
                        preferred_element_type=jnp.float32)
    q = (q + bq_ref[...]) * scale
    k = k + bk_ref[...]
    v = v + bv_ref[...]
    for c in range(NC):
        qt_ref[c] = q[:, c * HW:(c + 1) * HW]
        kvt_ref[c, :, :HW] = k[:, c * HW:(c + 1) * HW]
        kvt_ref[c, :, HW:] = v[:, c * HW:(c + 1) * HW]


def _project(state, Wq, bq, Wk, bk, Wv, bv):
    blk = 1000
    grid = (N // blk,)
    w_spec = pl.BlockSpec((IN_DIM, HD), lambda i: (0, 0))
    b_spec = pl.BlockSpec((1, HD), lambda i: (0, 0))
    x_spec = pl.BlockSpec((blk, IN_DIM), lambda i: (i, 0))
    qt, kvt = pl.pallas_call(
        _proj_body,
        grid=grid,
        in_specs=[x_spec, w_spec, b_spec, w_spec, b_spec, w_spec, b_spec],
        out_specs=[pl.BlockSpec((NC, blk, HW), lambda i: (0, i, 0)),
                   pl.BlockSpec((NC, blk, 2 * HW), lambda i: (0, i, 0))],
        out_shape=[jax.ShapeDtypeStruct((NC, N, HW), jnp.float32),
                   jax.ShapeDtypeStruct((NC, N, 2 * HW), jnp.float32)],
    )(state, Wq, bq.reshape(1, HD), Wk, bk.reshape(1, HD),
      Wv, bv.reshape(1, HD))
    return qt.reshape(NC * N, HW), kvt.reshape(NC * N, 2 * HW)


def _edge_body(kv_hbm, q_hbm, src_hbm, dst_hbm, out_hbm,
               isA, idA, iqA, isB, idB, iqB, sdA, sdB,
               kvgA, qgA, kvgB, qgB, wrowA, wrowB, acc,
               sem_iA, sem_iB, sem_gA, sem_gB, sem_sc):
    cid = lax.axis_index("c")
    sid = lax.axis_index("s")
    cbase = cid * N
    liota = lax.iota(jnp.int32, 16)
    zeros16 = jnp.zeros((16,), jnp.float32)

    def _zfill(j, _):
        wrowA[j // (ROWW // 16), pl.ds((j % (ROWW // 16)) * 16, 16)] = zeros16
        return 0
    lax.fori_loop(0, C * (ROWW // 16), _zfill, 0)

    def _zcopy(t, _):
        pltpu.sync_copy(wrowA, acc.at[pl.ds(sid * RPT + t * C, C)])
        return 0
    lax.fori_loop(0, RPT // C, _zcopy, 0)
    pltpu.sync_copy(wrowA.at[pl.ds(0, RPT % C)],
                    acc.at[pl.ds(sid * RPT + (RPT // C) * C, RPT % C)])

    plsc.subcore_barrier()

    ebase = sid * EPT

    def issue_idx(c, is_buf, id_buf, sem):
        base = ebase + c * C
        pltpu.async_copy(src_hbm.at[pl.ds(base, C)], is_buf, sem)
        pltpu.async_copy(dst_hbm.at[pl.ds(base, C)], id_buf, sem)

    def drain_idx(sem, is_buf, id_buf):
        pltpu.make_async_copy(src_hbm.at[pl.ds(0, C)], is_buf, sem).wait()
        pltpu.make_async_copy(src_hbm.at[pl.ds(0, C)], id_buf, sem).wait()

    def adjust_idx(is_buf, id_buf, iq_buf):
        for j in range(C // 16):
            sl = pl.ds(j * 16, 16)
            is_buf[sl] = is_buf[sl] + cbase
            iq_buf[sl] = id_buf[sl] + cbase

    def issue_gath(is_buf, iq_buf, kvg, qg, sem):
        pltpu.async_copy(kv_hbm.at[is_buf], kvg, sem)
        pltpu.async_copy(q_hbm.at[iq_buf], qg, sem)

    def drain_gath(sem, kvg, qg):
        pltpu.make_async_copy(kv_hbm.at[pl.ds(0, C)], kvg, sem).wait()
        pltpu.make_async_copy(q_hbm.at[pl.ds(0, C)], qg, sem).wait()

    def comp(kvg, qg, id_buf, sd_buf, wrow):
        @plsc.parallel_loop(0, C, unroll=4)
        def _edge(e):
            zv = zeros16
            for h in range(HH):
                k = kvg[e, pl.ds(h * D, D)]
                q = qg[e, pl.ds(h * D, D)]
                raw = jnp.clip(jnp.sum(k * q), -5.0, 5.0)
                sv = jnp.exp(jnp.full((16,), raw))
                v = kvg[e, pl.ds(HW + h * D, D)]
                wrow[e, pl.ds(h * D, D)] = v * sv
                zv = jnp.where(liota == h, sv, zv)
            wrow[e, pl.ds(HW, 16)] = zv

        for j in range(C // 16):
            sl = pl.ds(j * 16, 16)
            sd_buf[sl] = id_buf[sl]
        pltpu.async_copy(wrow, acc.at[sd_buf], sem_sc, add=True)

    def drain_sc():
        pltpu.make_async_copy(out_hbm.at[0, pl.ds(0, C)], wrowA,
                              sem_sc).wait()

    issue_idx(0, isA, idA, sem_iA)
    drain_idx(sem_iA, isA, idA)
    adjust_idx(isA, idA, iqA)
    issue_gath(isA, iqA, kvgA, qgA, sem_gA)
    issue_idx(1, isB, idB, sem_iB)

    def pair_body(t, _):
        a = 2 * t
        b = 2 * t + 1
        drain_gath(sem_gA, kvgA, qgA)
        drain_idx(sem_iB, isB, idB)
        adjust_idx(isB, idB, iqB)
        issue_gath(isB, iqB, kvgB, qgB, sem_gB)

        @pl.when(t > 0)
        def _():
            drain_sc()

        comp(kvgA, qgA, idA, sdA, wrowA)

        @pl.when(t < NPAIR - 1)
        def _():
            issue_idx(a + 2, isA, idA, sem_iA)

        drain_gath(sem_gB, kvgB, qgB)

        @pl.when(t < NPAIR - 1)
        def _():
            drain_idx(sem_iA, isA, idA)
            adjust_idx(isA, idA, iqA)
            issue_gath(isA, iqA, kvgA, qgA, sem_gA)

        @pl.when(t > 0)
        def _():
            drain_sc()

        comp(kvgB, qgB, idB, sdB, wrowB)

        @pl.when(t < NPAIR - 1)
        def _():
            issue_idx(b + 2, isB, idB, sem_iB)

        return 0

    lax.fori_loop(0, NPAIR, pair_body, 0)

    drain_sc()
    drain_sc()
    plsc.subcore_barrier()

    pltpu.sync_copy(acc.at[pl.ds(sid * RPT, RPT)],
                    out_hbm.at[cid, pl.ds(sid * RPT, RPT)])


def _edge_phase(kv, q, src, dst):
    mesh = plsc.VectorSubcoreMesh(core_axis_name="c", subcore_axis_name="s")
    kern = pl.kernel(
        _edge_body,
        out_type=jax.ShapeDtypeStruct((NC, NACC, ROWW), jnp.float32),
        mesh=mesh,
        scratch_types=[
            pltpu.VMEM((C,), jnp.int32),
            pltpu.VMEM((C,), jnp.int32),
            pltpu.VMEM((C,), jnp.int32),
            pltpu.VMEM((C,), jnp.int32),
            pltpu.VMEM((C,), jnp.int32),
            pltpu.VMEM((C,), jnp.int32),
            pltpu.VMEM((C,), jnp.int32),
            pltpu.VMEM((C,), jnp.int32),
            pltpu.VMEM((C, 2 * HW), jnp.float32),
            pltpu.VMEM((C, HW), jnp.float32),
            pltpu.VMEM((C, 2 * HW), jnp.float32),
            pltpu.VMEM((C, HW), jnp.float32),
            pltpu.VMEM((C, ROWW), jnp.float32),
            pltpu.VMEM((C, ROWW), jnp.float32),
            pltpu.VMEM_SHARED((NACC, ROWW), jnp.float32),
            pltpu.SemaphoreType.DMA,
            pltpu.SemaphoreType.DMA,
            pltpu.SemaphoreType.DMA,
            pltpu.SemaphoreType.DMA,
            pltpu.SemaphoreType.DMA,
        ],
        compiler_params=pltpu.CompilerParams(use_tc_tiling_on_sc=False,
                                             needs_layout_passes=False),
    )
    return kern(kv, q, src, dst)


def _combine_body(p_ref, out_ref):
    cols = []
    for c in range(NC):
        a = p_ref[c]
        for h in range(HH):
            wv = a[:, h * D:(h + 1) * D]
            z = a[:, HW + h:HW + h + 1]
            cols.append(wv / z)
    out_ref[...] = jnp.concatenate(cols, axis=1)


def _combine(parts):
    blk = 1000
    return pl.pallas_call(
        _combine_body,
        grid=(N // blk,),
        in_specs=[pl.BlockSpec((NC, blk, ROWW), lambda i: (0, i, 0))],
        out_specs=pl.BlockSpec((blk, HD), lambda i: (i, 0)),
        out_shape=jax.ShapeDtypeStruct((N, HD), jnp.float32),
    )(parts)


def kernel(state, edge_index, Wq, bq, Wk, bk, Wv, bv):
    q, kv = _project(state, Wq, bq, Wk, bk, Wv, bv)
    src = edge_index[0]
    dst = edge_index[1]
    parts = _edge_phase(kv, q, src, dst)
    out = _combine(parts)
    return out.reshape(N, H, D)

# --- scband reference (transcript-rebuilt; emitter-appended) ---
"""Pipeline reference for scband-transf-head-83623013253616 (READ-ONLY COPY).

The authoritative reference and input builder live on the scoring server;
editing this copy changes nothing except your own understanding.
"""

import jax, jax.numpy as jnp
import numpy as np

N = 10000
E = 320000
IN_DIM = 128
H = 8
D = 16


def setup_inputs(seed: int = 0) -> dict:
    key = jax.random.key(seed)
    ks = jax.random.split(key, 8)
    state = jax.random.normal(ks[0], (N, IN_DIM), dtype=jnp.float32)
    edge_index = jax.random.randint(ks[1], (2, E), 0, N, dtype=jnp.int32)
    # learned parameters for Q, K, V dense projections: IN_DIM -> H*D
    scale = 1.0 / np.sqrt(IN_DIM)
    Wq = jax.random.normal(ks[2], (IN_DIM, H * D), dtype=jnp.float32) * scale
    bq = jnp.zeros((H * D,), dtype=jnp.float32)
    Wk = jax.random.normal(ks[3], (IN_DIM, H * D), dtype=jnp.float32) * scale
    bk = jnp.zeros((H * D,), dtype=jnp.float32)
    Wv = jax.random.normal(ks[4], (IN_DIM, H * D), dtype=jnp.float32) * scale
    bv = jnp.zeros((H * D,), dtype=jnp.float32)
    return {"state": state, "edge_index": edge_index, "Wq": Wq, "bq": bq,
            "Wk": Wk, "bk": bk, "Wv": Wv, "bv": bv}


def reference(state, edge_index, Wq, bq, Wk, bk, Wv, bv):
    # Dense projections and per-head reshape: [N, H, D]
    Q_h = (state @ Wq + bq).reshape(-1, H, D)
    K_h = (state @ Wk + bk).reshape(-1, H, D)
    V_h = (state @ Wv + bv).reshape(-1, H, D)
    src = edge_index[0]
    dst = edge_index[1]
    # apply_edges src_dot_dst('K_h','Q_h','score'): per-edge dot product, keepdim
    score = jnp.sum(K_h[src] * Q_h[dst], axis=-1, keepdims=True)  # [E, H, 1]
    # scaled_exp('score', sqrt(outDim)) with clamp(-5, 5)
    score = jnp.exp(jnp.clip(score / np.sqrt(D), -5.0, 5.0))
    # send_and_recv: src_mul_edge(V_h, score) summed into dst -> wV
    wV = jax.ops.segment_sum(V_h[src] * score, dst, num_segments=N)  # [N, H, D]
    # send_and_recv: copy_edge(score) summed into dst -> z
    z = jax.ops.segment_sum(score, dst, num_segments=N)  # [N, H, 1]
    return wV / z

if __name__ == "__main__":
    import jax
    _d = setup_inputs()
    print(jax.jit(kernel)(*tuple(_d.values())))

</pallas_src>

<mosaic_0001>
#map = affine_map<(d0, d1) -> (0, 0)>
#map1 = affine_map<(d0, d1) -> (0)>
#map2 = affine_map<(d0, d1) -> (0, 0, 0)>
module attributes {stable_mosaic.version = 14 : i64} {
  func.func @_edge_body(%arg0: i32, %arg1: i32, %arg2: memref<20000x128xf32, #tpu.memory_space<hbm>>, %arg3: memref<20000x64xf32, #tpu.memory_space<hbm>>, %arg4: memref<320000xi32, #tpu.memory_space<hbm>>, %arg5: memref<320000xi32, #tpu.memory_space<hbm>>, %arg6: memref<2x10000x80xf32, #tpu.memory_space<hbm>>, %arg7: memref<80xi32, #tpu.memory_space<vmem>>, %arg8: memref<80xi32, #tpu.memory_space<vmem>>, %arg9: memref<80xi32, #tpu.memory_space<vmem>>, %arg10: memref<80xi32, #tpu.memory_space<vmem>>, %arg11: memref<80xi32, #tpu.memory_space<vmem>>, %arg12: memref<80xi32, #tpu.memory_space<vmem>>, %arg13: memref<80xi32, #tpu.memory_space<vmem>>, %arg14: memref<80xi32, #tpu.memory_space<vmem>>, %arg15: memref<80x128xf32, #tpu.memory_space<vmem>>, %arg16: memref<80x64xf32, #tpu.memory_space<vmem>>, %arg17: memref<80x128xf32, #tpu.memory_space<vmem>>, %arg18: memref<80x64xf32, #tpu.memory_space<vmem>>, %arg19: memref<80x80xf32, #tpu.memory_space<vmem>>, %arg20: memref<80x80xf32, #tpu.memory_space<vmem>>, %arg21: memref<10000x80xf32, #tpu.memory_space<vmem_shared>>, %arg22: memref<!tpu.dma_semaphore, #tpu.memory_space<semaphore_mem>>, %arg23: memref<!tpu.dma_semaphore, #tpu.memory_space<semaphore_mem>>, %arg24: memref<!tpu.dma_semaphore, #tpu.memory_space<semaphore_mem>>, %arg25: memref<!tpu.dma_semaphore, #tpu.memory_space<semaphore_mem>>, %arg26: memref<!tpu.dma_semaphore, #tpu.memory_space<semaphore_mem>>) attributes {dimension_semantics = [#tpu.dimension_semantics<core_parallel>, #tpu.dimension_semantics<subcore_parallel>], iteration_bounds = array<i64: 2, 16>, scalar_prefetch = 0 : i64, scratch_operands = 20 : i64, tpu.core_type = #tpu.core_type<sc_vector_subcore>, window_params = [{transform_indices = #map}, {transform_indices = #map}, {transform_indices = #map1}, {transform_indices = #map1}, {transform_indices = #map2}]} {
    %mul3A = arith.constant 10000 : i32
    %mul3A_0 = arith.muli %arg0, %mul3A : i32
    %iota3A = tpu.iota {dimensions = array<i32: 0>} : vector<16xi32>
    %broadcast_in_dim3A = arith.constant 0.000000e+00 : f32
    %broadcast_in_dim3A_1 = vector.broadcast %broadcast_in_dim3A : f32 to vector<16xf32>
    %scan3A = arith.constant 0 : i32
    %scan3A_2 = arith.constant 0 : i32
    %scan3A_3 = arith.constant 400 : i32
    %scan3A_4 = arith.addi %scan3A_2, %scan3A_3 : i32
    %scan3A_5 = arith.constant 1 : i32
    %scan3A_6 = scf.for %scan3A_132 = %scan3A_2 to %scan3A_4 step %scan3A_5 iter_args(%scan3A_133 = %scan3A) -> (i32)  : i32 {
      %jit3A = arith.constant 5 : i32
      %div3A = arith.divsi %scan3A_132, %jit3A : i32
      %sign3A = arith.constant 0 : i32
      %sign3A_134 = arith.cmpi sgt, %scan3A_132, %sign3A : i32
      %sign3A_135 = arith.extui %sign3A_134 : i1 to i32
      %sign3A_136 = arith.constant 0 : i32
      %sign3A_137 = arith.cmpi slt, %scan3A_132, %sign3A_136 : i32
      %sign3A_138 = arith.extui %sign3A_137 : i1 to i32
      %sign3A_139 = arith.subi %sign3A_135, %sign3A_138 : i32
      %sign3A_140 = arith.constant 0 : i32
      %sign3A_141 = arith.cmpi sgt, %jit3A, %sign3A_140 : i32
      %sign3A_142 = arith.extui %sign3A_141 : i1 to i32
      %sign3A_143 = arith.constant 0 : i32
      %sign3A_144 = arith.cmpi slt, %jit3A, %sign3A_143 : i32
      %sign3A_145 = arith.extui %sign3A_144 : i1 to i32
      %sign3A_146 = arith.subi %sign3A_142, %sign3A_145 : i32
      %ne3A = arith.cmpi ne, %sign3A_139, %sign3A_146 : i32
      %rem3A = arith.remsi %scan3A_132, %jit3A : i32
      %ne3A_147 = arith.constant 0 : i32
      %ne3A_148 = arith.cmpi ne, %rem3A, %ne3A_147 : i32
      %and3A = arith.andi %ne3A, %ne3A_148 : i1
      %sub3A = arith.constant 1 : i32
      %sub3A_149 = arith.subi %div3A, %sub3A : i32
      %select_n3A = arith.select %and3A, %sub3A_149, %div3A : i32
      %jit3A_150 = arith.constant 5 : i32
      %eq3A = arith.constant 0 : i32
      %eq3A_151 = arith.cmpi eq, %jit3A_150, %eq3A : i32
      %jit3A_152 = arith.constant 1 : i32
      %select_n3A_153 = arith.select %eq3A_151, %jit3A_152, %jit3A_150 : i32
      %rem3A_154 = arith.remsi %scan3A_132, %select_n3A_153 : i32
      %ne3A_155 = arith.constant 0 : i32
      %ne3A_156 = arith.cmpi ne, %rem3A_154, %ne3A_155 : i32
      %lt3A = arith.constant 0 : i32
      %lt3A_157 = arith.cmpi slt, %rem3A_154, %lt3A : i32
      %lt3A_158 = arith.constant 0 : i32
      %lt3A_159 = arith.cmpi slt, %select_n3A_153, %lt3A_158 : i32
      %ne3A_160 = arith.xori %lt3A_157, %lt3A_159 : i1
      %and3A_161 = arith.andi %ne3A_160, %ne3A_156 : i1
      %add3A_162 = arith.addi %rem3A_154, %select_n3A_153 : i32
      %select_n3A_163 = arith.select %and3A_161, %add3A_162, %rem3A_154 : i32
      %mul3A_164 = arith.constant 16 : i32
      %mul3A_165 = arith.muli %select_n3A_163, %mul3A_164 : i32
      %swap3A_166 = arith.index_cast %select_n3A : i32 to index
      %swap3A_167 = arith.index_cast %mul3A_165 : i32 to index
      %swap3A_168 = tpu.vector_load %arg19[%swap3A_166, %swap3A_167] {strides = array<i32>} : memref<80x80xf32, #tpu.memory_space<vmem>>, vector<16xf32>,
      tpu.vector_store %arg19[%swap3A_166, %swap3A_167], %broadcast_in_dim3A_1 {strides = array<i32>} : memref<80x80xf32, #tpu.memory_space<vmem>>, vector<16xf32>,
      %scan3A_169 = arith.constant 0 : i32
      scf.yield %scan3A_169 : i32
    }
    %scan3A_7 = arith.constant 400 : i32
    %scan3A_8 = arith.constant 0 : i32
    %scan3A_9 = arith.constant 0 : i32
    %scan3A_10 = arith.constant 7 : i32
    %scan3A_11 = arith.addi %scan3A_9, %scan3A_10 : i32
    %scan3A_12 = arith.constant 1 : i32
    %scan3A_13 = scf.for %scan3A_132 = %scan3A_9 to %scan3A_11 step %scan3A_12 iter_args(%scan3A_133 = %scan3A_8) -> (i32)  : i32 {
      %mul3A_134 = arith.constant 625 : i32
      %mul3A_135 = arith.muli %arg1, %mul3A_134 : i32
      %mul3A_136 = arith.constant 80 : i32
      %mul3A_137 = arith.muli %scan3A_132, %mul3A_136 : i32
      %add3A_138 = arith.addi %mul3A_135, %mul3A_137 : i32
      "tpu.region"() ({
        %run_scoped3A = tpu.sem_alloc : memref<!tpu.dma_semaphore, #tpu.memory_space<semaphore_mem>>
        %dma_start3A_140 = arith.constant 0 : i32
        %dma_start3A_141 = tpu.memref_slice %arg21[%add3A_138, %dma_start3A_140] : memref<10000x80xf32, #tpu.memory_space<vmem_shared>> -> memref<80x80xf32, #tpu.memory_space<vmem_shared>>
        %dma_start3A_142 = arith.constant 0 : i32
        %dma_start3A_143 = tpu.memref_slice %arg21[%add3A_138, %dma_start3A_142] : memref<10000x80xf32, #tpu.memory_space<vmem_shared>> -> memref<80x80xf32, #tpu.memory_space<vmem_shared>>
        tpu.enqueue_dma source(%arg19 : memref<80x80xf32, #tpu.memory_space<vmem>>) target(%dma_start3A_143 : memref<80x80xf32, #tpu.memory_space<vmem_shared>>) target_semaphore(%run_scoped3A : memref<!tpu.dma_semaphore, #tpu.memory_space<semaphore_mem>>)
        %dma_wait3A_144 = arith.constant 0 : i32
        %dma_wait3A_145 = tpu.memref_slice %arg21[%add3A_138, %dma_wait3A_144] : memref<10000x80xf32, #tpu.memory_space<vmem_shared>> -> memref<80x80xf32, #tpu.memory_space<vmem_shared>>
        %dma_wait3A_146 = arith.constant 0 : i32
        %dma_wait3A_147 = tpu.memref_slice %arg21[%add3A_138, %dma_wait3A_146] : memref<10000x80xf32, #tpu.memory_space<vmem_shared>> -> memref<80x80xf32, #tpu.memory_space<vmem_shared>>
        tpu.wait_dma2 semaphore(%run_scoped3A : memref<!tpu.dma_semaphore, #tpu.memory_space<semaphore_mem>>) src(%arg19 : memref<80x80xf32, #tpu.memory_space<vmem>>) dst(%dma_wait3A_147 : memref<80x80xf32, #tpu.memory_space<vmem_shared>>)
        tpu.yield
      }) : () -> ()
      %scan3A_139 = arith.constant 0 : i32
      scf.yield %scan3A_139 : i32
    }
    %scan3A_14 = arith.constant 7 : i32
    %mul3A_15 = arith.constant 625 : i32
    %mul3A_16 = arith.muli %arg1, %mul3A_15 : i32
    %add3A = arith.constant 560 : i32
    %add3A_17 = arith.addi %mul3A_16, %add3A : i32
    "tpu.region"() ({
      %run_scoped3A = tpu.sem_alloc : memref<!tpu.dma_semaphore, #tpu.memory_space<semaphore_mem>>
      %dma_start3A_132 = arith.constant 0 : i32
      %dma_start3A_133 = arith.constant 0 : i32
      %dma_start3A_134 = tpu.memref_slice %arg19[%dma_start3A_132, %dma_start3A_133] : memref<80x80xf32, #tpu.memory_space<vmem>> -> memref<65x80xf32, #tpu.memory_space<vmem>>
      %dma_start3A_135 = arith.constant 0 : i32
      %dma_start3A_136 = tpu.memref_slice %arg21[%add3A_17, %dma_start3A_135] : memref<10000x80xf32, #tpu.memory_space<vmem_shared>> -> memref<65x80xf32, #tpu.memory_space<vmem_shared>>
      %dma_start3A_137 = arith.constant 0 : i32
      %dma_start3A_138 = tpu.memref_slice %arg21[%add3A_17, %dma_start3A_137] : memref<10000x80xf32, #tpu.memory_space<vmem_shared>> -> memref<65x80xf32, #tpu.memory_space<vmem_shared>>
      %dma_start3A_139 = arith.constant 0 : i32
      %dma_start3A_140 = arith.constant 0 : i32
      %dma_start3A_141 = tpu.memref_slice %arg19[%dma_start3A_139, %dma_start3A_140] : memref<80x80xf32, #tpu.memory_space<vmem>> -> memref<65x80xf32, #tpu.memory_space<vmem>>
      tpu.enqueue_dma source(%dma_start3A_141 : memref<65x80xf32, #tpu.memory_space<vmem>>) target(%dma_start3A_138 : memref<65x80xf32, #tpu.memory_space<vmem_shared>>) target_semaphore(%run_scoped3A : memref<!tpu.dma_semaphore, #tpu.memory_space<semaphore_mem>>)
      %dma_wait3A_142 = arith.constant 0 : i32
      %dma_wait3A_143 = arith.constant 0 : i32
      %dma_wait3A_144 = tpu.memref_slice %arg19[%dma_wait3A_142, %dma_wait3A_143] : memref<80x80xf32, #tpu.memory_space<vmem>> -> memref<65x80xf32, #tpu.memory_space<vmem>>
      %dma_wait3A_145 = arith.constant 0 : i32
      %dma_wait3A_146 = tpu.memref_slice %arg21[%add3A_17, %dma_wait3A_145] : memref<10000x80xf32, #tpu.memory_space<vmem_shared>> -> memref<65x80xf32, #tpu.memory_space<vmem_shared>>
      %dma_wait3A_147 = arith.constant 0 : i32
      %dma_wait3A_148 = tpu.memref_slice %arg21[%add3A_17, %dma_wait3A_147] : memref<10000x80xf32, #tpu.memory_space<vmem_shared>> -> memref<65x80xf32, #tpu.memory_space<vmem_shared>>
      %dma_wait3A_149 = arith.constant 0 : i32
      %dma_wait3A_150 = arith.constant 0 : i32
      %dma_wait3A_151 = tpu.memref_slice %arg19[%dma_wait3A_149, %dma_wait3A_150] : memref<80x80xf32, #tpu.memory_space<vmem>> -> memref<65x80xf32, #tpu.memory_space<vmem>>
      tpu.wait_dma2 semaphore(%run_scoped3A : memref<!tpu.dma_semaphore, #tpu.memory_space<semaphore_mem>>) src(%dma_wait3A_151 : memref<65x80xf32, #tpu.memory_space<vmem>>) dst(%dma_wait3A_148 : memref<65x80xf32, #tpu.memory_space<vmem_shared>>)
      tpu.yield
    }) : () -> ()
    %barrier3A = arith.constant 0 : index
    tpu.barrier barrier_id(%barrier3A)
    %mul3A_18 = arith.constant 20000 : i32
    %mul3A_19 = arith.muli %arg1, %mul3A_18 : i32
    %add3A_20 = arith.constant 0 : i32
    %add3A_21 = arith.addi %mul3A_19, %add3A_20 : i32
    %dma_start3A = tpu.memref_slice %arg4[%add3A_21] : memref<320000xi32, #tpu.memory_space<hbm>> -> memref<80xi32, #tpu.memory_space<hbm>>
    %dma_start3A_22 = tpu.memref_slice %arg4[%add3A_21] : memref<320000xi32, #tpu.memory_space<hbm>> -> memref<80xi32, #tpu.memory_space<hbm>>
    tpu.enqueue_dma source(%dma_start3A_22 : memref<80xi32, #tpu.memory_space<hbm>>) target(%arg7 : memref<80xi32, #tpu.memory_space<vmem>>) target_semaphore(%arg22 : memref<!tpu.dma_semaphore, #tpu.memory_space<semaphore_mem>>)
    %dma_start3A_23 = tpu.memref_slice %arg5[%add3A_21] : memref<320000xi32, #tpu.memory_space<hbm>> -> memref<80xi32, #tpu.memory_space<hbm>>
    %dma_start3A_24 = tpu.memref_slice %arg5[%add3A_21] : memref<320000xi32, #tpu.memory_space<hbm>> -> memref<80xi32, #tpu.memory_space<hbm>>
    tpu.enqueue_dma source(%dma_start3A_24 : memref<80xi32, #tpu.memory_space<hbm>>) target(%arg8 : memref<80xi32, #tpu.memory_space<vmem>>) target_semaphore(%arg22 : memref<!tpu.dma_semaphore, #tpu.memory_space<semaphore_mem>>)
    %dma_wait3A = arith.constant 0 : i32
    %dma_wait3A_25 = tpu.memref_slice %arg4[%dma_wait3A] : memref<320000xi32, #tpu.memory_space<hbm>> -> memref<80xi32, #tpu.memory_space<hbm>>
    %dma_wait3A_26 = arith.constant 0 : i32
    %dma_wait3A_27 = tpu.memref_slice %arg4[%dma_wait3A_26] : memref<320000xi32, #tpu.memory_space<hbm>> -> memref<80xi32, #tpu.memory_space<hbm>>
    tpu.wait_dma2 semaphore(%arg22 : memref<!tpu.dma_semaphore, #tpu.memory_space<semaphore_mem>>) src(%dma_wait3A_27 : memref<80xi32, #tpu.memory_space<hbm>>) dst(%arg7 : memref<80xi32, #tpu.memory_space<vmem>>)
    %dma_wait3A_28 = arith.constant 0 : i32
    %dma_wait3A_29 = tpu.memref_slice %arg4[%dma_wait3A_28] : memref<320000xi32, #tpu.memory_space<hbm>> -> memref<80xi32, #tpu.memory_space<hbm>>
    %dma_wait3A_30 = arith.constant 0 : i32
    %dma_wait3A_31 = tpu.memref_slice %arg4[%dma_wait3A_30] : memref<320000xi32, #tpu.memory_space<hbm>> -> memref<80xi32, #tpu.memory_space<hbm>>
    tpu.wait_dma2 semaphore(%arg22 : memref<!tpu.dma_semaphore, #tpu.memory_space<semaphore_mem>>) src(%dma_wait3A_31 : memref<80xi32, #tpu.memory_space<hbm>>) dst(%arg8 : memref<80xi32, #tpu.memory_space<vmem>>)
    %get3A = arith.constant 0 : index
    %get3A_32 = tpu.vector_load %arg7[%get3A] {strides = array<i32>} : memref<80xi32, #tpu.memory_space<vmem>>, vector<16xi32>,
    %add3A_33 = vector.broadcast %mul3A_0 : i32 to vector<16xi32>
    %add3A_34 = arith.addi %get3A_32, %add3A_33 : vector<16xi32>
    %swap3A = arith.constant 0 : index
    %swap3A_35 = tpu.vector_load %arg7[%swap3A] {strides = array<i32>} : memref<80xi32, #tpu.memory_space<vmem>>, vector<16xi32>,
    tpu.vector_store %arg7[%swap3A], %add3A_34 {strides = array<i32>} : memref<80xi32, #tpu.memory_space<vmem>>, vector<16xi32>,
    %get3A_36 = arith.constant 0 : index
    %get3A_37 = tpu.vector_load %arg8[%get3A_36] {strides = array<i32>} : memref<80xi32, #tpu.memory_space<vmem>>, vector<16xi32>,
    %add3A_38 = vector.broadcast %mul3A_0 : i32 to vector<16xi32>
    %add3A_39 = arith.addi %get3A_37, %add3A_38 : vector<16xi32>
    %swap3A_40 = arith.constant 0 : index
    %swap3A_41 = tpu.vector_load %arg9[%swap3A_40] {strides = array<i32>} : memref<80xi32, #tpu.memory_space<vmem>>, vector<16xi32>,
    tpu.vector_store %arg9[%swap3A_40], %add3A_39 {strides = array<i32>} : memref<80xi32, #tpu.memory_space<vmem>>, vector<16xi32>,
    %get3A_42 = arith.constant 16 : index
    %get3A_43 = tpu.vector_load %arg7[%get3A_42] {strides = array<i32>} : memref<80xi32, #tpu.memory_space<vmem>>, vector<16xi32>,
    %add3A_44 = vector.broadcast %mul3A_0 : i32 to vector<16xi32>
    %add3A_45 = arith.addi %get3A_43, %add3A_44 : vector<16xi32>
    %swap3A_46 = arith.constant 16 : index
    %swap3A_47 = tpu.vector_load %arg7[%swap3A_46] {strides = array<i32>} : memref<80xi32, #tpu.memory_space<vmem>>, vector<16xi32>,
    tpu.vector_store %arg7[%swap3A_46], %add3A_45 {strides = array<i32>} : memref<80xi32, #tpu.memory_space<vmem>>, vector<16xi32>,
    %get3A_48 = arith.constant 16 : index
    %get3A_49 = tpu.vector_load %arg8[%get3A_48] {strides = array<i32>} : memref<80xi32, #tpu.memory_space<vmem>>, vector<16xi32>,
    %add3A_50 = vector.broadcast %mul3A_0 : i32 to vector<16xi32>
    %add3A_51 = arith.addi %get3A_49, %add3A_50 : vector<16xi32>
    %swap3A_52 = arith.constant 16 : index
    %swap3A_53 = tpu.vector_load %arg9[%swap3A_52] {strides = array<i32>} : memref<80xi32, #tpu.memory_space<vmem>>, vector<16xi32>,
    tpu.vector_store %arg9[%swap3A_52], %add3A_51 {strides = array<i32>} : memref<80xi32, #tpu.memory_space<vmem>>, vector<16xi32>,
    %get3A_54 = arith.constant 32 : index
    %get3A_55 = tpu.vector_load %arg7[%get3A_54] {strides = array<i32>} : memref<80xi32, #tpu.memory_space<vmem>>, vector<16xi32>,
    %add3A_56 = vector.broadcast %mul3A_0 : i32 to vector<16xi32>
    %add3A_57 = arith.addi %get3A_55, %add3A_56 : vector<16xi32>
    %swap3A_58 = arith.constant 32 : index
    %swap3A_59 = tpu.vector_load %arg7[%swap3A_58] {strides = array<i32>} : memref<80xi32, #tpu.memory_space<vmem>>, vector<16xi32>,
    tpu.vector_store %arg7[%swap3A_58], %add3A_57 {strides = array<i32>} : memref<80xi32, #tpu.memory_space<vmem>>, vector<16xi32>,
    %get3A_60 = arith.constant 32 : index
    %get3A_61 = tpu.vector_load %arg8[%get3A_60] {strides = array<i32>} : memref<80xi32, #tpu.memory_space<vmem>>, vector<16xi32>,
    %add3A_62 = vector.broadcast %mul3A_0 : i32 to vector<16xi32>
    %add3A_63 = arith.addi %get3A_61, %add3A_62 : vector<16xi32>
    %swap3A_64 = arith.constant 32 : index
    %swap3A_65 = tpu.vector_load %arg9[%swap3A_64] {strides = array<i32>} : memref<80xi32, #tpu.memory_space<vmem>>, vector<16xi32>,
    tpu.vector_store %arg9[%swap3A_64], %add3A_63 {strides = array<i32>} : memref<80xi32, #tpu.memory_space<vmem>>, vector<16xi32>,
    %get3A_66 = arith.constant 48 : index
    %get3A_67 = tpu.vector_load %arg7[%get3A_66] {strides = array<i32>} : memref<80xi32, #tpu.memory_space<vmem>>, vector<16xi32>,
    %add3A_68 = vector.broadcast %mul3A_0 : i32 to vector<16xi32>
    %add3A_69 = arith.addi %get3A_67, %add3A_68 : vector<16xi32>
    %swap3A_70 = arith.constant 48 : index
    %swap3A_71 = tpu.vector_load %arg7[%swap3A_70] {strides = array<i32>} : memref<80xi32, #tpu.memory_space<vmem>>, vector<16xi32>,
    tpu.vector_store %arg7[%swap3A_70], %add3A_69 {strides = array<i32>} : memref<80xi32, #tpu.memory_space<vmem>>, vector<16xi32>,
    %get3A_72 = arith.constant 48 : index
    %get3A_73 = tpu.vector_load %arg8[%get3A_72] {strides = array<i32>} : memref<80xi32, #tpu.memory_space<vmem>>, vector<16xi32>,
    %add3A_74 = vector.broadcast %mul3A_0 : i32 to vector<16xi32>
    %add3A_75 = arith.addi %get3A_73, %add3A_74 : vector<16xi32>
    %swap3A_76 = arith.constant 48 : index
    %swap3A_77 = tpu.vector_load %arg9[%swap3A_76] {strides = array<i32>} : memref<80xi32, #tpu.memory_space<vmem>>, vector<16xi32>,
    tpu.vector_store %arg9[%swap3A_76], %add3A_75 {strides = array<i32>} : memref<80xi32, #tpu.memory_space<vmem>>, vector<16xi32>,
    %get3A_78 = arith.constant 64 : index
    %get3A_79 = tpu.vector_load %arg7[%get3A_78] {strides = array<i32>} : memref<80xi32, #tpu.memory_space<vmem>>, vector<16xi32>,
    %add3A_80 = vector.broadcast %mul3A_0 : i32 to vector<16xi32>
    %add3A_81 = arith.addi %get3A_79, %add3A_80 : vector<16xi32>
    %swap3A_82 = arith.constant 64 : index
    %swap3A_83 = tpu.vector_load %arg7[%swap3A_82] {strides = array<i32>} : memref<80xi32, #tpu.memory_space<vmem>>, vector<16xi32>,
    tpu.vector_store %arg7[%swap3A_82], %add3A_81 {strides = array<i32>} : memref<80xi32, #tpu.memory_space<vmem>>, vector<16xi32>,
    %get3A_84 = arith.constant 64 : index
    %get3A_85 = tpu.vector_load %arg8[%get3A_84] {strides = array<i32>} : memref<80xi32, #tpu.memory_space<vmem>>, vector<16xi32>,
    %add3A_86 = vector.broadcast %mul3A_0 : i32 to vector<16xi32>
    %add3A_87 = arith.addi %get3A_85, %add3A_86 : vector<16xi32>
    %swap3A_88 = arith.constant 64 : index
    %swap3A_89 = tpu.vector_load %arg9[%swap3A_88] {strides = array<i32>} : memref<80xi32, #tpu.memory_space<vmem>>, vector<16xi32>,
    tpu.vector_store %arg9[%swap3A_88], %add3A_87 {strides = array<i32>} : memref<80xi32, #tpu.memory_space<vmem>>, vector<16xi32>,
    %dma_start3A_90 = arith.constant 0 : i32
    %dma_start3A_91 = arith.constant 0 : i32
    %dma_start3A_92 = tpu.memref_slice %arg2[%dma_start3A_90, %dma_start3A_91] : memref<20000x128xf32, #tpu.memory_space<hbm>> -> memref<20000x128xf32, #tpu.memory_space<hbm>>
    tpu.enqueue_indirect_dma source(%dma_start3A_92 : memref<20000x128xf32, #tpu.memory_space<hbm>>) target(%arg15 : memref<80x128xf32, #tpu.memory_space<vmem>>) offsets(%arg7 : memref<80xi32, #tpu.memory_space<vmem>>) semaphore(%arg24 : memref<!tpu.dma_semaphore, #tpu.memory_space<semaphore_mem>>)
    %dma_start3A_93 = arith.constant 0 : i32
    %dma_start3A_94 = arith.constant 0 : i32
    %dma_start3A_95 = tpu.memref_slice %arg3[%dma_start3A_93, %dma_start3A_94] : memref<20000x64xf32, #tpu.memory_space<hbm>> -> memref<20000x64xf32, #tpu.memory_space<hbm>>
    tpu.enqueue_indirect_dma source(%dma_start3A_95 : memref<20000x64xf32, #tpu.memory_space<hbm>>) target(%arg16 : memref<80x64xf32, #tpu.memory_space<vmem>>) offsets(%arg9 : memref<80xi32, #tpu.memory_space<vmem>>) semaphore(%arg24 : memref<!tpu.dma_semaphore, #tpu.memory_space<semaphore_mem>>)
    %add3A_96 = arith.constant 80 : i32
    %add3A_97 = arith.addi %mul3A_19, %add3A_96 : i32
    %dma_start3A_98 = tpu.memref_slice %arg4[%add3A_97] : memref<320000xi32, #tpu.memory_space<hbm>> -> memref<80xi32, #tpu.memory_space<hbm>>
    %dma_start3A_99 = tpu.memref_slice %arg4[%add3A_97] : memref<320000xi32, #tpu.memory_space<hbm>> -> memref<80xi32, #tpu.memory_space<hbm>>
    tpu.enqueue_dma source(%dma_start3A_99 : memref<80xi32, #tpu.memory_space<hbm>>) target(%arg10 : memref<80xi32, #tpu.memory_space<vmem>>) target_semaphore(%arg23 : memref<!tpu.dma_semaphore, #tpu.memory_space<semaphore_mem>>)
    %dma_start3A_100 = tpu.memref_slice %arg5[%add3A_97] : memref<320000xi32, #tpu.memory_space<hbm>> -> memref<80xi32, #tpu.memory_space<hbm>>
    %dma_start3A_101 = tpu.memref_slice %arg5[%add3A_97] : memref<320000xi32, #tpu.memory_space<hbm>> -> memref<80xi32, #tpu.memory_space<hbm>>
    tpu.enqueue_dma source(%dma_start3A_101 : memref<80xi32, #tpu.memory_space<hbm>>) target(%arg11 : memref<80xi32, #tpu.memory_space<vmem>>) target_semaphore(%arg23 : memref<!tpu.dma_semaphore, #tpu.memory_space<semaphore_mem>>)
    %scan3A_102 = arith.constant 0 : i32
    %scan3A_103 = arith.constant 0 : i32
    %scan3A_104 = arith.constant 125 : i32
    %scan3A_105 = arith.addi %scan3A_103, %scan3A_104 : i32
    %scan3A_106 = arith.constant 1 : i32
    %scan3A_107 = scf.for %scan3A_132 = %scan3A_103 to %scan3A_105 step %scan3A_106 iter_args(%scan3A_133 = %scan3A_102) -> (i32)  : i32 {
      %mul3A_134 = arith.constant 2 : i32
      %mul3A_135 = arith.muli %mul3A_134, %scan3A_132 : i32
      %mul3A_136 = arith.constant 2 : i32
      %mul3A_137 = arith.muli %mul3A_136, %scan3A_132 : i32
      %add3A_138 = arith.constant 1 : i32
      %add3A_139 = arith.addi %mul3A_137, %add3A_138 : i32
      %dma_wait3A_140 = arith.constant 0 : i32
      %dma_wait3A_141 = arith.constant 0 : i32
      %dma_wait3A_142 = tpu.memref_slice %arg2[%dma_wait3A_140, %dma_wait3A_141] : memref<20000x128xf32, #tpu.memory_space<hbm>> -> memref<80x128xf32, #tpu.memory_space<hbm>>
      %dma_wait3A_143 = arith.constant 0 : i32
      %dma_wait3A_144 = arith.constant 0 : i32
      %dma_wait3A_145 = tpu.memref_slice %arg2[%dma_wait3A_143, %dma_wait3A_144] : memref<20000x128xf32, #tpu.memory_space<hbm>> -> memref<80x128xf32, #tpu.memory_space<hbm>>
      tpu.wait_dma2 semaphore(%arg24 : memref<!tpu.dma_semaphore, #tpu.memory_space<semaphore_mem>>) src(%dma_wait3A_145 : memref<80x128xf32, #tpu.memory_space<hbm>>) dst(%arg15 : memref<80x128xf32, #tpu.memory_space<vmem>>)
      %dma_wait3A_146 = arith.constant 0 : i32
      %dma_wait3A_147 = arith.constant 0 : i32
      %dma_wait3A_148 = tpu.memref_slice %arg3[%dma_wait3A_146, %dma_wait3A_147] : memref<20000x64xf32, #tpu.memory_space<hbm>> -> memref<80x64xf32, #tpu.memory_space<hbm>>
      %dma_wait3A_149 = arith.constant 0 : i32
      %dma_wait3A_150 = arith.constant 0 : i32
      %dma_wait3A_151 = tpu.memref_slice %arg3[%dma_wait3A_149, %dma_wait3A_150] : memref<20000x64xf32, #tpu.memory_space<hbm>> -> memref<80x64xf32, #tpu.memory_space<hbm>>
      tpu.wait_dma2 semaphore(%arg24 : memref<!tpu.dma_semaphore, #tpu.memory_space<semaphore_mem>>) src(%dma_wait3A_151 : memref<80x64xf32, #tpu.memory_space<hbm>>) dst(%arg16 : memref<80x64xf32, #tpu.memory_space<vmem>>)
      %dma_wait3A_152 = arith.constant 0 : i32
      %dma_wait3A_153 = tpu.memref_slice %arg4[%dma_wait3A_152] : memref<320000xi32, #tpu.memory_space<hbm>> -> memref<80xi32, #tpu.memory_space<hbm>>
      %dma_wait3A_154 = arith.constant 0 : i32
      %dma_wait3A_155 = tpu.memref_slice %arg4[%dma_wait3A_154] : memref<320000xi32, #tpu.memory_space<hbm>> -> memref<80xi32, #tpu.memory_space<hbm>>
      tpu.wait_dma2 semaphore(%arg23 : memref<!tpu.dma_semaphore, #tpu.memory_space<semaphore_mem>>) src(%dma_wait3A_155 : memref<80xi32, #tpu.memory_space<hbm>>) dst(%arg10 : memref<80xi32, #tpu.memory_space<vmem>>)
      %dma_wait3A_156 = arith.constant 0 : i32
      %dma_wait3A_157 = tpu.memref_slice %arg4[%dma_wait3A_156] : memref<320000xi32, #tpu.memory_space<hbm>> -> memref<80xi32, #tpu.memory_space<hbm>>
      %dma_wait3A_158 = arith.constant 0 : i32
      %dma_wait3A_159 = tpu.memref_slice %arg4[%dma_wait3A_158] : memref<320000xi32, #tpu.memory_space<hbm>> -> memref<80xi32, #tpu.memory_space<hbm>>
      tpu.wait_dma2 semaphore(%arg23 : memref<!tpu.dma_semaphore, #tpu.memory_space<semaphore_mem>>) src(%dma_wait3A_159 : memref<80xi32, #tpu.memory_space<hbm>>) dst(%arg11 : memref<80xi32, #tpu.memory_space<vmem>>)
      %get3A_160 = arith.constant 0 : index
      %get3A_161 = tpu.vector_load %arg10[%get3A_160] {strides = array<i32>} : memref<80xi32, #tpu.memory_space<vmem>>, vector<16xi32>,
      %add3A_162 = vector.broadcast %mul3A_0 : i32 to vector<16xi32>
      %add3A_163 = arith.addi %get3A_161, %add3A_162 : vector<16xi32>
      %swap3A_164 = arith.constant 0 : index
      %swap3A_165 = tpu.vector_load %arg10[%swap3A_164] {strides = array<i32>} : memref<80xi32, #tpu.memory_space<vmem>>, vector<16xi32>,
      tpu.vector_store %arg10[%swap3A_164], %add3A_163 {strides = array<i32>} : memref<80xi32, #tpu.memory_space<vmem>>, vector<16xi32>,
      %get3A_166 = arith.constant 0 : index
      %get3A_167 = tpu.vector_load %arg11[%get3A_166] {strides = array<i32>} : memref<80xi32, #tpu.memory_space<vmem>>, vector<16xi32>,
      %add3A_168 = vector.broadcast %mul3A_0 : i32 to vector<16xi32>
      %add3A_169 = arith.addi %get3A_167, %add3A_168 : vector<16xi32>
      %swap3A_170 = arith.constant 0 : index
      %swap3A_171 = tpu.vector_load %arg12[%swap3A_170] {strides = array<i32>} : memref<80xi32, #tpu.memory_space<vmem>>, vector<16xi32>,
      tpu.vector_store %arg12[%swap3A_170], %add3A_169 {strides = array<i32>} : memref<80xi32, #tpu.memory_space<vmem>>, vector<16xi32>,
      %get3A_172 = arith.constant 16 : index
      %get3A_173 = tpu.vector_load %arg10[%get3A_172] {strides = array<i32>} : memref<80xi32, #tpu.memory_space<vmem>>, vector<16xi32>,
      %add3A_174 = vector.broadcast %mul3A_0 : i32 to vector<16xi32>
      %add3A_175 = arith.addi %get3A_173, %add3A_174 : vector<16xi32>
      %swap3A_176 = arith.constant 16 : index
      %swap3A_177 = tpu.vector_load %arg10[%swap3A_176] {strides = array<i32>} : memref<80xi32, #tpu.memory_space<vmem>>, vector<16xi32>,
      tpu.vector_store %arg10[%swap3A_176], %add3A_175 {strides = array<i32>} : memref<80xi32, #tpu.memory_space<vmem>>, vector<16xi32>,
      %get3A_178 = arith.constant 16 : index
      %get3A_179 = tpu.vector_load %arg11[%get3A_178] {strides = array<i32>} : memref<80xi32, #tpu.memory_space<vmem>>, vector<16xi32>,
      %add3A_180 = vector.broadcast %mul3A_0 : i32 to vector<16xi32>
      %add3A_181 = arith.addi %get3A_179, %add3A_180 : vector<16xi32>
      %swap3A_182 = arith.constant 16 : index
      %swap3A_183 = tpu.vector_load %arg12[%swap3A_182] {strides = array<i32>} : memref<80xi32, #tpu.memory_space<vmem>>, vector<16xi32>,
      tpu.vector_store %arg12[%swap3A_182], %add3A_181 {strides = array<i32>} : memref<80xi32, #tpu.memory_space<vmem>>, vector<16xi32>,
      %get3A_184 = arith.constant 32 : index
      %get3A_185 = tpu.vector_load %arg10[%get3A_184] {strides = array<i32>} : memref<80xi32, #tpu.memory_space<vmem>>, vector<16xi32>,
      %add3A_186 = vector.broadcast %mul3A_0 : i32 to vector<16xi32>
      %add3A_187 = arith.addi %get3A_185, %add3A_186 : vector<16xi32>
      %swap3A_188 = arith.constant 32 : index
      %swap3A_189 = tpu.vector_load %arg10[%swap3A_188] {strides = array<i32>} : memref<80xi32, #tpu.memory_space<vmem>>, vector<16xi32>,
      tpu.vector_store %arg10[%swap3A_188], %add3A_187 {strides = array<i32>} : memref<80xi32, #tpu.memory_space<vmem>>, vector<16xi32>,
      %get3A_190 = arith.constant 32 : index
      %get3A_191 = tpu.vector_load %arg11[%get3A_190] {strides = array<i32>} : memref<80xi32, #tpu.memory_space<vmem>>, vector<16xi32>,
      %add3A_192 = vector.broadcast %mul3A_0 : i32 to vector<16xi32>
      %add3A_193 = arith.addi %get3A_191, %add3A_192 : vector<16xi32>
      %swap3A_194 = arith.constant 32 : index
      %swap3A_195 = tpu.vector_load %arg12[%swap3A_194] {strides = array<i32>} : memref<80xi32, #tpu.memory_space<vmem>>, vector<16xi32>,
      tpu.vector_store %arg12[%swap3A_194], %add3A_193 {strides = array<i32>} : memref<80xi32, #tpu.memory_space<vmem>>, vector<16xi32>,
      %get3A_196 = arith.constant 48 : index
      %get3A_197 = tpu.vector_load %arg10[%get3A_196] {strides = array<i32>} : memref<80xi32, #tpu.memory_space<vmem>>, vector<16xi32>,
      %add3A_198 = vector.broadcast %mul3A_0 : i32 to vector<16xi32>
      %add3A_199 = arith.addi %get3A_197, %add3A_198 : vector<16xi32>
      %swap3A_200 = arith.constant 48 : index
      %swap3A_201 = tpu.vector_load %arg10[%swap3A_200] {strides = array<i32>} : memref<80xi32, #tpu.memory_space<vmem>>, vector<16xi32>,
      tpu.vector_store %arg10[%swap3A_200], %add3A_199 {strides = array<i32>} : memref<80xi32, #tpu.memory_space<vmem>>, vector<16xi32>,
      %get3A_202 = arith.constant 48 : index
      %get3A_203 = tpu.vector_load %arg11[%get3A_202] {strides = array<i32>} : memref<80xi32, #tpu.memory_space<vmem>>, vector<16xi32>,
      %add3A_204 = vector.broadcast %mul3A_0 : i32 to vector<16xi32>
      %add3A_205 = arith.addi %get3A_203, %add3A_204 : vector<16xi32>
      %swap3A_206 = arith.constant 48 : index
      %swap3A_207 = tpu.vector_load %arg12[%swap3A_206] {strides = array<i32>} : memref<80xi32, #tpu.memory_space<vmem>>, vector<16xi32>,
      tpu.vector_store %arg12[%swap3A_206], %add3A_205 {strides = array<i32>} : memref<80xi32, #tpu.memory_space<vmem>>, vector<16xi32>,
      %get3A_208 = arith.constant 64 : index
      %get3A_209 = tpu.vector_load %arg10[%get3A_208] {strides = array<i32>} : memref<80xi32, #tpu.memory_space<vmem>>, vector<16xi32>,
      %add3A_210 = vector.broadcast %mul3A_0 : i32 to vector<16xi32>
      %add3A_211 = arith.addi %get3A_209, %add3A_210 : vector<16xi32>
      %swap3A_212 = arith.constant 64 : index
      %swap3A_213 = tpu.vector_load %arg10[%swap3A_212] {strides = array<i32>} : memref<80xi32, #tpu.memory_space<vmem>>, vector<16xi32>,
      tpu.vector_store %arg10[%swap3A_212], %add3A_211 {strides = array<i32>} : memref<80xi32, #tpu.memory_space<vmem>>, vector<16xi32>,
      %get3A_214 = arith.constant 64 : index
      %get3A_215 = tpu.vector_load %arg11[%get3A_214] {strides = array<i32>} : memref<80xi32, #tpu.memory_space<vmem>>, vector<16xi32>,
      %add3A_216 = vector.broadcast %mul3A_0 : i32 to vector<16xi32>
      %add3A_217 = arith.addi %get3A_215, %add3A_216 : vector<16xi32>
      %swap3A_218 = arith.constant 64 : index
      %swap3A_219 = tpu.vector_load %arg12[%swap3A_218] {strides = array<i32>} : memref<80xi32, #tpu.memory_space<vmem>>, vector<16xi32>,
      tpu.vector_store %arg12[%swap3A_218], %add3A_217 {strides = array<i32>} : memref<80xi32, #tpu.memory_space<vmem>>, vector<16xi32>,
      %dma_start3A_220 = arith.constant 0 : i32
      %dma_start3A_221 = arith.constant 0 : i32
      %dma_start3A_222 = tpu.memref_slice %arg2[%dma_start3A_220, %dma_start3A_221] : memref<20000x128xf32, #tpu.memory_space<hbm>> -> memref<20000x128xf32, #tpu.memory_space<hbm>>
      tpu.enqueue_indirect_dma source(%dma_start3A_222 : memref<20000x128xf32, #tpu.memory_space<hbm>>) target(%arg17 : memref<80x128xf32, #tpu.memory_space<vmem>>) offsets(%arg10 : memref<80xi32, #tpu.memory_space<vmem>>) semaphore(%arg25 : memref<!tpu.dma_semaphore, #tpu.memory_space<semaphore_mem>>)
      %dma_start3A_223 = arith.constant 0 : i32
      %dma_start3A_224 = arith.constant 0 : i32
      %dma_start3A_225 = tpu.memref_slice %arg3[%dma_start3A_223, %dma_start3A_224] : memref<20000x64xf32, #tpu.memory_space<hbm>> -> memref<20000x64xf32, #tpu.memory_space<hbm>>
      tpu.enqueue_indirect_dma source(%dma_start3A_225 : memref<20000x64xf32, #tpu.memory_space<hbm>>) target(%arg18 : memref<80x64xf32, #tpu.memory_space<vmem>>) offsets(%arg12 : memref<80xi32, #tpu.memory_space<vmem>>) semaphore(%arg25 : memref<!tpu.dma_semaphore, #tpu.memory_space<semaphore_mem>>)
      %gt3A = arith.constant 0 : i32
      %gt3A_226 = arith.cmpi sgt, %scan3A_132, %gt3A : i32
      %convert_element_type3A = arith.extui %gt3A_226 : i1 to i32
      %cond3A = arith.constant 0 : i32
      %cond3A_227 = arith.cmpi ne, %convert_element_type3A, %cond3A : i32
      scf.if %cond3A_227 {
        %dma_wait3A_311 = arith.constant 0 : i32
        %dma_wait3A_312 = arith.constant 0 : i32
        %dma_wait3A_313 = arith.constant 0 : i32
        %dma_wait3A_314 = tpu.memref_slice %arg6[%dma_wait3A_311, %dma_wait3A_312, %dma_wait3A_313] : memref<2x10000x80xf32, #tpu.memory_space<hbm>> -> memref<1x80x80xf32, #tpu.memory_space<hbm>>
        %dma_wait3A_315 = tpu.memref_squeeze %dma_wait3A_314 : memref<1x80x80xf32, #tpu.memory_space<hbm>> -> memref<80x80xf32, #tpu.memory_space<hbm>>
        %dma_wait3A_316 = arith.constant 0 : i32
        %dma_wait3A_317 = arith.constant 0 : i32
        %dma_wait3A_318 = tpu.memref_slice %arg6[%dma_wait3A_311, %dma_wait3A_316, %dma_wait3A_317] : memref<2x10000x80xf32, #tpu.memory_space<hbm>> -> memref<1x80x80xf32, #tpu.memory_space<hbm>>
        %dma_wait3A_319 = tpu.memref_squeeze %dma_wait3A_318 : memref<1x80x80xf32, #tpu.memory_space<hbm>> -> memref<80x80xf32, #tpu.memory_space<hbm>>
        tpu.wait_dma2 semaphore(%arg26 : memref<!tpu.dma_semaphore, #tpu.memory_space<semaphore_mem>>) src(%dma_wait3A_319 : memref<80x80xf32, #tpu.memory_space<hbm>>) dst(%arg19 : memref<80x80xf32, #tpu.memory_space<vmem>>)
      } else {
      }
      %parallel_loop3A = arith.constant 0 : i32
      %parallel_loop3A_228 = arith.constant 80 : i32
      %parallel_loop3A_229 = arith.constant 1 : i32
      scf.for %parallel_loop3A_311 = %parallel_loop3A to %parallel_loop3A_228 step %parallel_loop3A_229  : i32 {
        %parallel_loop3A_312 = arith.index_cast %parallel_loop3A_311 : i32 to index
        %parallel_loop3A_313 = arith.constant 0 : index
        %parallel_loop3A_314 = tpu.vector_load %arg15[%parallel_loop3A_312, %parallel_loop3A_313] {strides = array<i32>} : memref<80x128xf32, #tpu.memory_space<vmem>>, vector<16xf32>,
        %parallel_loop3A_315 = arith.index_cast %parallel_loop3A_311 : i32 to index
        %parallel_loop3A_316 = arith.constant 0 : index
        %parallel_loop3A_317 = tpu.vector_load %arg16[%parallel_loop3A_315, %parallel_loop3A_316] {strides = array<i32>} : memref<80x64xf32, #tpu.memory_space<vmem>>, vector<16xf32>,
        %parallel_loop3A_318 = arith.mulf %parallel_loop3A_314, %parallel_loop3A_317 : vector<16xf32>
        %parallel_loop3A_319 = arith.constant true
        %parallel_loop3A_320 = vector.broadcast %parallel_loop3A_319 : i1 to vector<16xi1>
        %parallel_loop3A_321 = tpu.scan <sum>, %parallel_loop3A_318 masked %parallel_loop3A_320 : vector<16xf32>, vector<16xi1> -> vector<16xf32>
        %parallel_loop3A_322 = vector.extract %parallel_loop3A_321[15] : f32 from vector<16xf32>
        %parallel_loop3A_323 = arith.constant -5.000000e+00 : f32
        %parallel_loop3A_324 = arith.constant 5.000000e+00 : f32
        %parallel_loop3A_325 = arith.maximumf %parallel_loop3A_323, %parallel_loop3A_322 : f32
        %parallel_loop3A_326 = arith.minimumf %parallel_loop3A_324, %parallel_loop3A_325 : f32
        %parallel_loop3A_327 = vector.broadcast %parallel_loop3A_326 : f32 to vector<16xf32>
        %parallel_loop3A_328 = math.exp %parallel_loop3A_327 : vector<16xf32>
        %parallel_loop3A_329 = arith.index_cast %parallel_loop3A_311 : i32 to index
        %parallel_loop3A_330 = arith.constant 64 : index
        %parallel_loop3A_331 = tpu.vector_load %arg15[%parallel_loop3A_329, %parallel_loop3A_330] {strides = array<i32>} : memref<80x128xf32, #tpu.memory_space<vmem>>, vector<16xf32>,
        %parallel_loop3A_332 = arith.mulf %parallel_loop3A_331, %parallel_loop3A_328 : vector<16xf32>
        %parallel_loop3A_333 = arith.index_cast %parallel_loop3A_311 : i32 to index
        %parallel_loop3A_334 = arith.constant 0 : index
        %parallel_loop3A_335 = tpu.vector_load %arg19[%parallel_loop3A_333, %parallel_loop3A_334] {strides = array<i32>} : memref<80x80xf32, #tpu.memory_space<vmem>>, vector<16xf32>,
        tpu.vector_store %arg19[%parallel_loop3A_333, %parallel_loop3A_334], %parallel_loop3A_332 {strides = array<i32>} : memref<80x80xf32, #tpu.memory_space<vmem>>, vector<16xf32>,
        %parallel_loop3A_336 = arith.constant 0 : i32
        %parallel_loop3A_337 = vector.broadcast %parallel_loop3A_336 : i32 to vector<16xi32>
        %parallel_loop3A_338 = arith.cmpi eq, %iota3A, %parallel_loop3A_337 : vector<16xi32>
        %parallel_loop3A_339 = arith.select %parallel_loop3A_338, %parallel_loop3A_328, %broadcast_in_dim3A_1 : vector<16xi1>, vector<16xf32>
        %parallel_loop3A_340 = arith.index_cast %parallel_loop3A_311 : i32 to index
        %parallel_loop3A_341 = arith.constant 16 : index
        %parallel_loop3A_342 = tpu.vector_load %arg15[%parallel_loop3A_340, %parallel_loop3A_341] {strides = array<i32>} : memref<80x128xf32, #tpu.memory_space<vmem>>, vector<16xf32>,
        %parallel_loop3A_343 = arith.index_cast %parallel_loop3A_311 : i32 to index
        %parallel_loop3A_344 = arith.constant 16 : index
        %parallel_loop3A_345 = tpu.vector_load %arg16[%parallel_loop3A_343, %parallel_loop3A_344] {strides = array<i32>} : memref<80x64xf32, #tpu.memory_space<vmem>>, vector<16xf32>,
        %parallel_loop3A_346 = arith.mulf %parallel_loop3A_342, %parallel_loop3A_345 : vector<16xf32>
        %parallel_loop3A_347 = arith.constant true
        %parallel_loop3A_348 = vector.broadcast %parallel_loop3A_347 : i1 to vector<16xi1>
        %parallel_loop3A_349 = tpu.scan <sum>, %parallel_loop3A_346 masked %parallel_loop3A_348 : vector<16xf32>, vector<16xi1> -> vector<16xf32>
        %parallel_loop3A_350 = vector.extract %parallel_loop3A_349[15] : f32 from vector<16xf32>
        %parallel_loop3A_351 = arith.constant -5.000000e+00 : f32
        %parallel_loop3A_352 = arith.constant 5.000000e+00 : f32
        %parallel_loop3A_353 = arith.maximumf %parallel_loop3A_351, %parallel_loop3A_350 : f32
        %parallel_loop3A_354 = arith.minimumf %parallel_loop3A_352, %parallel_loop3A_353 : f32
        %parallel_loop3A_355 = vector.broadcast %parallel_loop3A_354 : f32 to vector<16xf32>
        %parallel_loop3A_356 = math.exp %parallel_loop3A_355 : vector<16xf32>
        %parallel_loop3A_357 = arith.index_cast %parallel_loop3A_311 : i32 to index
        %parallel_loop3A_358 = arith.constant 80 : index
        %parallel_loop3A_359 = tpu.vector_load %arg15[%parallel_loop3A_357, %parallel_loop3A_358] {strides = array<i32>} : memref<80x128xf32, #tpu.memory_space<vmem>>, vector<16xf32>,
        %parallel_loop3A_360 = arith.mulf %parallel_loop3A_359, %parallel_loop3A_356 : vector<16xf32>
        %parallel_loop3A_361 = arith.index_cast %parallel_loop3A_311 : i32 to index
        %parallel_loop3A_362 = arith.constant 16 : index
        %parallel_loop3A_363 = tpu.vector_load %arg19[%parallel_loop3A_361, %parallel_loop3A_362] {strides = array<i32>} : memref<80x80xf32, #tpu.memory_space<vmem>>, vector<16xf32>,
        tpu.vector_store %arg19[%parallel_loop3A_361, %parallel_loop3A_362], %parallel_loop3A_360 {strides = array<i32>} : memref<80x80xf32, #tpu.memory_space<vmem>>, vector<16xf32>,
        %parallel_loop3A_364 = arith.constant 1 : i32
        %parallel_loop3A_365 = vector.broadcast %parallel_loop3A_364 : i32 to vector<16xi32>
        %parallel_loop3A_366 = arith.cmpi eq, %iota3A, %parallel_loop3A_365 : vector<16xi32>
        %parallel_loop3A_367 = arith.select %parallel_loop3A_366, %parallel_loop3A_356, %parallel_loop3A_339 : vector<16xi1>, vector<16xf32>
        %parallel_loop3A_368 = arith.index_cast %parallel_loop3A_311 : i32 to index
        %parallel_loop3A_369 = arith.constant 32 : index
        %parallel_loop3A_370 = tpu.vector_load %arg15[%parallel_loop3A_368, %parallel_loop3A_369] {strides = array<i32>} : memref<80x128xf32, #tpu.memory_space<vmem>>, vector<16xf32>,
        %parallel_loop3A_371 = arith.index_cast %parallel_loop3A_311 : i32 to index
        %parallel_loop3A_372 = arith.constant 32 : index
        %parallel_loop3A_373 = tpu.vector_load %arg16[%parallel_loop3A_371, %parallel_loop3A_372] {strides = array<i32>} : memref<80x64xf32, #tpu.memory_space<vmem>>, vector<16xf32>,
        %parallel_loop3A_374 = arith.mulf %parallel_loop3A_370, %parallel_loop3A_373 : vector<16xf32>
        %parallel_loop3A_375 = arith.constant true
        %parallel_loop3A_376 = vector.broadcast %parallel_loop3A_375 : i1 to vector<16xi1>
        %parallel_loop3A_377 = tpu.scan <sum>, %parallel_loop3A_374 masked %parallel_loop3A_376 : vector<16xf32>, vector<16xi1> -> vector<16xf32>
        %parallel_loop3A_378 = vector.extract %parallel_loop3A_377[15] : f32 from vector<16xf32>
        %parallel_loop3A_379 = arith.constant -5.000000e+00 : f32
        %parallel_loop3A_380 = arith.constant 5.000000e+00 : f32
        %parallel_loop3A_381 = arith.maximumf %parallel_loop3A_379, %parallel_loop3A_378 : f32
        %parallel_loop3A_382 = arith.minimumf %parallel_loop3A_380, %parallel_loop3A_381 : f32
        %parallel_loop3A_383 = vector.broadcast %parallel_loop3A_382 : f32 to vector<16xf32>
        %parallel_loop3A_384 = math.exp %parallel_loop3A_383 : vector<16xf32>
        %parallel_loop3A_385 = arith.index_cast %parallel_loop3A_311 : i32 to index
        %parallel_loop3A_386 = arith.constant 96 : index
        %parallel_loop3A_387 = tpu.vector_load %arg15[%parallel_loop3A_385, %parallel_loop3A_386] {strides = array<i32>} : memref<80x128xf32, #tpu.memory_space<vmem>>, vector<16xf32>,
        %parallel_loop3A_388 = arith.mulf %parallel_loop3A_387, %parallel_loop3A_384 : vector<16xf32>
        %parallel_loop3A_389 = arith.index_cast %parallel_loop3A_311 : i32 to index
        %parallel_loop3A_390 = arith.constant 32 : index
        %parallel_loop3A_391 = tpu.vector_load %arg19[%parallel_loop3A_389, %parallel_loop3A_390] {strides = array<i32>} : memref<80x80xf32, #tpu.memory_space<vmem>>, vector<16xf32>,
        tpu.vector_store %arg19[%parallel_loop3A_389, %parallel_loop3A_390], %parallel_loop3A_388 {strides = array<i32>} : memref<80x80xf32, #tpu.memory_space<vmem>>, vector<16xf32>,
        %parallel_loop3A_392 = arith.constant 2 : i32
        %parallel_loop3A_393 = vector.broadcast %parallel_loop3A_392 : i32 to vector<16xi32>
        %parallel_loop3A_394 = arith.cmpi eq, %iota3A, %parallel_loop3A_393 : vector<16xi32>
        %parallel_loop3A_395 = arith.select %parallel_loop3A_394, %parallel_loop3A_384, %parallel_loop3A_367 : vector<16xi1>, vector<16xf32>
        %parallel_loop3A_396 = arith.index_cast %parallel_loop3A_311 : i32 to index
        %parallel_loop3A_397 = arith.constant 48 : index
        %parallel_loop3A_398 = tpu.vector_load %arg15[%parallel_loop3A_396, %parallel_loop3A_397] {strides = array<i32>} : memref<80x128xf32, #tpu.memory_space<vmem>>, vector<16xf32>,
        %parallel_loop3A_399 = arith.index_cast %parallel_loop3A_311 : i32 to index
        %parallel_loop3A_400 = arith.constant 48 : index
        %parallel_loop3A_401 = tpu.vector_load %arg16[%parallel_loop3A_399, %parallel_loop3A_400] {strides = array<i32>} : memref<80x64xf32, #tpu.memory_space<vmem>>, vector<16xf32>,
        %parallel_loop3A_402 = arith.mulf %parallel_loop3A_398, %parallel_loop3A_401 : vector<16xf32>
        %parallel_loop3A_403 = arith.constant true
        %parallel_loop3A_404 = vector.broadcast %parallel_loop3A_403 : i1 to vector<16xi1>
        %parallel_loop3A_405 = tpu.scan <sum>, %parallel_loop3A_402 masked %parallel_loop3A_404 : vector<16xf32>, vector<16xi1> -> vector<16xf32>
        %parallel_loop3A_406 = vector.extract %parallel_loop3A_405[15] : f32 from vector<16xf32>
        %parallel_loop3A_407 = arith.constant -5.000000e+00 : f32
        %parallel_loop3A_408 = arith.constant 5.000000e+00 : f32
        %parallel_loop3A_409 = arith.maximumf %parallel_loop3A_407, %parallel_loop3A_406 : f32
        %parallel_loop3A_410 = arith.minimumf %parallel_loop3A_408, %parallel_loop3A_409 : f32
        %parallel_loop3A_411 = vector.broadcast %parallel_loop3A_410 : f32 to vector<16xf32>
        %parallel_loop3A_412 = math.exp %parallel_loop3A_411 : vector<16xf32>
        %parallel_loop3A_413 = arith.index_cast %parallel_loop3A_311 : i32 to index
        %parallel_loop3A_414 = arith.constant 112 : index
        %parallel_loop3A_415 = tpu.vector_load %arg15[%parallel_loop3A_413, %parallel_loop3A_414] {strides = array<i32>} : memref<80x128xf32, #tpu.memory_space<vmem>>, vector<16xf32>,
        %parallel_loop3A_416 = arith.mulf %parallel_loop3A_415, %parallel_loop3A_412 : vector<16xf32>
        %parallel_loop3A_417 = arith.index_cast %parallel_loop3A_311 : i32 to index
        %parallel_loop3A_418 = arith.constant 48 : index
        %parallel_loop3A_419 = tpu.vector_load %arg19[%parallel_loop3A_417, %parallel_loop3A_418] {strides = array<i32>} : memref<80x80xf32, #tpu.memory_space<vmem>>, vector<16xf32>,
        tpu.vector_store %arg19[%parallel_loop3A_417, %parallel_loop3A_418], %parallel_loop3A_416 {strides = array<i32>} : memref<80x80xf32, #tpu.memory_space<vmem>>, vector<16xf32>,
        %parallel_loop3A_420 = arith.constant 3 : i32
        %parallel_loop3A_421 = vector.broadcast %parallel_loop3A_420 : i32 to vector<16xi32>
        %parallel_loop3A_422 = arith.cmpi eq, %iota3A, %parallel_loop3A_421 : vector<16xi32>
        %parallel_loop3A_423 = arith.select %parallel_loop3A_422, %parallel_loop3A_412, %parallel_loop3A_395 : vector<16xi1>, vector<16xf32>
        %parallel_loop3A_424 = arith.index_cast %parallel_loop3A_311 : i32 to index
        %parallel_loop3A_425 = arith.constant 64 : index
        %parallel_loop3A_426 = tpu.vector_load %arg19[%parallel_loop3A_424, %parallel_loop3A_425] {strides = array<i32>} : memref<80x80xf32, #tpu.memory_space<vmem>>, vector<16xf32>,
        tpu.vector_store %arg19[%parallel_loop3A_424, %parallel_loop3A_425], %parallel_loop3A_423 {strides = array<i32>} : memref<80x80xf32, #tpu.memory_space<vmem>>, vector<16xf32>,
      } {sc.loop_unroll_factor = 4 : i64, sc.parallel_access}
      %get3A_230 = arith.constant 0 : index
      %get3A_231 = tpu.vector_load %arg8[%get3A_230] {strides = array<i32>} : memref<80xi32, #tpu.memory_space<vmem>>, vector<16xi32>,
      %swap3A_232 = arith.constant 0 : index
      %swap3A_233 = tpu.vector_load %arg13[%swap3A_232] {strides = array<i32>} : memref<80xi32, #tpu.memory_space<vmem>>, vector<16xi32>,
      tpu.vector_store %arg13[%swap3A_232], %get3A_231 {strides = array<i32>} : memref<80xi32, #tpu.memory_space<vmem>>, vector<16xi32>,
      %get3A_234 = arith.constant 16 : index
      %get3A_235 = tpu.vector_load %arg8[%get3A_234] {strides = array<i32>} : memref<80xi32, #tpu.memory_space<vmem>>, vector<16xi32>,
      %swap3A_236 = arith.constant 16 : index
      %swap3A_237 = tpu.vector_load %arg13[%swap3A_236] {strides = array<i32>} : memref<80xi32, #tpu.memory_space<vmem>>, vector<16xi32>,
      tpu.vector_store %arg13[%swap3A_236], %get3A_235 {strides = array<i32>} : memref<80xi32, #tpu.memory_space<vmem>>, vector<16xi32>,
      %get3A_238 = arith.constant 32 : index
      %get3A_239 = tpu.vector_load %arg8[%get3A_238] {strides = array<i32>} : memref<80xi32, #tpu.memory_space<vmem>>, vector<16xi32>,
      %swap3A_240 = arith.constant 32 : index
      %swap3A_241 = tpu.vector_load %arg13[%swap3A_240] {strides = array<i32>} : memref<80xi32, #tpu.memory_space<vmem>>, vector<16xi32>,
      tpu.vector_store %arg13[%swap3A_240], %get3A_239 {strides = array<i32>} : memref<80xi32, #tpu.memory_space<vmem>>, vector<16xi32>,
      %get3A_242 = arith.constant 48 : index
      %get3A_243 = tpu.vector_load %arg8[%get3A_242] {strides = array<i32>} : memref<80xi32, #tpu.memory_space<vmem>>, vector<16xi32>,
      %swap3A_244 = arith.constant 48 : index
      %swap3A_245 = tpu.vector_load %arg13[%swap3A_244] {strides = array<i32>} : memref<80xi32, #tpu.memory_space<vmem>>, vector<16xi32>,
      tpu.vector_store %arg13[%swap3A_244], %get3A_243 {strides = array<i32>} : memref<80xi32, #tpu.memory_space<vmem>>, vector<16xi32>,
      %get3A_246 = arith.constant 64 : index
      %get3A_247 = tpu.vector_load %arg8[%get3A_246] {strides = array<i32>} : memref<80xi32, #tpu.memory_space<vmem>>, vector<16xi32>,
      %swap3A_248 = arith.constant 64 : index
      %swap3A_249 = tpu.vector_load %arg13[%swap3A_248] {strides = array<i32>} : memref<80xi32, #tpu.memory_space<vmem>>, vector<16xi32>,
      tpu.vector_store %arg13[%swap3A_248], %get3A_247 {strides = array<i32>} : memref<80xi32, #tpu.memory_space<vmem>>, vector<16xi32>,
      %dma_start3A_250 = arith.constant 0 : i32
      %dma_start3A_251 = arith.constant 0 : i32
      %dma_start3A_252 = tpu.memref_slice %arg21[%dma_start3A_250, %dma_start3A_251] : memref<10000x80xf32, #tpu.memory_space<vmem_shared>> -> memref<10000x80xf32, #tpu.memory_space<vmem_shared>>
      tpu.enqueue_indirect_dma source(%arg19 : memref<80x80xf32, #tpu.memory_space<vmem>>) target(%dma_start3A_252 : memref<10000x80xf32, #tpu.memory_space<vmem_shared>>) offsets(%arg13 : memref<80xi32, #tpu.memory_space<vmem>>) semaphore(%arg26 : memref<!tpu.dma_semaphore, #tpu.memory_space<semaphore_mem>>) {add = true}
      %lt3A = arith.constant 124 : i32
      %lt3A_253 = arith.cmpi slt, %scan3A_132, %lt3A : i32
      %convert_element_type3A_254 = arith.extui %lt3A_253 : i1 to i32
      %cond3A_255 = arith.constant 0 : i32
      %cond3A_256 = arith.cmpi ne, %convert_element_type3A_254, %cond3A_255 : i32
      scf.if %cond3A_256 {
        %add3A_311 = arith.constant 2 : i32
        %add3A_312 = arith.addi %mul3A_135, %add3A_311 : i32
        %mul3A_313 = arith.constant 80 : i32
        %mul3A_314 = arith.muli %add3A_312, %mul3A_313 : i32
        %add3A_315 = arith.addi %mul3A_19, %mul3A_314 : i32
        %dma_start3A_316 = tpu.memref_slice %arg4[%add3A_315] : memref<320000xi32, #tpu.memory_space<hbm>> -> memref<80xi32, #tpu.memory_space<hbm>>
        %dma_start3A_317 = tpu.memref_slice %arg4[%add3A_315] : memref<320000xi32, #tpu.memory_space<hbm>> -> memref<80xi32, #tpu.memory_space<hbm>>
        tpu.enqueue_dma source(%dma_start3A_317 : memref<80xi32, #tpu.memory_space<hbm>>) target(%arg7 : memref<80xi32, #tpu.memory_space<vmem>>) target_semaphore(%arg22 : memref<!tpu.dma_semaphore, #tpu.memory_space<semaphore_mem>>)
        %dma_start3A_318 = tpu.memref_slice %arg5[%add3A_315] : memref<320000xi32, #tpu.memory_space<hbm>> -> memref<80xi32, #tpu.memory_space<hbm>>
        %dma_start3A_319 = tpu.memref_slice %arg5[%add3A_315] : memref<320000xi32, #tpu.memory_space<hbm>> -> memref<80xi32, #tpu.memory_space<hbm>>
        tpu.enqueue_dma source(%dma_start3A_319 : memref<80xi32, #tpu.memory_space<hbm>>) target(%arg8 : memref<80xi32, #tpu.memory_space<vmem>>) target_semaphore(%arg22 : memref<!tpu.dma_semaphore, #tpu.memory_space<semaphore_mem>>)
      } else {
      }
      %dma_wait3A_257 = arith.constant 0 : i32
      %dma_wait3A_258 = arith.constant 0 : i32
      %dma_wait3A_259 = tpu.memref_slice %arg2[%dma_wait3A_257, %dma_wait3A_258] : memref<20000x128xf32, #tpu.memory_space<hbm>> -> memref<80x128xf32, #tpu.memory_space<hbm>>
      %dma_wait3A_260 = arith.constant 0 : i32
      %dma_wait3A_261 = arith.constant 0 : i32
      %dma_wait3A_262 = tpu.memref_slice %arg2[%dma_wait3A_260, %dma_wait3A_261] : memref<20000x128xf32, #tpu.memory_space<hbm>> -> memref<80x128xf32, #tpu.memory_space<hbm>>
      tpu.wait_dma2 semaphore(%arg25 : memref<!tpu.dma_semaphore, #tpu.memory_space<semaphore_mem>>) src(%dma_wait3A_262 : memref<80x128xf32, #tpu.memory_space<hbm>>) dst(%arg17 : memref<80x128xf32, #tpu.memory_space<vmem>>)
      %dma_wait3A_263 = arith.constant 0 : i32
      %dma_wait3A_264 = arith.constant 0 : i32
      %dma_wait3A_265 = tpu.memref_slice %arg3[%dma_wait3A_263, %dma_wait3A_264] : memref<20000x64xf32, #tpu.memory_space<hbm>> -> memref<80x64xf32, #tpu.memory_space<hbm>>
      %dma_wait3A_266 = arith.constant 0 : i32
      %dma_wait3A_267 = arith.constant 0 : i32
      %dma_wait3A_268 = tpu.memref_slice %arg3[%dma_wait3A_266, %dma_wait3A_267] : memref<20000x64xf32, #tpu.memory_space<hbm>> -> memref<80x64xf32, #tpu.memory_space<hbm>>
      tpu.wait_dma2 semaphore(%arg25 : memref<!tpu.dma_semaphore, #tpu.memory_space<semaphore_mem>>) src(%dma_wait3A_268 : memref<80x64xf32, #tpu.memory_space<hbm>>) dst(%arg18 : memref<80x64xf32, #tpu.memory_space<vmem>>)
      %lt3A_269 = arith.constant 124 : i32
      %lt3A_270 = arith.cmpi slt, %scan3A_132, %lt3A_269 : i32
      %convert_element_type3A_271 = arith.extui %lt3A_270 : i1 to i32
      %cond3A_272 = arith.constant 0 : i32
      %cond3A_273 = arith.cmpi ne, %convert_element_type3A_271, %cond3A_272 : i32
      scf.if %cond3A_273 {
        %dma_wait3A_311 = arith.constant 0 : i32
        %dma_wait3A_312 = tpu.memref_slice %arg4[%dma_wait3A_311] : memref<320000xi32, #tpu.memory_space<hbm>> -> memref<80xi32, #tpu.memory_space<hbm>>
        %dma_wait3A_313 = arith.constant 0 : i32
        %dma_wait3A_314 = tpu.memref_slice %arg4[%dma_wait3A_313] : memref<320000xi32, #tpu.memory_space<hbm>> -> memref<80xi32, #tpu.memory_space<hbm>>
        tpu.wait_dma2 semaphore(%arg22 : memref<!tpu.dma_semaphore, #tpu.memory_space<semaphore_mem>>) src(%dma_wait3A_314 : memref<80xi32, #tpu.memory_space<hbm>>) dst(%arg7 : memref<80xi32, #tpu.memory_space<vmem>>)
        %dma_wait3A_315 = arith.constant 0 : i32
        %dma_wait3A_316 = tpu.memref_slice %arg4[%dma_wait3A_315] : memref<320000xi32, #tpu.memory_space<hbm>> -> memref<80xi32, #tpu.memory_space<hbm>>
        %dma_wait3A_317 = arith.constant 0 : i32
        %dma_wait3A_318 = tpu.memref_slice %arg4[%dma_wait3A_317] : memref<320000xi32, #tpu.memory_space<hbm>> -> memref<80xi32, #tpu.memory_space<hbm>>
        tpu.wait_dma2 semaphore(%arg22 : memref<!tpu.dma_semaphore, #tpu.memory_space<semaphore_mem>>) src(%dma_wait3A_318 : memref<80xi32, #tpu.memory_space<hbm>>) dst(%arg8 : memref<80xi32, #tpu.memory_space<vmem>>)
        %get3A_319 = arith.constant 0 : index
        %get3A_320 = tpu.vector_load %arg7[%get3A_319] {strides = array<i32>} : memref<80xi32, #tpu.memory_space<vmem>>, vector<16xi32>,
        %add3A_321 = vector.broadcast %mul3A_0 : i32 to vector<16xi32>
        %add3A_322 = arith.addi %get3A_320, %add3A_321 : vector<16xi32>
        %swap3A_323 = arith.constant 0 : index
        %swap3A_324 = tpu.vector_load %arg7[%swap3A_323] {strides = array<i32>} : memref<80xi32, #tpu.memory_space<vmem>>, vector<16xi32>,
        tpu.vector_store %arg7[%swap3A_323], %add3A_322 {strides = array<i32>} : memref<80xi32, #tpu.memory_space<vmem>>, vector<16xi32>,
        %get3A_325 = arith.constant 0 : index
        %get3A_326 = tpu.vector_load %arg8[%get3A_325] {strides = array<i32>} : memref<80xi32, #tpu.memory_space<vmem>>, vector<16xi32>,
        %add3A_327 = vector.broadcast %mul3A_0 : i32 to vector<16xi32>
        %add3A_328 = arith.addi %get3A_326, %add3A_327 : vector<16xi32>
        %swap3A_329 = arith.constant 0 : index
        %swap3A_330 = tpu.vector_load %arg9[%swap3A_329] {strides = array<i32>} : memref<80xi32, #tpu.memory_space<vmem>>, vector<16xi32>,
        tpu.vector_store %arg9[%swap3A_329], %add3A_328 {strides = array<i32>} : memref<80xi32, #tpu.memory_space<vmem>>, vector<16xi32>,
        %get3A_331 = arith.constant 16 : index
        %get3A_332 = tpu.vector_load %arg7[%get3A_331] {strides = array<i32>} : memref<80xi32, #tpu.memory_space<vmem>>, vector<16xi32>,
        %add3A_333 = vector.broadcast %mul3A_0 : i32 to vector<16xi32>
        %add3A_334 = arith.addi %get3A_332, %add3A_333 : vector<16xi32>
        %swap3A_335 = arith.constant 16 : index
        %swap3A_336 = tpu.vector_load %arg7[%swap3A_335] {strides = array<i32>} : memref<80xi32, #tpu.memory_space<vmem>>, vector<16xi32>,
        tpu.vector_store %arg7[%swap3A_335], %add3A_334 {strides = array<i32>} : memref<80xi32, #tpu.memory_space<vmem>>, vector<16xi32>,
        %get3A_337 = arith.constant 16 : index
        %get3A_338 = tpu.vector_load %arg8[%get3A_337] {strides = array<i32>} : memref<80xi32, #tpu.memory_space<vmem>>, vector<16xi32>,
        %add3A_339 = vector.broadcast %mul3A_0 : i32 to vector<16xi32>
        %add3A_340 = arith.addi %get3A_338, %add3A_339 : vector<16xi32>
        %swap3A_341 = arith.constant 16 : index
        %swap3A_342 = tpu.vector_load %arg9[%swap3A_341] {strides = array<i32>} : memref<80xi32, #tpu.memory_space<vmem>>, vector<16xi32>,
        tpu.vector_store %arg9[%swap3A_341], %add3A_340 {strides = array<i32>} : memref<80xi32, #tpu.memory_space<vmem>>, vector<16xi32>,
        %get3A_343 = arith.constant 32 : index
        %get3A_344 = tpu.vector_load %arg7[%get3A_343] {strides = array<i32>} : memref<80xi32, #tpu.memory_space<vmem>>, vector<16xi32>,
        %add3A_345 = vector.broadcast %mul3A_0 : i32 to vector<16xi32>
        %add3A_346 = arith.addi %get3A_344, %add3A_345 : vector<16xi32>
        %swap3A_347 = arith.constant 32 : index
        %swap3A_348 = tpu.vector_load %arg7[%swap3A_347] {strides = array<i32>} : memref<80xi32, #tpu.memory_space<vmem>>, vector<16xi32>,
        tpu.vector_store %arg7[%swap3A_347], %add3A_346 {strides = array<i32>} : memref<80xi32, #tpu.memory_space<vmem>>, vector<16xi32>,
        %get3A_349 = arith.constant 32 : index
        %get3A_350 = tpu.vector_load %arg8[%get3A_349] {strides = array<i32>} : memref<80xi32, #tpu.memory_space<vmem>>, vector<16xi32>,
        %add3A_351 = vector.broadcast %mul3A_0 : i32 to vector<16xi32>
        %add3A_352 = arith.addi %get3A_350, %add3A_351 : vector<16xi32>
        %swap3A_353 = arith.constant 32 : index
        %swap3A_354 = tpu.vector_load %arg9[%swap3A_353] {strides = array<i32>} : memref<80xi32, #tpu.memory_space<vmem>>, vector<16xi32>,
        tpu.vector_store %arg9[%swap3A_353], %add3A_352 {strides = array<i32>} : memref<80xi32, #tpu.memory_space<vmem>>, vector<16xi32>,
        %get3A_355 = arith.constant 48 : index
        %get3A_356 = tpu.vector_load %arg7[%get3A_355] {strides = array<i32>} : memref<80xi32, #tpu.memory_space<vmem>>, vector<16xi32>,
        %add3A_357 = vector.broadcast %mul3A_0 : i32 to vector<16xi32>
        %add3A_358 = arith.addi %get3A_356, %add3A_357 : vector<16xi32>
        %swap3A_359 = arith.constant 48 : index
        %swap3A_360 = tpu.vector_load %arg7[%swap3A_359] {strides = array<i32>} : memref<80xi32, #tpu.memory_space<vmem>>, vector<16xi32>,
        tpu.vector_store %arg7[%swap3A_359], %add3A_358 {strides = array<i32>} : memref<80xi32, #tpu.memory_space<vmem>>, vector<16xi32>,
        %get3A_361 = arith.constant 48 : index
        %get3A_362 = tpu.vector_load %arg8[%get3A_361] {strides = array<i32>} : memref<80xi32, #tpu.memory_space<vmem>>, vector<16xi32>,
        %add3A_363 = vector.broadcast %mul3A_0 : i32 to vector<16xi32>
        %add3A_364 = arith.addi %get3A_362, %add3A_363 : vector<16xi32>
        %swap3A_365 = arith.constant 48 : index
        %swap3A_366 = tpu.vector_load %arg9[%swap3A_365] {strides = array<i32>} : memref<80xi32, #tpu.memory_space<vmem>>, vector<16xi32>,
        tpu.vector_store %arg9[%swap3A_365], %add3A_364 {strides = array<i32>} : memref<80xi32, #tpu.memory_space<vmem>>, vector<16xi32>,
        %get3A_367 = arith.constant 64 : index
        %get3A_368 = tpu.vector_load %arg7[%get3A_367] {strides = array<i32>} : memref<80xi32, #tpu.memory_space<vmem>>, vector<16xi32>,
        %add3A_369 = vector.broadcast %mul3A_0 : i32 to vector<16xi32>
        %add3A_370 = arith.addi %get3A_368, %add3A_369 : vector<16xi32>
        %swap3A_371 = arith.constant 64 : index
        %swap3A_372 = tpu.vector_load %arg7[%swap3A_371] {strides = array<i32>} : memref<80xi32, #tpu.memory_space<vmem>>, vector<16xi32>,
        tpu.vector_store %arg7[%swap3A_371], %add3A_370 {strides = array<i32>} : memref<80xi32, #tpu.memory_space<vmem>>, vector<16xi32>,
        %get3A_373 = arith.constant 64 : index
        %get3A_374 = tpu.vector_load %arg8[%get3A_373] {strides = array<i32>} : memref<80xi32, #tpu.memory_space<vmem>>, vector<16xi32>,
        %add3A_375 = vector.broadcast %mul3A_0 : i32 to vector<16xi32>
        %add3A_376 = arith.addi %get3A_374, %add3A_375 : vector<16xi32>
        %swap3A_377 = arith.constant 64 : index
        %swap3A_378 = tpu.vector_load %arg9[%swap3A_377] {strides = array<i32>} : memref<80xi32, #tpu.memory_space<vmem>>, vector<16xi32>,
        tpu.vector_store %arg9[%swap3A_377], %add3A_376 {strides = array<i32>} : memref<80xi32, #tpu.memory_space<vmem>>, vector<16xi32>,
        %dma_start3A_379 = arith.constant 0 : i32
        %dma_start3A_380 = arith.constant 0 : i32
        %dma_start3A_381 = tpu.memref_slice %arg2[%dma_start3A_379, %dma_start3A_380] : memref<20000x128xf32, #tpu.memory_space<hbm>> -> memref<20000x128xf32, #tpu.memory_space<hbm>>
        tpu.enqueue_indirect_dma source(%dma_start3A_381 : memref<20000x128xf32, #tpu.memory_space<hbm>>) target(%arg15 : memref<80x128xf32, #tpu.memory_space<vmem>>) offsets(%arg7 : memref<80xi32, #tpu.memory_space<vmem>>) semaphore(%arg24 : memref<!tpu.dma_semaphore, #tpu.memory_space<semaphore_mem>>)
        %dma_start3A_382 = arith.constant 0 : i32
        %dma_start3A_383 = arith.constant 0 : i32
        %dma_start3A_384 = tpu.memref_slice %arg3[%dma_start3A_382, %dma_start3A_383] : memref<20000x64xf32, #tpu.memory_space<hbm>> -> memref<20000x64xf32, #tpu.memory_space<hbm>>
        tpu.enqueue_indirect_dma source(%dma_start3A_384 : memref<20000x64xf32, #tpu.memory_space<hbm>>) target(%arg16 : memref<80x64xf32, #tpu.memory_space<vmem>>) offsets(%arg9 : memref<80xi32, #tpu.memory_space<vmem>>) semaphore(%arg24 : memref<!tpu.dma_semaphore, #tpu.memory_space<semaphore_mem>>)
      } else {
      }
      %gt3A_274 = arith.constant 0 : i32
      %gt3A_275 = arith.cmpi sgt, %scan3A_132, %gt3A_274 : i32
      %convert_element_type3A_276 = arith.extui %gt3A_275 : i1 to i32
      %cond3A_277 = arith.constant 0 : i32
      %cond3A_278 = arith.cmpi ne, %convert_element_type3A_276, %cond3A_277 : i32
      scf.if %cond3A_278 {
        %dma_wait3A_311 = arith.constant 0 : i32
        %dma_wait3A_312 = arith.constant 0 : i32
        %dma_wait3A_313 = arith.constant 0 : i32
        %dma_wait3A_314 = tpu.memref_slice %arg6[%dma_wait3A_311, %dma_wait3A_312, %dma_wait3A_313] : memref<2x10000x80xf32, #tpu.memory_space<hbm>> -> memref<1x80x80xf32, #tpu.memory_space<hbm>>
        %dma_wait3A_315 = tpu.memref_squeeze %dma_wait3A_314 : memref<1x80x80xf32, #tpu.memory_space<hbm>> -> memref<80x80xf32, #tpu.memory_space<hbm>>
        %dma_wait3A_316 = arith.constant 0 : i32
        %dma_wait3A_317 = arith.constant 0 : i32
        %dma_wait3A_318 = tpu.memref_slice %arg6[%dma_wait3A_311, %dma_wait3A_316, %dma_wait3A_317] : memref<2x10000x80xf32, #tpu.memory_space<hbm>> -> memref<1x80x80xf32, #tpu.memory_space<hbm>>
        %dma_wait3A_319 = tpu.memref_squeeze %dma_wait3A_318 : memref<1x80x80xf32, #tpu.memory_space<hbm>> -> memref<80x80xf32, #tpu.memory_space<hbm>>
        tpu.wait_dma2 semaphore(%arg26 : memref<!tpu.dma_semaphore, #tpu.memory_space<semaphore_mem>>) src(%dma_wait3A_319 : memref<80x80xf32, #tpu.memory_space<hbm>>) dst(%arg19 : memref<80x80xf32, #tpu.memory_space<vmem>>)
      } else {
      }
      %parallel_loop3A_279 = arith.constant 0 : i32
      %parallel_loop3A_280 = arith.constant 80 : i32
      %parallel_loop3A_281 = arith.constant 1 : i32
      scf.for %parallel_loop3A_311 = %parallel_loop3A_279 to %parallel_loop3A_280 step %parallel_loop3A_281  : i32 {
        %parallel_loop3A_312 = arith.index_cast %parallel_loop3A_311 : i32 to index
        %parallel_loop3A_313 = arith.constant 0 : index
        %parallel_loop3A_314 = tpu.vector_load %arg17[%parallel_loop3A_312, %parallel_loop3A_313] {strides = array<i32>} : memref<80x128xf32, #tpu.memory_space<vmem>>, vector<16xf32>,
        %parallel_loop3A_315 = arith.index_cast %parallel_loop3A_311 : i32 to index
        %parallel_loop3A_316 = arith.constant 0 : index
        %parallel_loop3A_317 = tpu.vector_load %arg18[%parallel_loop3A_315, %parallel_loop3A_316] {strides = array<i32>} : memref<80x64xf32, #tpu.memory_space<vmem>>, vector<16xf32>,
        %parallel_loop3A_318 = arith.mulf %parallel_loop3A_314, %parallel_loop3A_317 : vector<16xf32>
        %parallel_loop3A_319 = arith.constant true
        %parallel_loop3A_320 = vector.broadcast %parallel_loop3A_319 : i1 to vector<16xi1>
        %parallel_loop3A_321 = tpu.scan <sum>, %parallel_loop3A_318 masked %parallel_loop3A_320 : vector<16xf32>, vector<16xi1> -> vector<16xf32>
        %parallel_loop3A_322 = vector.extract %parallel_loop3A_321[15] : f32 from vector<16xf32>
        %parallel_loop3A_323 = arith.constant -5.000000e+00 : f32
        %parallel_loop3A_324 = arith.constant 5.000000e+00 : f32
        %parallel_loop3A_325 = arith.maximumf %parallel_loop3A_323, %parallel_loop3A_322 : f32
        %parallel_loop3A_326 = arith.minimumf %parallel_loop3A_324, %parallel_loop3A_325 : f32
        %parallel_loop3A_327 = vector.broadcast %parallel_loop3A_326 : f32 to vector<16xf32>
        %parallel_loop3A_328 = math.exp %parallel_loop3A_327 : vector<16xf32>
        %parallel_loop3A_329 = arith.index_cast %parallel_loop3A_311 : i32 to index
        %parallel_loop3A_330 = arith.constant 64 : index
        %parallel_loop3A_331 = tpu.vector_load %arg17[%parallel_loop3A_329, %parallel_loop3A_330] {strides = array<i32>} : memref<80x128xf32, #tpu.memory_space<vmem>>, vector<16xf32>,
        %parallel_loop3A_332 = arith.mulf %parallel_loop3A_331, %parallel_loop3A_328 : vector<16xf32>
        %parallel_loop3A_333 = arith.index_cast %parallel_loop3A_311 : i32 to index
        %parallel_loop3A_334 = arith.constant 0 : index
        %parallel_loop3A_335 = tpu.vector_load %arg20[%parallel_loop3A_333, %parallel_loop3A_334] {strides = array<i32>} : memref<80x80xf32, #tpu.memory_space<vmem>>, vector<16xf32>,
        tpu.vector_store %arg20[%parallel_loop3A_333, %parallel_loop3A_334], %parallel_loop3A_332 {strides = array<i32>} : memref<80x80xf32, #tpu.memory_space<vmem>>, vector<16xf32>,
        %parallel_loop3A_336 = arith.constant 0 : i32
        %parallel_loop3A_337 = vector.broadcast %parallel_loop3A_336 : i32 to vector<16xi32>
        %parallel_loop3A_338 = arith.cmpi eq, %iota3A, %parallel_loop3A_337 : vector<16xi32>
        %parallel_loop3A_339 = arith.select %parallel_loop3A_338, %parallel_loop3A_328, %broadcast_in_dim3A_1 : vector<16xi1>, vector<16xf32>
        %parallel_loop3A_340 = arith.index_cast %parallel_loop3A_311 : i32 to index
        %parallel_loop3A_341 = arith.constant 16 : index
        %parallel_loop3A_342 = tpu.vector_load %arg17[%parallel_loop3A_340, %parallel_loop3A_341] {strides = array<i32>} : memref<80x128xf32, #tpu.memory_space<vmem>>, vector<16xf32>,
        %parallel_loop3A_343 = arith.index_cast %parallel_loop3A_311 : i32 to index
        %parallel_loop3A_344 = arith.constant 16 : index
        %parallel_loop3A_345 = tpu.vector_load %arg18[%parallel_loop3A_343, %parallel_loop3A_344] {strides = array<i32>} : memref<80x64xf32, #tpu.memory_space<vmem>>, vector<16xf32>,
        %parallel_loop3A_346 = arith.mulf %parallel_loop3A_342, %parallel_loop3A_345 : vector<16xf32>
        %parallel_loop3A_347 = arith.constant true
        %parallel_loop3A_348 = vector.broadcast %parallel_loop3A_347 : i1 to vector<16xi1>
        %parallel_loop3A_349 = tpu.scan <sum>, %parallel_loop3A_346 masked %parallel_loop3A_348 : vector<16xf32>, vector<16xi1> -> vector<16xf32>
        %parallel_loop3A_350 = vector.extract %parallel_loop3A_349[15] : f32 from vector<16xf32>
        %parallel_loop3A_351 = arith.constant -5.000000e+00 : f32
        %parallel_loop3A_352 = arith.constant 5.000000e+00 : f32
        %parallel_loop3A_353 = arith.maximumf %parallel_loop3A_351, %parallel_loop3A_350 : f32
        %parallel_loop3A_354 = arith.minimumf %parallel_loop3A_352, %parallel_loop3A_353 : f32
        %parallel_loop3A_355 = vector.broadcast %parallel_loop3A_354 : f32 to vector<16xf32>
        %parallel_loop3A_356 = math.exp %parallel_loop3A_355 : vector<16xf32>
        %parallel_loop3A_357 = arith.index_cast %parallel_loop3A_311 : i32 to index
        %parallel_loop3A_358 = arith.constant 80 : index
        %parallel_loop3A_359 = tpu.vector_load %arg17[%parallel_loop3A_357, %parallel_loop3A_358] {strides = array<i32>} : memref<80x128xf32, #tpu.memory_space<vmem>>, vector<16xf32>,
        %parallel_loop3A_360 = arith.mulf %parallel_loop3A_359, %parallel_loop3A_356 : vector<16xf32>
        %parallel_loop3A_361 = arith.index_cast %parallel_loop3A_311 : i32 to index
        %parallel_loop3A_362 = arith.constant 16 : index
        %parallel_loop3A_363 = tpu.vector_load %arg20[%parallel_loop3A_361, %parallel_loop3A_362] {strides = array<i32>} : memref<80x80xf32, #tpu.memory_space<vmem>>, vector<16xf32>,
        tpu.vector_store %arg20[%parallel_loop3A_361, %parallel_loop3A_362], %parallel_loop3A_360 {strides = array<i32>} : memref<80x80xf32, #tpu.memory_space<vmem>>, vector<16xf32>,
        %parallel_loop3A_364 = arith.constant 1 : i32
        %parallel_loop3A_365 = vector.broadcast %parallel_loop3A_364 : i32 to vector<16xi32>
        %parallel_loop3A_366 = arith.cmpi eq, %iota3A, %parallel_loop3A_365 : vector<16xi32>
        %parallel_loop3A_367 = arith.select %parallel_loop3A_366, %parallel_loop3A_356, %parallel_loop3A_339 : vector<16xi1>, vector<16xf32>
        %parallel_loop3A_368 = arith.index_cast %parallel_loop3A_311 : i32 to index
        %parallel_loop3A_369 = arith.constant 32 : index
        %parallel_loop3A_370 = tpu.vector_load %arg17[%parallel_loop3A_368, %parallel_loop3A_369] {strides = array<i32>} : memref<80x128xf32, #tpu.memory_space<vmem>>, vector<16xf32>,
        %parallel_loop3A_371 = arith.index_cast %parallel_loop3A_311 : i32 to index
        %parallel_loop3A_372 = arith.constant 32 : index
        %parallel_loop3A_373 = tpu.vector_load %arg18[%parallel_loop3A_371, %parallel_loop3A_372] {strides = array<i32>} : memref<80x64xf32, #tpu.memory_space<vmem>>, vector<16xf32>,
        %parallel_loop3A_374 = arith.mulf %parallel_loop3A_370, %parallel_loop3A_373 : vector<16xf32>
        %parallel_loop3A_375 = arith.constant true
        %parallel_loop3A_376 = vector.broadcast %parallel_loop3A_375 : i1 to vector<16xi1>
        %parallel_loop3A_377 = tpu.scan <sum>, %parallel_loop3A_374 masked %parallel_loop3A_376 : vector<16xf32>, vector<16xi1> -> vector<16xf32>
        %parallel_loop3A_378 = vector.extract %parallel_loop3A_377[15] : f32 from vector<16xf32>
        %parallel_loop3A_379 = arith.constant -5.000000e+00 : f32
        %parallel_loop3A_380 = arith.constant 5.000000e+00 : f32
        %parallel_loop3A_381 = arith.maximumf %parallel_loop3A_379, %parallel_loop3A_378 : f32
        %parallel_loop3A_382 = arith.minimumf %parallel_loop3A_380, %parallel_loop3A_381 : f32
        %parallel_loop3A_383 = vector.broadcast %parallel_loop3A_382 : f32 to vector<16xf32>
        %parallel_loop3A_384 = math.exp %parallel_loop3A_383 : vector<16xf32>
        %parallel_loop3A_385 = arith.index_cast %parallel_loop3A_311 : i32 to index
        %parallel_loop3A_386 = arith.constant 96 : index
        %parallel_loop3A_387 = tpu.vector_load %arg17[%parallel_loop3A_385, %parallel_loop3A_386] {strides = array<i32>} : memref<80x128xf32, #tpu.memory_space<vmem>>, vector<16xf32>,
        %parallel_loop3A_388 = arith.mulf %parallel_loop3A_387, %parallel_loop3A_384 : vector<16xf32>
        %parallel_loop3A_389 = arith.index_cast %parallel_loop3A_311 : i32 to index
        %parallel_loop3A_390 = arith.constant 32 : index
        %parallel_loop3A_391 = tpu.vector_load %arg20[%parallel_loop3A_389, %parallel_loop3A_390] {strides = array<i32>} : memref<80x80xf32, #tpu.memory_space<vmem>>, vector<16xf32>,
        tpu.vector_store %arg20[%parallel_loop3A_389, %parallel_loop3A_390], %parallel_loop3A_388 {strides = array<i32>} : memref<80x80xf32, #tpu.memory_space<vmem>>, vector<16xf32>,
        %parallel_loop3A_392 = arith.constant 2 : i32
        %parallel_loop3A_393 = vector.broadcast %parallel_loop3A_392 : i32 to vector<16xi32>
        %parallel_loop3A_394 = arith.cmpi eq, %iota3A, %parallel_loop3A_393 : vector<16xi32>
        %parallel_loop3A_395 = arith.select %parallel_loop3A_394, %parallel_loop3A_384, %parallel_loop3A_367 : vector<16xi1>, vector<16xf32>
        %parallel_loop3A_396 = arith.index_cast %parallel_loop3A_311 : i32 to index
        %parallel_loop3A_397 = arith.constant 48 : index
        %parallel_loop3A_398 = tpu.vector_load %arg17[%parallel_loop3A_396, %parallel_loop3A_397] {strides = array<i32>} : memref<80x128xf32, #tpu.memory_space<vmem>>, vector<16xf32>,
        %parallel_loop3A_399 = arith.index_cast %parallel_loop3A_311 : i32 to index
        %parallel_loop3A_400 = arith.constant 48 : index
        %parallel_loop3A_401 = tpu.vector_load %arg18[%parallel_loop3A_399, %parallel_loop3A_400] {strides = array<i32>} : memref<80x64xf32, #tpu.memory_space<vmem>>, vector<16xf32>,
        %parallel_loop3A_402 = arith.mulf %parallel_loop3A_398, %parallel_loop3A_401 : vector<16xf32>
        %parallel_loop3A_403 = arith.constant true
        %parallel_loop3A_404 = vector.broadcast %parallel_loop3A_403 : i1 to vector<16xi1>
        %parallel_loop3A_405 = tpu.scan <sum>, %parallel_loop3A_402 masked %parallel_loop3A_404 : vector<16xf32>, vector<16xi1> -> vector<16xf32>
        %parallel_loop3A_406 = vector.extract %parallel_loop3A_405[15] : f32 from vector<16xf32>
        %parallel_loop3A_407 = arith.constant -5.000000e+00 : f32
        %parallel_loop3A_408 = arith.constant 5.000000e+00 : f32
        %parallel_loop3A_409 = arith.maximumf %parallel_loop3A_407, %parallel_loop3A_406 : f32
        %parallel_loop3A_410 = arith.minimumf %parallel_loop3A_408, %parallel_loop3A_409 : f32
        %parallel_loop3A_411 = vector.broadcast %parallel_loop3A_410 : f32 to vector<16xf32>
        %parallel_loop3A_412 = math.exp %parallel_loop3A_411 : vector<16xf32>
        %parallel_loop3A_413 = arith.index_cast %parallel_loop3A_311 : i32 to index
        %parallel_loop3A_414 = arith.constant 112 : index
        %parallel_loop3A_415 = tpu.vector_load %arg17[%parallel_loop3A_413, %parallel_loop3A_414] {strides = array<i32>} : memref<80x128xf32, #tpu.memory_space<vmem>>, vector<16xf32>,
        %parallel_loop3A_416 = arith.mulf %parallel_loop3A_415, %parallel_loop3A_412 : vector<16xf32>
        %parallel_loop3A_417 = arith.index_cast %parallel_loop3A_311 : i32 to index
        %parallel_loop3A_418 = arith.constant 48 : index
        %parallel_loop3A_419 = tpu.vector_load %arg20[%parallel_loop3A_417, %parallel_loop3A_418] {strides = array<i32>} : memref<80x80xf32, #tpu.memory_space<vmem>>, vector<16xf32>,
        tpu.vector_store %arg20[%parallel_loop3A_417, %parallel_loop3A_418], %parallel_loop3A_416 {strides = array<i32>} : memref<80x80xf32, #tpu.memory_space<vmem>>, vector<16xf32>,
        %parallel_loop3A_420 = arith.constant 3 : i32
        %parallel_loop3A_421 = vector.broadcast %parallel_loop3A_420 : i32 to vector<16xi32>
        %parallel_loop3A_422 = arith.cmpi eq, %iota3A, %parallel_loop3A_421 : vector<16xi32>
        %parallel_loop3A_423 = arith.select %parallel_loop3A_422, %parallel_loop3A_412, %parallel_loop3A_395 : vector<16xi1>, vector<16xf32>
        %parallel_loop3A_424 = arith.index_cast %parallel_loop3A_311 : i32 to index
        %parallel_loop3A_425 = arith.constant 64 : index
        %parallel_loop3A_426 = tpu.vector_load %arg20[%parallel_loop3A_424, %parallel_loop3A_425] {strides = array<i32>} : memref<80x80xf32, #tpu.memory_space<vmem>>, vector<16xf32>,
        tpu.vector_store %arg20[%parallel_loop3A_424, %parallel_loop3A_425], %parallel_loop3A_423 {strides = array<i32>} : memref<80x80xf32, #tpu.memory_space<vmem>>, vector<16xf32>,
      } {sc.loop_unroll_factor = 4 : i64, sc.parallel_access}
      %get3A_282 = arith.constant 0 : index
      %get3A_283 = tpu.vector_load %arg11[%get3A_282] {strides = array<i32>} : memref<80xi32, #tpu.memory_space<vmem>>, vector<16xi32>,
      %swap3A_284 = arith.constant 0 : index
      %swap3A_285 = tpu.vector_load %arg14[%swap3A_284] {strides = array<i32>} : memref<80xi32, #tpu.memory_space<vmem>>, vector<16xi32>,
      tpu.vector_store %arg14[%swap3A_284], %get3A_283 {strides = array<i32>} : memref<80xi32, #tpu.memory_space<vmem>>, vector<16xi32>,
      %get3A_286 = arith.constant 16 : index
      %get3A_287 = tpu.vector_load %arg11[%get3A_286] {strides = array<i32>} : memref<80xi32, #tpu.memory_space<vmem>>, vector<16xi32>,
      %swap3A_288 = arith.constant 16 : index
      %swap3A_289 = tpu.vector_load %arg14[%swap3A_288] {strides = array<i32>} : memref<80xi32, #tpu.memory_space<vmem>>, vector<16xi32>,
      tpu.vector_store %arg14[%swap3A_288], %get3A_287 {strides = array<i32>} : memref<80xi32, #tpu.memory_space<vmem>>, vector<16xi32>,
      %get3A_290 = arith.constant 32 : index
      %get3A_291 = tpu.vector_load %arg11[%get3A_290] {strides = array<i32>} : memref<80xi32, #tpu.memory_space<vmem>>, vector<16xi32>,
      %swap3A_292 = arith.constant 32 : index
      %swap3A_293 = tpu.vector_load %arg14[%swap3A_292] {strides = array<i32>} : memref<80xi32, #tpu.memory_space<vmem>>, vector<16xi32>,
      tpu.vector_store %arg14[%swap3A_292], %get3A_291 {strides = array<i32>} : memref<80xi32, #tpu.memory_space<vmem>>, vector<16xi32>,
      %get3A_294 = arith.constant 48 : index
      %get3A_295 = tpu.vector_load %arg11[%get3A_294] {strides = array<i32>} : memref<80xi32, #tpu.memory_space<vmem>>, vector<16xi32>,
      %swap3A_296 = arith.constant 48 : index
      %swap3A_297 = tpu.vector_load %arg14[%swap3A_296] {strides = array<i32>} : memref<80xi32, #tpu.memory_space<vmem>>, vector<16xi32>,
      tpu.vector_store %arg14[%swap3A_296], %get3A_295 {strides = array<i32>} : memref<80xi32, #tpu.memory_space<vmem>>, vector<16xi32>,
      %get3A_298 = arith.constant 64 : index
      %get3A_299 = tpu.vector_load %arg11[%get3A_298] {strides = array<i32>} : memref<80xi32, #tpu.memory_space<vmem>>, vector<16xi32>,
      %swap3A_300 = arith.constant 64 : index
      %swap3A_301 = tpu.vector_load %arg14[%swap3A_300] {strides = array<i32>} : memref<80xi32, #tpu.memory_space<vmem>>, vector<16xi32>,
      tpu.vector_store %arg14[%swap3A_300], %get3A_299 {strides = array<i32>} : memref<80xi32, #tpu.memory_space<vmem>>, vector<16xi32>,
      %dma_start3A_302 = arith.constant 0 : i32
      %dma_start3A_303 = arith.constant 0 : i32
      %dma_start3A_304 = tpu.memref_slice %arg21[%dma_start3A_302, %dma_start3A_303] : memref<10000x80xf32, #tpu.memory_space<vmem_shared>> -> memref<10000x80xf32, #tpu.memory_space<vmem_shared>>
      tpu.enqueue_indirect_dma source(%arg20 : memref<80x80xf32, #tpu.memory_space<vmem>>) target(%dma_start3A_304 : memref<10000x80xf32, #tpu.memory_space<vmem_shared>>) offsets(%arg14 : memref<80xi32, #tpu.memory_space<vmem>>) semaphore(%arg26 : memref<!tpu.dma_semaphore, #tpu.memory_space<semaphore_mem>>) {add = true}
      %lt3A_305 = arith.constant 124 : i32
      %lt3A_306 = arith.cmpi slt, %scan3A_132, %lt3A_305 : i32
      %convert_element_type3A_307 = arith.extui %lt3A_306 : i1 to i32
      %cond3A_308 = arith.constant 0 : i32
      %cond3A_309 = arith.cmpi ne, %convert_element_type3A_307, %cond3A_308 : i32
      scf.if %cond3A_309 {
        %add3A_311 = arith.constant 2 : i32
        %add3A_312 = arith.addi %add3A_139, %add3A_311 : i32
        %mul3A_313 = arith.constant 80 : i32
        %mul3A_314 = arith.muli %add3A_312, %mul3A_313 : i32
        %add3A_315 = arith.addi %mul3A_19, %mul3A_314 : i32
        %dma_start3A_316 = tpu.memref_slice %arg4[%add3A_315] : memref<320000xi32, #tpu.memory_space<hbm>> -> memref<80xi32, #tpu.memory_space<hbm>>
        %dma_start3A_317 = tpu.memref_slice %arg4[%add3A_315] : memref<320000xi32, #tpu.memory_space<hbm>> -> memref<80xi32, #tpu.memory_space<hbm>>
        tpu.enqueue_dma source(%dma_start3A_317 : memref<80xi32, #tpu.memory_space<hbm>>) target(%arg10 : memref<80xi32, #tpu.memory_space<vmem>>) target_semaphore(%arg23 : memref<!tpu.dma_semaphore, #tpu.memory_space<semaphore_mem>>)
        %dma_start3A_318 = tpu.memref_slice %arg5[%add3A_315] : memref<320000xi32, #tpu.memory_space<hbm>> -> memref<80xi32, #tpu.memory_space<hbm>>
        %dma_start3A_319 = tpu.memref_slice %arg5[%add3A_315] : memref<320000xi32, #tpu.memory_space<hbm>> -> memref<80xi32, #tpu.memory_space<hbm>>
        tpu.enqueue_dma source(%dma_start3A_319 : memref<80xi32, #tpu.memory_space<hbm>>) target(%arg11 : memref<80xi32, #tpu.memory_space<vmem>>) target_semaphore(%arg23 : memref<!tpu.dma_semaphore, #tpu.memory_space<semaphore_mem>>)
      } else {
      }
      %scan3A_310 = arith.constant 0 : i32
      scf.yield %scan3A_310 : i32
    }
    %scan3A_108 = arith.constant 125 : i32
    %dma_wait3A_109 = arith.constant 0 : i32
    %dma_wait3A_110 = arith.constant 0 : i32
    %dma_wait3A_111 = arith.constant 0 : i32
    %dma_wait3A_112 = tpu.memref_slice %arg6[%dma_wait3A_109, %dma_wait3A_110, %dma_wait3A_111] : memref<2x10000x80xf32, #tpu.memory_space<hbm>> -> memref<1x80x80xf32, #tpu.memory_space<hbm>>
    %dma_wait3A_113 = tpu.memref_squeeze %dma_wait3A_112 : memref<1x80x80xf32, #tpu.memory_space<hbm>> -> memref<80x80xf32, #tpu.memory_space<hbm>>
    %dma_wait3A_114 = arith.constant 0 : i32
    %dma_wait3A_115 = arith.constant 0 : i32
    %dma_wait3A_116 = tpu.memref_slice %arg6[%dma_wait3A_109, %dma_wait3A_114, %dma_wait3A_115] : memref<2x10000x80xf32, #tpu.memory_space<hbm>> -> memref<1x80x80xf32, #tpu.memory_space<hbm>>
    %dma_wait3A_117 = tpu.memref_squeeze %dma_wait3A_116 : memref<1x80x80xf32, #tpu.memory_space<hbm>> -> memref<80x80xf32, #tpu.memory_space<hbm>>
    tpu.wait_dma2 semaphore(%arg26 : memref<!tpu.dma_semaphore, #tpu.memory_space<semaphore_mem>>) src(%dma_wait3A_117 : memref<80x80xf32, #tpu.memory_space<hbm>>) dst(%arg19 : memref<80x80xf32, #tpu.memory_space<vmem>>)
    %dma_wait3A_118 = arith.constant 0 : i32
    %dma_wait3A_119 = arith.constant 0 : i32
    %dma_wait3A_120 = arith.constant 0 : i32
    %dma_wait3A_121 = tpu.memref_slice %arg6[%dma_wait3A_118, %dma_wait3A_119, %dma_wait3A_120] : memref<2x10000x80xf32, #tpu.memory_space<hbm>> -> memref<1x80x80xf32, #tpu.memory_space<hbm>>
    %dma_wait3A_122 = tpu.memref_squeeze %dma_wait3A_121 : memref<1x80x80xf32, #tpu.memory_space<hbm>> -> memref<80x80xf32, #tpu.memory_space<hbm>>
    %dma_wait3A_123 = arith.constant 0 : i32
    %dma_wait3A_124 = arith.constant 0 : i32
    %dma_wait3A_125 = tpu.memref_slice %arg6[%dma_wait3A_118, %dma_wait3A_123, %dma_wait3A_124] : memref<2x10000x80xf32, #tpu.memory_space<hbm>> -> memref<1x80x80xf32, #tpu.memory_space<hbm>>
    %dma_wait3A_126 = tpu.memref_squeeze %dma_wait3A_125 : memref<1x80x80xf32, #tpu.memory_space<hbm>> -> memref<80x80xf32, #tpu.memory_space<hbm>>
    tpu.wait_dma2 semaphore(%arg26 : memref<!tpu.dma_semaphore, #tpu.memory_space<semaphore_mem>>) src(%dma_wait3A_126 : memref<80x80xf32, #tpu.memory_space<hbm>>) dst(%arg19 : memref<80x80xf32, #tpu.memory_space<vmem>>)
    %barrier3A_127 = arith.constant 0 : index
    tpu.barrier barrier_id(%barrier3A_127)
    %mul3A_128 = arith.constant 625 : i32
    %mul3A_129 = arith.muli %arg1, %mul3A_128 : i32
    %mul3A_130 = arith.constant 625 : i32
    %mul3A_131 = arith.muli %arg1, %mul3A_130 : i32
    "tpu.region"() ({
      %run_scoped3A = tpu.sem_alloc : memref<!tpu.dma_semaphore, #tpu.memory_space<semaphore_mem>>
      %dma_start3A_132 = arith.constant 0 : i32
      %dma_start3A_133 = tpu.memref_slice %arg6[%arg0, %mul3A_131, %dma_start3A_132] : memref<2x10000x80xf32, #tpu.memory_space<hbm>> -> memref<1x625x80xf32, #tpu.memory_space<hbm>>
      %dma_start3A_134 = tpu.memref_squeeze %dma_start3A_133 : memref<1x625x80xf32, #tpu.memory_space<hbm>> -> memref<625x80xf32, #tpu.memory_space<hbm>>
      %dma_start3A_135 = arith.constant 0 : i32
      %dma_start3A_136 = tpu.memref_slice %arg21[%mul3A_129, %dma_start3A_135] : memref<10000x80xf32, #tpu.memory_space<vmem_shared>> -> memref<625x80xf32, #tpu.memory_space<vmem_shared>>
      tpu.enqueue_dma source(%dma_start3A_136 : memref<625x80xf32, #tpu.memory_space<vmem_shared>>) target(%dma_start3A_134 : memref<625x80xf32, #tpu.memory_space<hbm>>) target_semaphore(%run_scoped3A : memref<!tpu.dma_semaphore, #tpu.memory_space<semaphore_mem>>)
      %dma_wait3A_137 = arith.constant 0 : i32
      %dma_wait3A_138 = tpu.memref_slice %arg6[%arg0, %mul3A_131, %dma_wait3A_137] : memref<2x10000x80xf32, #tpu.memory_space<hbm>> -> memref<1x625x80xf32, #tpu.memory_space<hbm>>
      %dma_wait3A_139 = tpu.memref_squeeze %dma_wait3A_138 : memref<1x625x80xf32, #tpu.memory_space<hbm>> -> memref<625x80xf32, #tpu.memory_space<hbm>>
      %dma_wait3A_140 = arith.constant 0 : i32
      %dma_wait3A_141 = tpu.memref_slice %arg21[%mul3A_129, %dma_wait3A_140] : memref<10000x80xf32, #tpu.memory_space<vmem_shared>> -> memref<625x80xf32, #tpu.memory_space<vmem_shared>>
      tpu.wait_dma2 semaphore(%run_scoped3A : memref<!tpu.dma_semaphore, #tpu.memory_space<semaphore_mem>>) src(%dma_wait3A_141 : memref<625x80xf32, #tpu.memory_space<vmem_shared>>) dst(%dma_wait3A_139 : memref<625x80xf32, #tpu.memory_space<hbm>>)
      tpu.yield
    }) : () -> ()
    return
  }
}

module attributes {stable_mosaic.version = 14 : i64} {
  func.func @_proj_body(%arg0: i32, %arg1: memref<1000x128xf32, #tpu.memory_space<vmem>>, %arg2: memref<128x128xf32, #tpu.memory_space<vmem>>, %arg3: memref<1x128xf32, #tpu.memory_space<vmem>>, %arg4: memref<128x128xf32, #tpu.memory_space<vmem>>, %arg5: memref<1x128xf32, #tpu.memory_space<vmem>>, %arg6: memref<128x128xf32, #tpu.memory_space<vmem>>, %arg7: memref<1x128xf32, #tpu.memory_space<vmem>>, %arg8: memref<2x1000x64xf32, #tpu.memory_space<vmem>>, %arg9: memref<2x1000x128xf32, #tpu.memory_space<vmem>>) attributes {dimension_semantics = [#tpu.dimension_semantics<arbitrary>], iteration_bounds = array<i64: 10>, scalar_prefetch = 0 : i64, scratch_operands = 0 : i64, tpu.core_type = #tpu.core_type<tc>, window_params = [{transform_indices = @transform_0, window_bounds = array<i64: 1000, 128>}, {pipeline_mode = #tpu.pipeline_mode<synchronous>, transform_indices = @transform_1, window_bounds = array<i64: 128, 128>}, {pipeline_mode = #tpu.pipeline_mode<synchronous>, transform_indices = @transform_2, window_bounds = array<i64: 1, 128>}, {pipeline_mode = #tpu.pipeline_mode<synchronous>, transform_indices = @transform_3, window_bounds = array<i64: 128, 128>}, {pipeline_mode = #tpu.pipeline_mode<synchronous>, transform_indices = @transform_4, window_bounds = array<i64: 1, 128>}, {pipeline_mode = #tpu.pipeline_mode<synchronous>, transform_indices = @transform_5, window_bounds = array<i64: 128, 128>}, {pipeline_mode = #tpu.pipeline_mode<synchronous>, transform_indices = @transform_6, window_bounds = array<i64: 1, 128>}, {transform_indices = @transform_7, window_bounds = array<i64: 2, 1000, 64>}, {transform_indices = @transform_8, window_bounds = array<i64: 2, 1000, 128>}]} {
    %get3A = arith.constant 0 : index
    %get3A_0 = arith.constant 0 : index
    %get3A_1 = vector.load %arg1[%get3A, %get3A_0] : memref<1000x128xf32, #tpu.memory_space<vmem>>, vector<1000x128xf32>
    %get3A_2 = arith.constant 0 : index
    %get3A_3 = arith.constant 0 : index
    %get3A_4 = vector.load %arg2[%get3A_2, %get3A_3] : memref<128x128xf32, #tpu.memory_space<vmem>>, vector<128x128xf32>
    %dot_general3A = arith.constant dense<0.000000e+00> : vector<1000x128xf32>
    %dot_general3A_5 = tpu.matmul %get3A_1, %get3A_4, %dot_general3A {dimension_numbers = #tpu.dot_dimension_numbers<[1], [0], [0], [1], [0, 0, 1, 1], [], []>, transpose_lhs_hint = false} : vector<1000x128xf32>, vector<128x128xf32>, vector<1000x128xf32> -> vector<1000x128xf32>
    %get3A_6 = arith.constant 0 : index
    %get3A_7 = arith.constant 0 : index
    %get3A_8 = vector.load %arg4[%get3A_6, %get3A_7] : memref<128x128xf32, #tpu.memory_space<vmem>>, vector<128x128xf32>
    %dot_general3A_9 = arith.constant dense<0.000000e+00> : vector<1000x128xf32>
    %dot_general3A_10 = tpu.matmul %get3A_1, %get3A_8, %dot_general3A_9 {dimension_numbers = #tpu.dot_dimension_numbers<[1], [0], [0], [1], [0, 0, 1, 1], [], []>, transpose_lhs_hint = false} : vector<1000x128xf32>, vector<128x128xf32>, vector<1000x128xf32> -> vector<1000x128xf32>
    %get3A_11 = arith.constant 0 : index
    %get3A_12 = arith.constant 0 : index
    %get3A_13 = vector.load %arg6[%get3A_11, %get3A_12] : memref<128x128xf32, #tpu.memory_space<vmem>>, vector<128x128xf32>
    %dot_general3A_14 = arith.constant dense<0.000000e+00> : vector<1000x128xf32>
    %dot_general3A_15 = tpu.matmul %get3A_1, %get3A_13, %dot_general3A_14 {dimension_numbers = #tpu.dot_dimension_numbers<[1], [0], [0], [1], [0, 0, 1, 1], [], []>, transpose_lhs_hint = false} : vector<1000x128xf32>, vector<128x128xf32>, vector<1000x128xf32> -> vector<1000x128xf32>
    %get3A_16 = arith.constant 0 : index
    %get3A_17 = arith.constant 0 : index
    %get3A_18 = vector.load %arg3[%get3A_16, %get3A_17] : memref<1x128xf32, #tpu.memory_space<vmem>>, vector<1x128xf32>
    %add3A = vector.broadcast %get3A_18 : vector<1x128xf32> to vector<1000x128xf32>
    %add3A_19 = arith.addf %dot_general3A_5, %add3A : vector<1000x128xf32>
    %mul3A = arith.constant 2.500000e-01 : f32
    %mul3A_20 = vector.broadcast %mul3A : f32 to vector<1000x128xf32>
    %mul3A_21 = arith.mulf %add3A_19, %mul3A_20 : vector<1000x128xf32>
    %get3A_22 = arith.constant 0 : index
    %get3A_23 = arith.constant 0 : index
    %get3A_24 = vector.load %arg5[%get3A_22, %get3A_23] : memref<1x128xf32, #tpu.memory_space<vmem>>, vector<1x128xf32>
    %add3A_25 = vector.broadcast %get3A_24 : vector<1x128xf32> to vector<1000x128xf32>
    %add3A_26 = arith.addf %dot_general3A_10, %add3A_25 : vector<1000x128xf32>
    %get3A_27 = arith.constant 0 : index
    %get3A_28 = arith.constant 0 : index
    %get3A_29 = vector.load %arg7[%get3A_27, %get3A_28] : memref<1x128xf32, #tpu.memory_space<vmem>>, vector<1x128xf32>
    %add3A_30 = vector.broadcast %get3A_29 : vector<1x128xf32> to vector<1000x128xf32>
    %add3A_31 = arith.addf %dot_general3A_15, %add3A_30 : vector<1000x128xf32>
    %slice3A = vector.extract_strided_slice %mul3A_21 {offsets = [0, 0], sizes = [1000, 64], strides = [1, 1]} : vector<1000x128xf32> to vector<1000x64xf32>
    %swap3A = arith.constant 0 : index
    %swap3A_32 = arith.constant 0 : index
    %swap3A_33 = arith.constant 0 : index
    %swap3A_34 = vector.load %arg8[%swap3A, %swap3A_32, %swap3A_33] : memref<2x1000x64xf32, #tpu.memory_space<vmem>>, vector<1x1000x64xf32>
    %swap3A_35 = vector.shape_cast %swap3A_34 : vector<1x1000x64xf32> to vector<1000x64xf32>
    %swap3A_36 = vector.shape_cast %slice3A : vector<1000x64xf32> to vector<1x1000x64xf32>
    tpu.vector_store %arg8[%swap3A, %swap3A_32, %swap3A_33], %swap3A_36 {strides = array<i32>} : memref<2x1000x64xf32, #tpu.memory_space<vmem>>, vector<1x1000x64xf32>,
    %slice3A_37 = vector.extract_strided_slice %add3A_26 {offsets = [0, 0], sizes = [1000, 64], strides = [1, 1]} : vector<1000x128xf32> to vector<1000x64xf32>
    %swap3A_38 = arith.constant 0 : index
    %swap3A_39 = arith.constant 0 : index
    %swap3A_40 = arith.constant 0 : index
    %swap3A_41 = vector.load %arg9[%swap3A_38, %swap3A_39, %swap3A_40] : memref<2x1000x128xf32, #tpu.memory_space<vmem>>, vector<1x1000x64xf32>
    %swap3A_42 = vector.shape_cast %swap3A_41 : vector<1x1000x64xf32> to vector<1000x64xf32>
    %swap3A_43 = vector.shape_cast %slice3A_37 : vector<1000x64xf32> to vector<1x1000x64xf32>
    tpu.vector_store %arg9[%swap3A_38, %swap3A_39, %swap3A_40], %swap3A_43 {strides = array<i32>} : memref<2x1000x128xf32, #tpu.memory_space<vmem>>, vector<1x1000x64xf32>,
    %slice3A_44 = vector.extract_strided_slice %add3A_31 {offsets = [0, 0], sizes = [1000, 64], strides = [1, 1]} : vector<1000x128xf32> to vector<1000x64xf32>
    %swap3A_45 = arith.constant 0 : index
    %swap3A_46 = arith.constant 0 : index
    %swap3A_47 = arith.constant 64 : index
    %swap3A_48 = vector.load %arg9[%swap3A_45, %swap3A_46, %swap3A_47] : memref<2x1000x128xf32, #tpu.memory_space<vmem>>, vector<1x1000x64xf32>
    %swap3A_49 = vector.shape_cast %swap3A_48 : vector<1x1000x64xf32> to vector<1000x64xf32>
    %swap3A_50 = vector.shape_cast %slice3A_44 : vector<1000x64xf32> to vector<1x1000x64xf32>
    tpu.vector_store %arg9[%swap3A_45, %swap3A_46, %swap3A_47], %swap3A_50 {strides = array<i32>} : memref<2x1000x128xf32, #tpu.memory_space<vmem>>, vector<1x1000x64xf32>,
    %slice3A_51 = vector.extract_strided_slice %mul3A_21 {offsets = [0, 64], sizes = [1000, 64], strides = [1, 1]} : vector<1000x128xf32> to vector<1000x64xf32>
    %swap3A_52 = arith.constant 1 : index
    %swap3A_53 = arith.constant 0 : index
    %swap3A_54 = arith.constant 0 : index
    %swap3A_55 = vector.load %arg8[%swap3A_52, %swap3A_53, %swap3A_54] : memref<2x1000x64xf32, #tpu.memory_space<vmem>>, vector<1x1000x64xf32>
    %swap3A_56 = vector.shape_cast %swap3A_55 : vector<1x1000x64xf32> to vector<1000x64xf32>
    %swap3A_57 = vector.shape_cast %slice3A_51 : vector<1000x64xf32> to vector<1x1000x64xf32>
    tpu.vector_store %arg8[%swap3A_52, %swap3A_53, %swap3A_54], %swap3A_57 {strides = array<i32>} : memref<2x1000x64xf32, #tpu.memory_space<vmem>>, vector<1x1000x64xf32>,
    %slice3A_58 = vector.extract_strided_slice %add3A_26 {offsets = [0, 64], sizes = [1000, 64], strides = [1, 1]} : vector<1000x128xf32> to vector<1000x64xf32>
    %swap3A_59 = arith.constant 1 : index
    %swap3A_60 = arith.constant 0 : index
    %swap3A_61 = arith.constant 0 : index
    %swap3A_62 = vector.load %arg9[%swap3A_59, %swap3A_60, %swap3A_61] : memref<2x1000x128xf32, #tpu.memory_space<vmem>>, vector<1x1000x64xf32>
    %swap3A_63 = vector.shape_cast %swap3A_62 : vector<1x1000x64xf32> to vector<1000x64xf32>
    %swap3A_64 = vector.shape_cast %slice3A_58 : vector<1000x64xf32> to vector<1x1000x64xf32>
    tpu.vector_store %arg9[%swap3A_59, %swap3A_60, %swap3A_61], %swap3A_64 {strides = array<i32>} : memref<2x1000x128xf32, #tpu.memory_space<vmem>>, vector<1x1000x64xf32>,
    %slice3A_65 = vector.extract_strided_slice %add3A_31 {offsets = [0, 64], sizes = [1000, 64], strides = [1, 1]} : vector<1000x128xf32> to vector<1000x64xf32>
    %swap3A_66 = arith.constant 1 : index
    %swap3A_67 = arith.constant 0 : index
    %swap3A_68 = arith.constant 64 : index
    %swap3A_69 = vector.load %arg9[%swap3A_66, %swap3A_67, %swap3A_68] : memref<2x1000x128xf32, #tpu.memory_space<vmem>>, vector<1x1000x64xf32>
    %swap3A_70 = vector.shape_cast %swap3A_69 : vector<1x1000x64xf32> to vector<1000x64xf32>
    %swap3A_71 = vector.shape_cast %slice3A_65 : vector<1000x64xf32> to vector<1x1000x64xf32>
    tpu.vector_store %arg9[%swap3A_66, %swap3A_67, %swap3A_68], %swap3A_71 {strides = array<i32>} : memref<2x1000x128xf32, #tpu.memory_space<vmem>>, vector<1x1000x64xf32>,
    return
  }
  func.func @transform_0(%arg0: i32) -> (i32, i32) {
    %c0_i32 = arith.constant 0 : i32
    %c0_i32_0 = arith.constant 0 : i32
    return %arg0, %c0_i32 : i32, i32
  }
  func.func @transform_1(%arg0: i32) -> (i32, i32) {
    %c0_i32 = arith.constant 0 : i32
    %c0_i32_0 = arith.constant 0 : i32
    %c0_i32_1 = arith.constant 0 : i32
    return %c0_i32, %c0_i32_0 : i32, i32
  }
  func.func @transform_2(%arg0: i32) -> (i32, i32) {
    %c0_i32 = arith.constant 0 : i32
    %c0_i32_0 = arith.constant 0 : i32
    %c0_i32_1 = arith.constant 0 : i32
    return %c0_i32, %c0_i32_0 : i32, i32
  }
  func.func @transform_3(%arg0: i32) -> (i32, i32) {
    %c0_i32 = arith.constant 0 : i32
    %c0_i32_0 = arith.constant 0 : i32
    %c0_i32_1 = arith.constant 0 : i32
    return %c0_i32, %c0_i32_0 : i32, i32
  }
  func.func @transform_4(%arg0: i32) -> (i32, i32) {
    %c0_i32 = arith.constant 0 : i32
    %c0_i32_0 = arith.constant 0 : i32
    %c0_i32_1 = arith.constant 0 : i32
    return %c0_i32, %c0_i32_0 : i32, i32
  }
  func.func @transform_5(%arg0: i32) -> (i32, i32) {
    %c0_i32 = arith.constant 0 : i32
    %c0_i32_0 = arith.constant 0 : i32
    %c0_i32_1 = arith.constant 0 : i32
    return %c0_i32, %c0_i32_0 : i32, i32
  }
  func.func @transform_6(%arg0: i32) -> (i32, i32) {
    %c0_i32 = arith.constant 0 : i32
    %c0_i32_0 = arith.constant 0 : i32
    %c0_i32_1 = arith.constant 0 : i32
    return %c0_i32, %c0_i32_0 : i32, i32
  }
  func.func @transform_7(%arg0: i32) -> (i32, i32, i32) {
    %c0_i32 = arith.constant 0 : i32
    %c0_i32_0 = arith.constant 0 : i32
    %c0_i32_1 = arith.constant 0 : i32
    return %c0_i32, %arg0, %c0_i32_0 : i32, i32, i32
  }
  func.func @transform_8(%arg0: i32) -> (i32, i32, i32) {
    %c0_i32 = arith.constant 0 : i32
    %c0_i32_0 = arith.constant 0 : i32
    %c0_i32_1 = arith.constant 0 : i32
    return %c0_i32, %arg0, %c0_i32_0 : i32, i32, i32
  }
}

module attributes {stable_mosaic.version = 14 : i64} {
  func.func @_combine_body(%arg0: i32, %arg1: memref<2x1000x80xf32, #tpu.memory_space<vmem>>, %arg2: memref<1000x128xf32, #tpu.memory_space<vmem>>) attributes {dimension_semantics = [#tpu.dimension_semantics<arbitrary>], iteration_bounds = array<i64: 10>, scalar_prefetch = 0 : i64, scratch_operands = 0 : i64, tpu.core_type = #tpu.core_type<tc>, window_params = [{transform_indices = @transform_0, window_bounds = array<i64: 2, 1000, 80>}, {transform_indices = @transform_1, window_bounds = array<i64: 1000, 128>}]} {
    %get3A = arith.constant 0 : index
    %get3A_0 = arith.constant 0 : index
    %get3A_1 = arith.constant 0 : index
    %get3A_2 = vector.load %arg1[%get3A, %get3A_0, %get3A_1] : memref<2x1000x80xf32, #tpu.memory_space<vmem>>, vector<1x1000x80xf32>
    %get3A_3 = vector.shape_cast %get3A_2 : vector<1x1000x80xf32> to vector<1000x80xf32>
    %slice3A = vector.extract_strided_slice %get3A_3 {offsets = [0, 0], sizes = [1000, 16], strides = [1, 1]} : vector<1000x80xf32> to vector<1000x16xf32>
    %slice3A_4 = vector.extract_strided_slice %get3A_3 {offsets = [0, 64], sizes = [1000, 1], strides = [1, 1]} : vector<1000x80xf32> to vector<1000x1xf32>
    %div3A = vector.broadcast %slice3A_4 : vector<1000x1xf32> to vector<1000x16xf32>
    %div3A_5 = arith.divf %slice3A, %div3A : vector<1000x16xf32>
    %slice3A_6 = vector.extract_strided_slice %get3A_3 {offsets = [0, 16], sizes = [1000, 16], strides = [1, 1]} : vector<1000x80xf32> to vector<1000x16xf32>
    %slice3A_7 = vector.extract_strided_slice %get3A_3 {offsets = [0, 65], sizes = [1000, 1], strides = [1, 1]} : vector<1000x80xf32> to vector<1000x1xf32>
    %div3A_8 = vector.broadcast %slice3A_7 : vector<1000x1xf32> to vector<1000x16xf32>
    %div3A_9 = arith.divf %slice3A_6, %div3A_8 : vector<1000x16xf32>
    %slice3A_10 = vector.extract_strided_slice %get3A_3 {offsets = [0, 32], sizes = [1000, 16], strides = [1, 1]} : vector<1000x80xf32> to vector<1000x16xf32>
    %slice3A_11 = vector.extract_strided_slice %get3A_3 {offsets = [0, 66], sizes = [1000, 1], strides = [1, 1]} : vector<1000x80xf32> to vector<1000x1xf32>
    %div3A_12 = vector.broadcast %slice3A_11 : vector<1000x1xf32> to vector<1000x16xf32>
    %div3A_13 = arith.divf %slice3A_10, %div3A_12 : vector<1000x16xf32>
    %slice3A_14 = vector.extract_strided_slice %get3A_3 {offsets = [0, 48], sizes = [1000, 16], strides = [1, 1]} : vector<1000x80xf32> to vector<1000x16xf32>
    %slice3A_15 = vector.extract_strided_slice %get3A_3 {offsets = [0, 67], sizes = [1000, 1], strides = [1, 1]} : vector<1000x80xf32> to vector<1000x1xf32>
    %div3A_16 = vector.broadcast %slice3A_15 : vector<1000x1xf32> to vector<1000x16xf32>
    %div3A_17 = arith.divf %slice3A_14, %div3A_16 : vector<1000x16xf32>
    %get3A_18 = arith.constant 1 : index
    %get3A_19 = arith.constant 0 : index
    %get3A_20 = arith.constant 0 : index
    %get3A_21 = vector.load %arg1[%get3A_18, %get3A_19, %get3A_20] : memref<2x1000x80xf32, #tpu.memory_space<vmem>>, vector<1x1000x80xf32>
    %get3A_22 = vector.shape_cast %get3A_21 : vector<1x1000x80xf32> to vector<1000x80xf32>
    %slice3A_23 = vector.extract_strided_slice %get3A_22 {offsets = [0, 0], sizes = [1000, 16], strides = [1, 1]} : vector<1000x80xf32> to vector<1000x16xf32>
    %slice3A_24 = vector.extract_strided_slice %get3A_22 {offsets = [0, 64], sizes = [1000, 1], strides = [1, 1]} : vector<1000x80xf32> to vector<1000x1xf32>
    %div3A_25 = vector.broadcast %slice3A_24 : vector<1000x1xf32> to vector<1000x16xf32>
    %div3A_26 = arith.divf %slice3A_23, %div3A_25 : vector<1000x16xf32>
    %slice3A_27 = vector.extract_strided_slice %get3A_22 {offsets = [0, 16], sizes = [1000, 16], strides = [1, 1]} : vector<1000x80xf32> to vector<1000x16xf32>
    %slice3A_28 = vector.extract_strided_slice %get3A_22 {offsets = [0, 65], sizes = [1000, 1], strides = [1, 1]} : vector<1000x80xf32> to vector<1000x1xf32>
    %div3A_29 = vector.broadcast %slice3A_28 : vector<1000x1xf32> to vector<1000x16xf32>
    %div3A_30 = arith.divf %slice3A_27, %div3A_29 : vector<1000x16xf32>
    %slice3A_31 = vector.extract_strided_slice %get3A_22 {offsets = [0, 32], sizes = [1000, 16], strides = [1, 1]} : vector<1000x80xf32> to vector<1000x16xf32>
    %slice3A_32 = vector.extract_strided_slice %get3A_22 {offsets = [0, 66], sizes = [1000, 1], strides = [1, 1]} : vector<1000x80xf32> to vector<1000x1xf32>
    %div3A_33 = vector.broadcast %slice3A_32 : vector<1000x1xf32> to vector<1000x16xf32>
    %div3A_34 = arith.divf %slice3A_31, %div3A_33 : vector<1000x16xf32>
    %slice3A_35 = vector.extract_strided_slice %get3A_22 {offsets = [0, 48], sizes = [1000, 16], strides = [1, 1]} : vector<1000x80xf32> to vector<1000x16xf32>
    %slice3A_36 = vector.extract_strided_slice %get3A_22 {offsets = [0, 67], sizes = [1000, 1], strides = [1, 1]} : vector<1000x80xf32> to vector<1000x1xf32>
    %div3A_37 = vector.broadcast %slice3A_36 : vector<1000x1xf32> to vector<1000x16xf32>
    %div3A_38 = arith.divf %slice3A_35, %div3A_37 : vector<1000x16xf32>
    %concatenate3A = tpu.concatenate %div3A_5, %div3A_9, %div3A_13, %div3A_17, %div3A_26, %div3A_30, %div3A_34, %div3A_38 in 1 : vector<1000x16xf32>, vector<1000x16xf32>, vector<1000x16xf32>, vector<1000x16xf32>, vector<1000x16xf32>, vector<1000x16xf32>, vector<1000x16xf32>, vector<1000x16xf32> -> vector<1000x128xf32>
    %swap3A = arith.constant 0 : index
    %swap3A_39 = arith.constant 0 : index
    %swap3A_40 = vector.load %arg2[%swap3A, %swap3A_39] : memref<1000x128xf32, #tpu.memory_space<vmem>>, vector<1000x128xf32>
    tpu.vector_store %arg2[%swap3A, %swap3A_39], %concatenate3A {strides = array<i32>} : memref<1000x128xf32, #tpu.memory_space<vmem>>, vector<1000x128xf32>,
    return
  }
  func.func @transform_0(%arg0: i32) -> (i32, i32, i32) {
    %c0_i32 = arith.constant 0 : i32
    %c0_i32_0 = arith.constant 0 : i32
    %c0_i32_1 = arith.constant 0 : i32
    return %c0_i32, %arg0, %c0_i32_0 : i32, i32, i32
  }
  func.func @transform_1(%arg0: i32) -> (i32, i32) {
    %c0_i32 = arith.constant 0 : i32
    %c0_i32_0 = arith.constant 0 : i32
    return %arg0, %c0_i32 : i32, i32
  }
}

</mosaic_0001>

<sc_bundles>
// kernel: kernel.5.cloned.1.call-start
scs
__scs_entry_jumppad:
0x0: {  	(pc) =	sbr.rel $0x88, $3  }
0x1: {  	(tag) =	ssettag $0x0;
	lr =	simm.s32 $0x1  }
0x2: {  	[smem:$0x3F99] =	sst lr;
	_ =	strace $0xD0000000  }
0x3: {  	_ = 	snop  }
0x4: {  	_ = 	snop  }
0x5: {  	_ = 	snop  }
0x6: {  	_ = 	snop  }
0x7: {  	_ = 	snop  }
__scs_overlays_trampoline_lowered:
0x8: {  	[smem:$0x3FA8] =	sst s0  }
0x9: {  	[smem:$0x3FA9] =	sst s1  }
0xa: {  	[smem:$0x3FAA] =	sst s2  }
0xb: {  	[smem:$0x3FAB] =	sst s3  }
0xc: {  	[smem:$0x3FAC] =	sst s4  }
0xd: {  	[smem:$0x3FAD] =	sst s5  }
0xe: {  	[smem:$0x3FAE] =	sst s6  }
0xf: {  	[smem:$0x3FAF] =	sst s7  }
0x10: {  	[smem:$0x3FB0] =	sst s8  }
0x11: {  	[smem:$0x3FB1] =	sst s9;
	s0 =	simm.s32 @!p0 $0x0  }
0x12: {  	s1 =	sld [smem:$0x3F97];
	s0 =	simm.s32 @p0 $0x1  }
0x13: {  	[smem:$0x3FB2] =	sst s0;
	s0 =	simm.s32 @!p1 $0x0  }
0x14: {  	s2 =	sld [smem:$0x3F96];
	s0 =	simm.s32 @p1 $0x1  }
0x15: {  	[smem:$0x3FB3] =	sst s0;
	s0 =	simm.s32 @!p2 $0x0  }
0x16: {  	s3 =	sld [smem:$0x3FDB];
	s0 =	simm.s32 @p2 $0x1  }
0x17: {  	s4 =	simm.s32 $0x1BF5;
	[smem:$0x3FB5] =	sst s0  }
0x18: {  	s0 =	sld [smem:$0x3F98];
	_ =	swait.ge [sflag:s4], $0x0  }
0x19: {  	s7 =	sld [smem:$0x3F99]  }
0x1a: {  	s8 =	sadd.s32 $0xFFFFE003, lr  }
0x1b: {  	s9 =	sadd.s32 $0xFFFFFEF7, lr;
	s5 =	simm.s32 $0xFFFFFFFF;
	p2 =	slt.u32 s8, $0xFFFFF086  }
0x1c: {  	p1 =	slt.u32 s9, $0xF7A;
	s5 =	simm.s32 @!p2 $0x0  }
0x1d: {  	s5 =	simm.s32 @p1 $0x1;
	p0 =	seq.s32 s7, s2  }
0x1e: {  	s7 =	smul.u32 @!p0 $0xF7A, s2;
	p2 =	seq.s32 @!p0 s5, $0x0  }
0x1f: {  	s9 =	smul.u32 $0xF7A, s1;
	s8 =	simm.s32 @!p0 $0x1BF5;
	p2 =	por !p2, p0  }
0x20: {  	[sflag:s8] =	ssyncset.s32 @!p0 $0xFFFFF086;
	s6 =	sadd.s32 @!p0 s3, s7;
	s7 =	simm.s32 @!p0 $0x108  }
0x21: {  	s3 =	sadd.s32 s3, s9;
	s6 =	sadd.s32 @!p0 $0x88, s6;
	s7 =	simm.s32 @p2 $0x1082  }
0x22: {  	[simem:s7], [sflag:s8] =	dma.local @!p0 [hbm:s6], $0xF7A  }
0x23: {  	s9 =	sor.u32 $0xD0000000, s2;
	s6 =	simm.s32 $0x108;
	_ =	swait.ge @!p0 [sflag:s8], $0x0  }
0x24: {  	s3 =	sadd.s32 $0x88, s3;
	s6 =	simm.s32 @!p1 $0x1082;
	[sflag:s4] =	ssyncset.s32 $0xFFFFF086  }
0x25: {  	[simem:s6], [sflag:s4] =	dma.local [hbm:s3], $0xF7A  }
0x26: {  	[smem:$0x3F99] =	sst s1;
	(tag) =	ssettag s2;
	_ =	strace s9  }
0x27: {  	s1 =	sld [smem:$0x3FA9]  }
0x28: {  	s2 =	sld [smem:$0x3FAA]  }
0x29: {  	s4 =	sld [smem:$0x3FAC]  }
0x2a: {  	p0 =	seq.s32 s5, $0x0;
	s5 =	sld [smem:$0x3FAD]  }
0x2b: {  	s6 =	sld [smem:$0x3FAE]  }
0x2c: {  	s7 =	sld [smem:$0x3FAF]  }
0x2d: {  	s3 =	simm.s32 $0x108;
	s8 =	sld [smem:$0x3FB0]  }
0x2e: {  	s3 =	simm.s32 @!p0 $0x1082;
	s9 =	sld [smem:$0x3FB1]  }
0x2f: {  	lr =	sadd.s32 s0, s3;
	s0 =	sld [smem:$0x3FA8]  }
0x30: {  	s3 =	sld [smem:$0x3FAB]  }
0x31: {  	[smem:$0x3FB4] =	sst s10  }
0x32: {  	s10 =	sld [smem:$0x3FB2];
	_ =	sdelay $0x3  }
0x33: {  	p0 =	seq.s32 s10, $0x1;
	s10 =	sld [smem:$0x3FB4];
	_ =	sdelay $0x3  }
0x34: {  	[smem:$0x3FB4] =	sst s10  }
0x35: {  	s10 =	sld [smem:$0x3FB3];
	_ =	sdelay $0x3  }
0x36: {  	p1 =	seq.s32 s10, $0x1;
	s10 =	sld [smem:$0x3FB4];
	_ =	sdelay $0x3  }
0x37: {  	[smem:$0x3FB4] =	sst s10  }
0x38: {  	s10 =	sld [smem:$0x3FB5]  }
0x39: {  	_ = 	snop;
	(pc) =	sbr.ind lr, $3  }
0x3a: {  	_ = 	snop  }
0x3b: {  	_ = 	snop  }
0x3c: {  	p2 =	seq.s32 s10, $0x1;
	s10 =	sld [smem:$0x3FB4]  }
0x3d: {  	_ =	shalt  }
0x3e: {  	_ =	shalt  }
0x3f: {  	_ =	shalt  }
0x40: {  	_ =	shalt  }
0x41: {  	_ =	shalt  }
0x42: {  	_ =	shalt  }
0x43: {  	_ =	shalt  }
0x44: {  	_ =	shalt  }
0x45: {  	_ =	shalt  }
0x46: {  	_ =	shalt  }
0x47: {  	_ =	shalt  }
0x48: {  	_ =	shalt  }
0x49: {  	_ =	shalt  }
0x4a: {  	_ =	shalt  }
0x4b: {  	_ =	shalt  }
0x4c: {  	_ =	shalt  }
0x4d: {  	_ =	shalt  }
0x4e: {  	_ =	shalt  }
0x4f: {  	_ =	shalt  }
0x50: {  	_ =	shalt  }
0x51: {  	_ =	shalt  }
0x52: {  	_ =	shalt  }
0x53: {  	_ =	shalt  }
0x54: {  	_ =	shalt  }
0x55: {  	_ =	shalt  }
0x56: {  	_ =	shalt  }
0x57: {  	_ =	shalt  }
0x58: {  	_ =	shalt  }
0x59: {  	_ =	shalt  }
0x5a: {  	_ =	shalt  }
0x5b: {  	_ =	shalt  }
0x5c: {  	_ =	shalt  }
0x5d: {  	_ =	shalt  }
0x5e: {  	_ =	shalt  }
0x5f: {  	_ =	shalt  }
0x60: {  	_ =	shalt  }
0x61: {  	_ =	shalt  }
0x62: {  	_ =	shalt  }
0x63: {  	_ =	shalt  }
0x64: {  	_ =	shalt  }
0x65: {  	_ =	shalt  }
0x66: {  	_ =	shalt  }
0x67: {  	_ =	shalt  }
0x68: {  	_ =	shalt  }
0x69: {  	_ =	shalt  }
0x6a: {  	_ =	shalt  }
0x6b: {  	_ =	shalt  }
0x6c: {  	_ =	shalt  }
0x6d: {  	_ =	shalt  }
0x6e: {  	_ =	shalt  }
0x6f: {  	_ =	shalt  }
0x70: {  	_ =	shalt  }
0x71: {  	_ =	shalt  }
0x72: {  	_ =	shalt  }
0x73: {  	_ =	shalt  }
0x74: {  	_ =	shalt  }
0x75: {  	_ =	shalt  }
0x76: {  	_ =	shalt  }
0x77: {  	_ =	shalt  }
0x78: {  	_ =	shalt  }
0x79: {  	_ =	shalt  }
0x7a: {  	_ =	shalt  }
0x7b: {  	_ =	shalt  }
0x7c: {  	_ =	shalt  }
0x7d: {  	_ =	shalt  }
0x7e: {  	_ =	shalt  }
0x7f: {  	_ =	shalt  }
0x80: {  	_ =	shalt  }
0x81: {  	_ =	shalt  }
0x82: {  	_ =	shalt  }
0x83: {  	_ =	shalt  }
0x84: {  	_ =	shalt  }
0x85: {  	_ =	shalt  }
0x86: {  	_ =	shalt  }
0x87: {  	_ =	shalt  }
.Lfunc_end0:
.L_simem_size_0:
called_computation_lowered:
.L_overlay_start_0:
0x88: {  	s2 =	sld [smem:$0x3FD9]  }
0x89: {  	s3 =	sld [smem:$0x3FFE];
	_ =	sdelay $0x1  }
0x8a: {  	s1 =	srdreg.scid  }
0x8b: {  	s0 =	sand.u32 $0x1, s1  }
0x8c: {  	s17 =	sshll.u32 s0, $0xA;
	s2 =	sadd.s32 s3, s2  }
0x8d: {  	s2 =	sadd.s32 s2, s17  }
0x8e: {  	[smem:$0x3FC0] =	sst s2  }
0x8f: {  	_ = 	snop  }
0x90: {  	s2 =	sld [smem:$0x3FD0];
	(tm) =	ssettm $0x1  }
0x91: {  	s18 =	sld [smem:$0x3FFB];
	_ =	sdelay $0x3  }
0x92: {  	_ =	strace s18  }
0x93: {  	s3 =	sld [smem:$0x3FFC];
	_ =	sdelay $0x3  }
0x94: {  	_ =	strace s3  }
0x95: {  	s3 =	sld [smem:$0x3FFD];
	_ =	sdelay $0x3  }
0x96: {  	_ =	strace s3  }
0x97: {  	_ =	strace $0x8FFFFFFF  }
0x98: {  	s19 =	sld [smem:$0x3FDB];
	_ =	sdelay $0x1  }
0x99: {  	s4 =	simm.s32 $_scs_section_size  }
0x9a: {  	s5 =	simm.s32 $_size__tile_overlayer_lowered;
	s6 =	simm.s32 $_tile_overlayer_lowered  }
0x9b: {  	s22 =	simm.s32 $0x1BFF;
	s21 =	sshll.u32 s6, $0x1;
	s3 =	sadd.s32 s4, s19  }
0x9c: {  	s7 =	simm.s32 $0x0;
	s20 =	sshll.u32 s5, $0x1;
	s5 =	sadd.s32 s21, s3  }
0x9d: {  	[timem:s7], [sflag:s22] =	dma.local [hbm:s5], s20  }
0x9e: {  	_ =	swait.ge [sflag:s22], s20  }
0x9f: {  	s4 =	ssub.s32 $0x0, s20;
	[sflag:s22] =	ssyncset.done $0x0  }
0xa0: {  	[sflag:s22] =	ssyncadd.s32 s4;
	_ =	sdelay $0x1  }
0xa1: {  	s23 =	simm.s32 $0x1B8B  }
0xa2: {  	_ =	swait.ge [sflag:s23], $0x1  }
0xa3: {  	[sflag:s23] =	ssyncset.done $0x0  }
0xa4: {  	s25 =	simm.s32 $0x1B8E;
	s24 =	sld [smem:$0x3FFE];
	[sflag:s23] =	ssyncadd.s32 $0xFFFFFFFF  }
0xa5: {  	s26 =	simm.s32 $execute0_lowered;
	[smem:$0x3FD2] =	sst s25  }
0xa6: {  	s5 =	sshll.u32 s26, $0x1;
	_ =	strace $0x80000046;
	[dreg:$0x1] =	wrdreg $0xFFFFFFFF  }
0xa7: {  	s28 =	simm.s32 $_size_execute0_lowered;
	s3 =	sadd.s32 s3, s5;
	[dreg:$0x0] =	wrdreg $0x0  }
0xa8: {  	s5 =	sshll.u32 s28, $0x1;
	[dreg:$0x2] =	wrdreg s3  }
0xa9: {  	[dreg:$0x3] =	wrdreg s5  }
0xaa: {  	[dreg:$0x4] =	wrdreg $0xC0  }
0xab: {  	_ =	task [dreg:s7], $0x5FFFF  }
0xac: {  	[dreg:$0x1] =	wrdreg $0xFFFFFFFF  }
0xad: {  	[dreg:$0x0] =	wrdreg $0x60  }
0xae: {  	[dreg:$0x2] =	wrdreg s24  }
0xaf: {  	[dreg:$0x3] =	wrdreg s2  }
0xb0: {  	[dreg:$0x4] =	wrdreg $0xAC800  }
0xb1: {  	[dreg:$0x5] =	wrdreg $0x9  }
0xb2: {  	_ =	task.clear_ibuf [dreg:s7], $0x6FFFF;
	_ =	strace $0x90000046  }
0xb3: {  	s29 =	simm.s32 $0x9;
	_ =	strace $0x80000048  }
0xb4: {  	_ =	swait.ge [sflag:s29], $0x1  }
0xb5: {  	[sflag:s29] =	ssyncadd.s32 $0xFFFFFFFF  }
0xb6: {  	_ =	strace $0x90000048  }
0xb7: {  	_ =	sfence  }
0xb8: {  	s30 =	sld [smem:$0x0];
	_ =	sdelay $0x2  }
0xb9: {  	s31 =	sshll.u32 s1, $0xD;
	s1 =	sshrl.u32 s1, $0x2  }
0xba: {  	s3 =	sand.u32 $0x4000, s31;
	s1 =	sadd.s32 s1, s30  }
0xbb: {  	s0 =	sor.u32 s3, s0;
	s1 =	sshll.u32 s1, $0x11  }
0xbc: {  	s0 =	sor.u32 s1, s0  }
0xbd: {  	s0 =	sadd.s32 $0x8F2B, s0  }
0xbe: {  	[sflag:s0] =	ssyncadd.remote.s32 $0x1  }
0xbf: {  	_ =	sfence.sel $0xFFFF  }
0xc0: {  	[dreg:$0x0] =	wrdreg $0xFFFFFFFF;
	(pc) =	sbr.abs _section_cstart, $3  }
0xc1: {  	[dreg:$0x1] =	wrdreg $0xFFFFFFFF  }
0xc2: {  	_ =	task.clear_ibuf [dreg:s7], $0x2FFFF;
	_ =	strace $0x9FFFFFFF  }
0xc3: {  	(tm) =	ssettm $0x7FFFFFFF  }
tec
execute0_lowered:
.L_overlay_start_1:
0x0: {  	(tag) =	ssettag $0x1  }
0x1: {  	s0 =	rddreg [dreg:$0x0]  }
0x2: {  	s2 =	rddreg [dreg:$0x2];
	s3 =	srdreg.scid  }
0x3: {  	s4 =	simm.s32 $0x0;
	s1 =	stileid.u32;
	s28 =	simm.s32 $0x50  }
0x4: {  	s29 =	simm.s32 $0x1;
	s3 =	sand.u32 $0x1, s3;
	s9 =	smul.u32 $0xC350, s1  }
0x5: {  	[smem:$0x7FF] =	sst s4;
	s5 =	sadd.s32 $0xE00, s0;
	s10 =	smul.u32 $0x30D40, s1  }
0x6: {  	s6 =	sadd.s32 $0x58E00, s0;
	s7 =	sadd.s32 $0x4F000, s0;
	s12 =	smul.u32 $0x4E20, s1  }
0x7: {  	s8 =	smul.u32 $0xC3500, s3;
	_ =	strace $0x80000047;
	s11 =	ssub.s32 $0x2, s3  }
0x8: {  	s13 =	sshrl.u32 s11, $0x1;
	s16 =	sshrl.u32 s12, $0x3;
	s21 =	sadd.s32 $0xA0, s12  }
0x9: {  	s10 =	sshrl.u32 s10, $0x2;
	s19 =	sadd.s32 s6, s16;
	[dreg:$0xa] =	wrdreg s21  }
0xa: {  	s14 =	sadd.s32 s10, s2;
	s10 =	sadd.s32 s7, s16;
	[dreg:$0x6] =	wrdreg s19  }
0xb: {  	s15 =	sadd.s32 $0xF0, s12;
	s22 =	sadd.s32 s9, s2;
	[dreg:$0x7] =	wrdreg s10  }
0xc: {  	s18 =	sadd.s32 $0xA, s16;
	s17 =	sadd.s32 $0xAF00, s14;
	[dreg:$0x4] =	wrdreg s14  }
0xd: {  	s8 =	sadd.s32 s9, s8;
	s20 =	sadd.s32 s6, s18;
	[dreg:$0x5] =	wrdreg s17  }
0xe: {  	s8 =	sshrl.u32 s8, $0x3;
	s24 =	sadd.s32 $0x1900, s14;
	[dreg:$0x8] =	wrdreg s20  }
0xf: {  	s25 =	sadd.s32 $0x3200, s14;
	s26 =	sadd.s32 $0x4B00, s14;
	[dreg:$0xd] =	wrdreg s24  }
0x10: {  	s30 =	sadd.s32 $0x6400, s14;
	s31 =	sadd.s32 $0x7D00, s14;
	[dreg:$0xe] =	wrdreg s25  }
0x11: {  	s1 =	sadd.s32 $0x9600, s14;
	s10 =	simm.s32 $0x3;
	[dreg:$0xf] =	wrdreg s26  }
0x12: {  	s19 =	simm.s32 $0x5;
	s0 =	sadd.s32 s8, s0;
	[dreg:$0x10] =	wrdreg s30  }
0x13: {  	s8 =	ssub.s32 s11, s13;
	s13 =	smul.u32 $0x2710, s3;
	[dreg:$0x11] =	wrdreg s31  }
.Ltmp0:
0x14: {  	s3 =	sadd.s32 s7, s18;
	[dreg:$0x12] =	wrdreg s1;
	(pc) =	sbr.rel .LBB2_1-.Ltmp0, $4  }
0x15: {  	s17 =	simm.s32 $0x6;
	[dreg:$0x9] =	wrdreg s3;
	s0 =	sadd.s32 $0x62C00, s0  }
0x16: {  	s11 =	simm.s32 $0x2;
	s23 =	smax.u32 s8, $0x1;
	[dreg:$0xb] =	wrdreg s0  }
0x17: {  	v1 =	vimm.f32 $0.0e+00;
	vm0 =	vmmov $0x1;
	vm1 =	vcmask $0x310;
	s18 =	simm.s32 $0x4;
	[dreg:$0xc] =	wrdreg s23;
	s0 =	sshrl.u32 s22, $0x3  }
0x18: {  	vm2 =	vcmask $0x710;
	vm3 =	vcmask $0xB10;
	s1 =	simm.s32 $0x0;
	s3 =	simm.s32 $0xF0;
	v0 =	vmov s13;
	[dreg:$0x13] =	wrdreg s0  }
.LBB2_14:
0x19: {  	_ =	swait.ge [sflag:s19], $0x1900  }
0x1a: {  	[sflag:s19] =	ssyncset.done $0x0  }
0x1b: {  	[sflag:s19] =	ssyncadd.s32 $0xFFFFE700  }
0x1c: {  	_ =	swait.ge [sflag:s19], $0x1900  }
0x1d: {  	[sflag:s19] =	ssyncset.done $0x0  }
0x1e: {  	[sflag:s19] =	ssyncadd.s32 $0xFFFFE700  }
0x1f: {  	s0 =	stileid.u32;
	[bflag:$0x0] =	sbarrier.arrive $0xFFFF  }
0x20: {  	s0 =	sshll.u32 s0, $0x6;
	s1 =	rddreg [dreg:$0xb]  }
0x21: {  	s17 =	simm.s32 $0x6;
	s0 =	sor.u32 $0x1C06, s0;
	s8 =	rddreg [dreg:$0x13]  }
0x22: {  	[hbm:s1], [sflag:s0] =	dma.local [spmem:s8], $0x186A  }
0x23: {  	_ =	swait.ge [sflag:s17], $0x186A  }
0x24: {  	s30 =	rddreg [dreg:$0x14]  }
0x25: {  	s31 =	rddreg [dreg:$0xc];
	s1 =	sadd.s32 $0x1, s30  }
0x26: {  	p0 =	sne.s32 s1, s31  }
.Ltmp1:
0x27: {  	_ = 	snop;
	(pc) =	sbr.rel @!p0 .LBB2_15-.Ltmp1, $3  }
0x28: {  	_ =	sdelay $0x1  }
0x29: {  	[sflag:s17] =	ssyncset.done $0x0  }
0x2a: {  	[sflag:s17] =	ssyncadd.s32 $0xFFFFE796  }
.LBB2_1:
0x2b: {  	s0 =	smul.u32 $0xCCCD, s4;
	_ =	sdelay $0x1  }
0x2c: {  	[dreg:$0x14] =	wrdreg s1;
	s8 =	sshrl.u32 s0, $0x12  }
0x2d: {  	s9 =	simm.s32 $0x0;
	s0 =	simm.s32 $0x1;
	s12 =	smul.u32 $0x5, s8  }
.LBB2_2:
0x2e: {  	s13 =	smul.u32 $0xCCCD, s0  }
0x2f: {  	s14 =	smov.u32 s0;
	s8 =	smul.u32 $0x140, s8;
	p0 =	sne.s32 s0, $0x18F  }
.Ltmp2:
0x30: {  	s9 =	ssub.s32 s9, s12;
	(pc) =	sbr.rel @p0 .LBB2_2-.Ltmp2, $4  }
0x31: {  	s0 =	sadd.s32 $0x1, s0;
	s9 =	sand.u32 $0xFFFF, s9  }
0x32: {  	s12 =	sshrl.u32 s8, $0x2;
	s16 =	sshll.u32 s9, $0x4;
	s9 =	smov.u32 s14  }
0x33: {  	s8 =	sshrl.u32 s13, $0x12;
	s13 =	sadd.s32 s16, s12  }
0x34: {  	s12 =	smul.u32 $0x5, s8;
	[tilespmem:s13+$0x7A80] =	vst v1  }
0x35: {  	_ = 	snop  }
0x36: {  	s8 =	smul.u32 $0x140, s8;
	s0 =	ssub.s32 s9, s12  }
0x37: {  	s0 =	sand.u32 $0xFFFF, s0  }
0x38: {  	s8 =	sshrl.u32 s8, $0x2;
	s0 =	sshll.u32 s0, $0x4  }
0x39: {  	s0 =	sadd.s32 s0, s8  }
0x3a: {  	s30 =	rddreg [dreg:$0x4];
	s1 =	simm.s32 $0x7A80;
	[tilespmem:s0+$0x7A80] =	vst v1  }
0x3b: {  	[spmem:s30] =	stream.linear.scatter [tilespmem:s1], [sflag:$0x6], $0x1900, $0x38;
	[tilespmem:$0x16FD0] =	vst v63  }
0x3c: {  	_ =	swait.ge [sflag:s17], $0x1900  }
0x3d: {  	[sflag:s17] =	ssyncset.done $0x0  }
0x3e: {  	s31 =	rddreg [dreg:$0xd];
	[sflag:s17] =	ssyncadd.s32 $0xFFFFE700  }
0x3f: {  	[spmem:s31] =	stream.linear.scatter [tilespmem:s1], [sflag:$0x6], $0x1900, $0x38;
	[tilespmem:$0x16FD0] =	vst v63  }
0x40: {  	_ =	swait.ge [sflag:s17], $0x1900  }
0x41: {  	[sflag:s17] =	ssyncset.done $0x0  }
0x42: {  	s8 =	rddreg [dreg:$0xe];
	[sflag:s17] =	ssyncadd.s32 $0xFFFFE700  }
0x43: {  	[spmem:s8] =	stream.linear.scatter [tilespmem:s1], [sflag:$0x6], $0x1900, $0x38;
	[tilespmem:$0x16FD0] =	vst v63  }
0x44: {  	_ =	swait.ge [sflag:s17], $0x1900  }
0x45: {  	[sflag:s17] =	ssyncset.done $0x0  }
0x46: {  	s9 =	rddreg [dreg:$0xf];
	[sflag:s17] =	ssyncadd.s32 $0xFFFFE700  }
0x47: {  	[spmem:s9] =	stream.linear.scatter [tilespmem:s1], [sflag:$0x6], $0x1900, $0x38;
	[tilespmem:$0x16FD0] =	vst v63  }
0x48: {  	_ =	swait.ge [sflag:s17], $0x1900  }
0x49: {  	[sflag:s17] =	ssyncset.done $0x0  }
0x4a: {  	s12 =	rddreg [dreg:$0x10];
	[sflag:s17] =	ssyncadd.s32 $0xFFFFE700  }
0x4b: {  	[spmem:s12] =	stream.linear.scatter [tilespmem:s1], [sflag:$0x6], $0x1900, $0x38;
	[tilespmem:$0x16FD0] =	vst v63  }
0x4c: {  	_ =	swait.ge [sflag:s17], $0x1900  }
0x4d: {  	[sflag:s17] =	ssyncset.done $0x0  }
0x4e: {  	s13 =	rddreg [dreg:$0x11];
	[sflag:s17] =	ssyncadd.s32 $0xFFFFE700  }
0x4f: {  	[spmem:s13] =	stream.linear.scatter [tilespmem:s1], [sflag:$0x6], $0x1900, $0x38;
	[tilespmem:$0x16FD0] =	vst v63  }
0x50: {  	_ =	swait.ge [sflag:s17], $0x1900  }
0x51: {  	[sflag:s17] =	ssyncset.done $0x0  }
0x52: {  	s14 =	rddreg [dreg:$0x12];
	[sflag:s17] =	ssyncadd.s32 $0xFFFFE700  }
0x53: {  	[spmem:s14] =	stream.linear.scatter [tilespmem:s1], [sflag:$0x6], $0x1900, $0x38;
	[tilespmem:$0x16FD0] =	vst v63  }
0x54: {  	_ =	swait.ge [sflag:s17], $0x1900  }
0x55: {  	[sflag:s17] =	ssyncset.done $0x0  }
0x56: {  	s16 =	rddreg [dreg:$0x5];
	[sflag:s17] =	ssyncadd.s32 $0xFFFFE700  }
0x57: {  	[spmem:s16] =	stream.linear.scatter [tilespmem:s1], [sflag:$0x6], $0x1450, $0x38;
	[tilespmem:$0x16FD0] =	vst v63  }
0x58: {  	_ =	swait.ge [sflag:s17], $0x1450  }
0x59: {  	[sflag:s17] =	ssyncset.done $0x0  }
0x5a: {  	[sflag:s17] =	ssyncadd.s32 $0xFFFFEBB0  }
0x5b: {  	[bflag:$0x0] =	sbarrier.arrive $0xFFFF  }
0x5c: {  	s23 =	simm.s32 $0x0;
	s17 =	rddreg [dreg:$0x6]  }
0x5d: {  	[tilespmem:s23], [sflag:$0x1] =	stream.linear.gather [hbm4b:s17+s23], $0x50, $0x38;
	[tilespmem:$0x16FD0] =	vst v63  }
0x5e: {  	s20 =	rddreg [dreg:$0x7]  }
0x5f: {  	[tilespmem:s28], [sflag:$0x1] =	stream.linear.gather [hbm4b:s20+s23], $0x50, $0x38;
	[tilespmem:$0x16FD0] =	vst v63  }
0x60: {  	_ =	swait.ge [sflag:s29], $0x50  }
0x61: {  	[sflag:s29] =	ssyncset.done $0x0  }
0x62: {  	[sflag:s29] =	ssyncadd.s32 $0xFFFFFFB0  }
0x63: {  	_ =	swait.ge [sflag:s29], $0x50  }
0x64: {  	[sflag:s29] =	ssyncset.done $0x0  }
0x65: {  	[sflag:s29] =	ssyncadd.s32 $0xFFFFFFB0  }
0x66: {  	v2 =	vld [tilespmem:$0x0]  }
0x67: {  	v3 =	vld [tilespmem:$0x50]  }
0x68: {  	v4 =	vld [tilespmem:$0x10]  }
0x69: {  	v5 =	vld [tilespmem:$0x60]  }
0x6a: {  	v6 =	vld [tilespmem:$0x20]  }
0x6b: {  	v7 =	vld [tilespmem:$0x70];
	v2 =	vadd.s32 v0, v2  }
0x6c: {  	[tilespmem:$0x0] =	vst v2;
	v2 =	vadd.s32 v0, v3;
	v3 =	vld [tilespmem:$0x30]  }
0x6d: {  	v61 =	vld [tilespmem:$0x80];
	[tilespmem:$0xA0] =	vst v2;
	v2 =	vadd.s32 v0, v4  }
0x6e: {  	v62 =	vld [tilespmem:$0x40];
	[tilespmem:$0x10] =	vst v2;
	v2 =	vadd.s32 v0, v5  }
0x6f: {  	v63 =	vld [tilespmem:$0x90];
	[tilespmem:$0xB0] =	vst v2;
	v2 =	vadd.s32 v0, v6  }
0x70: {  	[tilespmem:$0x20] =	vst v2;
	v2 =	vadd.s32 v0, v7  }
0x71: {  	[tilespmem:$0xC0] =	vst v2;
	v2 =	vadd.s32 v0, v3  }
0x72: {  	[tilespmem:$0x30] =	vst v2;
	v2 =	vadd.s32 v0, v61  }
0x73: {  	[tilespmem:$0xD0] =	vst v2;
	v2 =	vadd.s32 v0, v62  }
0x74: {  	[tilespmem:$0x40] =	vst v2;
	v2 =	vadd.s32 v0, v63  }
0x75: {  	s21 =	simm.s32 $0x280;
	[tilespmem:$0xE0] =	vst v2  }
0x76: {  	[tilespmem:s21], [sflag:$0x3] =	stream.indirect.gather [hbm4b:s5+s28], $0x80, s23, s28, $0xb8;
	[tilespmem:$0x16FD0] =	vst v63  }
0x77: {  	s24 =	simm.s32 $0xA0;
	s25 =	simm.s32 $0x2A80;
	s22 =	rddreg [dreg:$0x1]  }
0x78: {  	[tilespmem:s25], [sflag:$0x3] =	stream.indirect.gather [hbm4b:s22+s28], $0x40, s24, s28, $0xb8;
	[tilespmem:$0x16FD0] =	vst v63  }
0x79: {  	s26 =	rddreg [dreg:$0x8]  }
0x7a: {  	[tilespmem:s3], [sflag:$0x2] =	stream.linear.gather [hbm4b:s26+s23], $0x50, $0x38;
	[tilespmem:$0x16FD0] =	vst v63  }
0x7b: {  	s31 =	simm.s32 $0x140;
	s30 =	rddreg [dreg:$0x9]  }
0x7c: {  	[tilespmem:s31], [sflag:$0x2] =	stream.linear.gather [hbm4b:s30+s23], $0x50, $0x38;
	[tilespmem:$0x16FD0] =	vst v63  }
.LBB2_4:
0x7d: {  	_ =	swait.ge [sflag:s10], $0x2800  }
0x7e: {  	[sflag:s10] =	ssyncset.done $0x0  }
0x7f: {  	[sflag:s10] =	ssyncadd.s32 $0xFFFFD800  }
0x80: {  	_ =	swait.ge [sflag:s10], $0x1400  }
0x81: {  	[sflag:s10] =	ssyncset.done $0x0  }
0x82: {  	[sflag:s10] =	ssyncadd.s32 $0xFFFFEC00  }
0x83: {  	_ =	swait.ge [sflag:s11], $0x50  }
0x84: {  	[sflag:s11] =	ssyncset.done $0x0  }
0x85: {  	[sflag:s11] =	ssyncadd.s32 $0xFFFFFFB0  }
0x86: {  	_ =	swait.ge [sflag:s11], $0x50  }
0x87: {  	[sflag:s11] =	ssyncset.done $0x0  }
0x88: {  	[sflag:s11] =	ssyncadd.s32 $0xFFFFFFB0  }
0x89: {  	v2 =	vld [tilespmem:$0xF0]  }
0x8a: {  	v3 =	vld [tilespmem:$0x140]  }
0x8b: {  	v4 =	vld [tilespmem:$0x100]  }
0x8c: {  	v5 =	vld [tilespmem:$0x150]  }
0x8d: {  	v6 =	vld [tilespmem:$0x110]  }
0x8e: {  	v7 =	vld [tilespmem:$0x160];
	v2 =	vadd.s32 v0, v2  }
0x8f: {  	[tilespmem:$0xF0] =	vst v2;
	v2 =	vadd.s32 v0, v3;
	v3 =	vld [tilespmem:$0x120]  }
0x90: {  	[tilespmem:$0x190] =	vst v2;
	v2 =	vadd.s32 v0, v4;
	v4 =	vld [tilespmem:$0x170]  }
0x91: {  	[tilespmem:$0x100] =	vst v2;
	v2 =	vadd.s32 v0, v5;
	v5 =	vld [tilespmem:$0x130]  }
0x92: {  	[tilespmem:$0x1A0] =	vst v2;
	v2 =	vadd.s32 v0, v6  }
0x93: {  	[tilespmem:$0x110] =	vst v2;
	v2 =	vadd.s32 v0, v7  }
0x94: {  	[tilespmem:$0x1B0] =	vst v2;
	v2 =	vadd.s32 v0, v3  }
0x95: {  	[tilespmem:$0x120] =	vst v2;
	v2 =	vadd.s32 v0, v4  }
0x96: {  	[tilespmem:$0x1C0] =	vst v2;
	v2 =	vadd.s32 v0, v5  }
0x97: {  	[tilespmem:$0x130] =	vst v2;
	v2 =	vld [tilespmem:$0x180];
	_ =	sdelay $0x4  }
0x98: {  	v2 =	vadd.s32 v0, v2  }
0x99: {  	s0 =	simm.s32 $0x3E80;
	s1 =	simm.s32 $0x190;
	p0 =	seq.s32 s23, $0x0;
	[tilespmem:$0x1D0] =	vst v2  }
0x9a: {  	[tilespmem:s0], [sflag:$0x4] =	stream.indirect.gather [hbm4b:s5+s28], $0x80, s3, s28, $0xb8;
	[tilespmem:$0x16FD0] =	vst v63  }
0x9b: {  	s8 =	simm.s32 $0x6680;
	s20 =	rddreg [dreg:$0x1];
	s0 =	simm.s32 @!p0 $0x5  }
0x9c: {  	[tilespmem:s8], [sflag:$0x4] =	stream.indirect.gather [hbm4b:s20+s28], $0x40, s1, s28, $0xb8;
	[tilespmem:$0x16FD0] =	vst v63  }
0x9d: {  	_ =	swait.ge @!p0 [sflag:s0], $0x1900  }
0x9e: {  	[sflag:s0] =	ssyncset.done @!p0 $0x0  }
0x9f: {  	s13 =	simm.s32 $0x380;
	[sflag:s0] =	ssyncadd.s32 @!p0 $0xFFFFE700  }
0xa0: {  	s9 =	simm.s32 $0x2B00;
	v2 =	vld [tilespmem:s13+$0x80]  }
0xa1: {  	v3 =	vld [tilespmem:s9+$0x40];
	_ =	sdelay $0x4  }
0xa2: {  	v2 =	vmul.f32 v3, v2;
	_ =	sdelay $0x1  }
0xa3: {  	(xrf2) =	vadd.scan.msk.f32 $0xffff, v2;
	_ =	sdelay $0x9  }
0xa4: {  	v2, _, _ =	vpop (xrf2)  }
0xa5: {  	(v2sf) =	vpush v2, $0xF;
	_ =	sdelay $0x6  }
0xa6: {  	v4 =	vld [tilespmem:s13+$0xFFFFFF00]  }
0xa7: {  	v2 =	vld [tilespmem:s9+$0xFFFFFF80]  }
0xa8: {  	v5 =	vld [tilespmem:s9+$0xFFFFFFC0]  }
0xa9: {  	v6 =	vld [tilespmem:s13+$0x0]  }
0xaa: {  	v3 =	vld [tilespmem:s13+$0xFFFFFF80]  }
0xab: {  	v7 =	vld [tilespmem:s9+$0x0]  }
0xac: {  	v2 =	vmul.f32 v2, v4;
	_ =	sdelay $0x1  }
0xad: {  	(xrf2) =	vadd.scan.msk.f32 $0xffff, v2;
	s21 =	spop (v2sf)  }
0xae: {  	v3 =	vmul.f32 v5, v3;
	s0 =	smax.f32 s21, $-5.000000000e+00  }
0xaf: {  	v2 =	vmul.f32 v7, v6;
	s0 =	smin.f32 s0, $5.000000000e+00  }
0xb0: {  	(xrf2) =	vadd.scan.msk.f32 $0xffff, v3;
	v3 =	vmov s0  }
0xb1: {  	(xrf2) =	vadd.scan.msk.f32 $0xffff, v2;
	v2 =	vmul.f32 $1.442695020e+00, v3;
	_ =	sdelay $0x1  }
0xb2: {  	v2 =	vbroadcast v2, $0x0;
	_ =	sdelay $0x2  }
0xb3: {  	(erf) = vpow2.f32 v2  }
0xb4: {  	v2, _, _ =	vpop (xrf2)  }
0xb5: {  	(v2sf) =	vpush v2, $0xF  }
0xb6: {  	s12 =	simm.s32 $0x2C00  }
0xb7: {  	v5 =	vld [tilespmem:s12+$0x40];
	v2, _, _ =	vpop (xrf2)  }
0xb8: {  	s24 =	simm.s32 $0x580;
	v3 =	vld [tilespmem:s13+$0xC0];
	(v2sf) =	vpush v2, $0xF;
	v2, _, _ =	vpop (xrf2)  }
0xb9: {  	v4 =	vld [tilespmem:s24+$0x80];
	(v2sf) =	vpush v2, $0xF;
	_ =	sdelay $0x2  }
0xba: {  	v2 =	vpop (erf)  }
0xbb: {  	v3 =	vmul.f32 v2, v3  }
0xbc: {  	s8 =	simm.s32 $0x7B20;
	v4 =	vmul.f32 v5, v4  }
0xbd: {  	[tilespmem:s8+$0x50] =	vst v3  }
0xbe: {  	(xrf2) =	vadd.scan.msk.f32 $0xffff, v4;
	v3 =	vld [tilespmem:s13+$0x90]  }
0xbf: {  	v4 =	vld [tilespmem:s9+$0x50];
	_ =	sdelay $0x2  }
0xc0: {  	s22 =	spop (v2sf)  }
0xc1: {  	s0 =	smax.f32 s22, $-5.000000000e+00  }
0xc2: {  	v3 =	vmul.f32 v4, v3;
	s0 =	smin.f32 s0, $5.000000000e+00  }
0xc3: {  	s14 =	spop (v2sf);
	v4 =	vmov s0  }
0xc4: {  	s14 =	smax.f32 s14, $-5.000000000e+00;
	(xrf2) =	vadd.scan.msk.f32 $0xffff, v3;
	s26 =	spop (v2sf);
	v3 =	vmul.f32 $1.442695020e+00, v4  }
0xc5: {  	s25 =	smin.f32 s14, $5.000000000e+00;
	s0 =	smax.f32 s26, $-5.000000000e+00  }
0xc6: {  	v5, _, _ =	vpop (xrf2);
	v4 =	vmov s25;
	s0 =	smin.f32 s0, $5.000000000e+00;
	v3 =	vbroadcast v3, $0x0  }
0xc7: {  	(v2sf) =	vpush v5, $0xF;
	v4 =	vmul.f32 $1.442695020e+00, v4;
	v5 =	vmov s0  }
0xc8: {  	(erf) = vpow2.f32 v3;
	v3 =	vmul.f32 $1.442695020e+00, v5  }
0xc9: {  	v4 =	vbroadcast v4, $0x0  }
0xca: {  	v3 =	vbroadcast v3, $0x0  }
0xcb: {  	(erf) = vpow2.f32 v4;
	_ =	sdelay $0x1  }
0xcc: {  	v4 =	vld [tilespmem:s13+$0xFFFFFF40];
	(erf) = vpow2.f32 v3  }
0xcd: {  	v8 =	vld [tilespmem:s24+$0xFFFFFF00];
	v3, _, _ =	vpop (xrf2)  }
0xce: {  	v6 =	vld [tilespmem:s13+$0xFFFFFFC0];
	(v2sf) =	vpush v3, $0xF  }
0xcf: {  	v7 =	vld [tilespmem:s12+$0xFFFFFF80]  }
0xd0: {  	v9 =	vld [tilespmem:s13+$0x40];
	v5 =	vpop (erf)  }
0xd1: {  	v10 =	vld [tilespmem:s24+$0xFFFFFF80];
	v4 =	vmul.f32 v5, v4  }
0xd2: {  	v11 =	vld [tilespmem:s12+$0xFFFFFFC0]  }
0xd3: {  	v12 =	vld [tilespmem:s24+$0x0];
	v3 =	vpop (erf)  }
0xd4: {  	v7 =	vmul.f32 v7, v8;
	v8 =	vld [tilespmem:s12+$0x0];
	v6 =	vmul.f32 v3, v6;
	[tilespmem:s8+$0xFFFFFF60] =	vst v4  }
0xd5: {  	v13 =	vld [tilespmem:s13+$0xFFFFFF10];
	v4 =	vpop (erf)  }
0xd6: {  	s1 =	spop (v2sf);
	[tilespmem:s8+$0xFFFFFFB0] =	vst v6;
	v6 =	vld [tilespmem:s9+$0xFFFFFF90];
	v9 =	vmul.f32 v4, v9  }
0xd7: {  	(xrf2) =	vadd.scan.msk.f32 $0xffff, v7;
	v7 =	vmul.f32 v11, v10;
	s0 =	smax.f32 s1, $-5.000000000e+00;
	v10 =	vld [tilespmem:s13+$0xFFFFFF90]  }
0xd8: {  	s0 =	smin.f32 s0, $5.000000000e+00;
	v11 =	vld [tilespmem:s9+$0xFFFFFFD0];
	[tilespmem:s8+$0x0] =	vst v9  }
0xd9: {  	(xrf2) =	vadd.scan.msk.f32 $0xffff, v7;
	v7 =	vmov s0;
	v9 =	vld [tilespmem:s13+$0x10]  }
0xda: {  	v8 =	vmul.f32 v8, v12;
	v7 =	vmul.f32 $1.442695020e+00, v7;
	v12 =	vld [tilespmem:s9+$0x10];
	_ =	sdelay $0x1  }
0xdb: {  	(xrf2) =	vadd.scan.msk.f32 $0xffff, v8;
	v7 =	vbroadcast v7, $0x0  }
0xdc: {  	v6 =	vmul.f32 v6, v13;
	s14 =	spop (v2sf)  }
0xdd: {  	(erf) = vpow2.f32 v7;
	v7 =	vmul.f32 v11, v10;
	s0 =	smax.f32 s14, $-5.000000000e+00  }
0xde: {  	(xrf2) =	vadd.scan.msk.f32 $0xffff, v6;
	v6 =	vmul.f32 v12, v9;
	s0 =	smin.f32 s0, $5.000000000e+00  }
0xdf: {  	(xrf2) =	vadd.scan.msk.f32 $0xffff, v7;
	v7 =	vmov s0  }
0xe0: {  	v8, _, _ =	vpop (xrf2);
	(xrf2) =	vadd.scan.msk.f32 $0xffff, v6;
	v6 =	vmul.f32 $1.442695020e+00, v7  }
0xe1: {  	(v2sf) =	vpush v8, $0xF  }
0xe2: {  	v8 =	vld [tilespmem:s24+$0xC0];
	v7, _, _ =	vpop (xrf2);
	v6 =	vbroadcast v6, $0x0  }
0xe3: {  	(v2sf) =	vpush v7, $0xF;
	_ =	sdelay $0x1  }
0xe4: {  	v7, _, _ =	vpop (xrf2)  }
0xe5: {  	(erf) = vpow2.f32 v6;
	v6 =	vpop (erf)  }
0xe6: {  	s14 =	simm.s32 $0x2D00;
	(v2sf) =	vpush v7, $0xF;
	v8 =	vmul.f32 v6, v8  }
0xe7: {  	s30 =	simm.s32 $0x780;
	v10 =	vld [tilespmem:s14+$0x40]  }
0xe8: {  	s22 =	simm.s32 $0x7C60;
	v7 =	vld [tilespmem:s30+$0x80];
	v9, _, _ =	vpop (xrf2)  }
0xe9: {  	(v2sf) =	vpush v9, $0xF;
	v9 =	vld [tilespmem:s13+$0xD0];
	[tilespmem:s22+$0x50] =	vst v8  }
0xea: {  	v11 =	vld [tilespmem:s24+$0x90];
	v8, _, _ =	vpop (xrf2)  }
0xeb: {  	v12 =	vld [tilespmem:s12+$0x50];
	(v2sf) =	vpush v8, $0xF;
	v8, _, _ =	vpop (xrf2)  }
0xec: {  	(v2sf) =	vpush v8, $0xF;
	_ =	sdelay $0x1  }
0xed: {  	v8 =	vmul.f32 v10, v7;
	v7 =	vpop (erf)  }
0xee: {  	s16 =	spop (v2sf);
	v9 =	vmul.f32 v7, v9  }
0xef: {  	s0 =	smax.f32 s16, $-5.000000000e+00;
	(xrf2) =	vadd.scan.msk.f32 $0xffff, v8;
	v8 =	vmul.f32 v12, v11  }
0xf0: {  	s0 =	smin.f32 s0, $5.000000000e+00;
	[tilespmem:s8+$0x60] =	vst v9;
	s17 =	spop (v2sf)  }
0xf1: {  	v9 =	vmov s0;
	v10 =	vld [tilespmem:s13+$0xA0];
	(xrf2) =	vadd.scan.msk.f32 $0xffff, v8;
	s0 =	smax.f32 s17, $-5.000000000e+00  }
0xf2: {  	v8 =	vmul.f32 $1.442695020e+00, v9;
	v9 =	vld [tilespmem:s9+$0x60];
	s0 =	smin.f32 s0, $5.000000000e+00  }
0xf3: {  	v11 =	vmov s0  }
0xf4: {  	s20 =	spop (v2sf);
	v8 =	vbroadcast v8, $0x0;
	v11 =	vmul.f32 $1.442695020e+00, v11  }
0xf5: {  	s0 =	smax.f32 s20, $-5.000000000e+00  }
0xf6: {  	(erf) = vpow2.f32 v8;
	s0 =	smin.f32 s0, $5.000000000e+00;
	v8 =	vbroadcast v11, $0x0  }
0xf7: {  	s21 =	spop (v2sf);
	v9 =	vmul.f32 v9, v10;
	v11 =	vmov s0  }
0xf8: {  	s0 =	smax.f32 s21, $-5.000000000e+00;
	v10 =	vmul.f32 $1.442695020e+00, v11;
	(erf) = vpow2.f32 v8  }
0xf9: {  	s0 =	smin.f32 s0, $5.000000000e+00;
	s16 =	spop (v2sf)  }
0xfa: {  	v14 =	vld [tilespmem:s30+$0xFFFFFF00];
	(xrf2) =	vadd.scan.msk.f32 $0xffff, v9;
	v9 =	vmov s0;
	v11, _, _ =	vpop (xrf2);
	v8 =	vbroadcast v10, $0x0;
	s25 =	smax.f32 s16, $-5.000000000e+00;
	s26 =	spop (v2sf)  }
0xfb: {  	v10 =	vld [tilespmem:s14+$0xFFFFFF80];
	v9 =	vmul.f32 $1.442695020e+00, v9;
	(v2sf) =	vpush v11, $0xF;
	v13, _, _ =	vpop (xrf2);
	s0 =	smin.f32 s25, $5.000000000e+00;
	s16 =	smax.f32 s26, $-5.000000000e+00  }
0xfc: {  	v12 =	vld [tilespmem:s24+$0xFFFFFF40];
	(erf) = vpow2.f32 v8;
	(v2sf) =	vpush v13, $0xF;
	v8 =	vmov s0;
	s1 =	smin.f32 s16, $5.000000000e+00  }
0xfd: {  	v11 =	vld [tilespmem:s24+$0xFFFFFFC0];
	v9 =	vbroadcast v9, $0x0;
	v15 =	vmul.f32 $1.442695020e+00, v8;
	v8 =	vmov s1  }
0xfe: {  	v16 =	vld [tilespmem:s30+$0xFFFFFF80]  }
0xff: {  	v18 =	vld [tilespmem:s14+$0xFFFFFFC0];
	(erf) = vpow2.f32 v9  }
0x100: {  	v19 =	vld [tilespmem:s13+$0xFFFFFF50];
	v17 =	vmul.f32 $1.442695020e+00, v8;
	v10 =	vmul.f32 v10, v14;
	v8 =	vpop (erf)  }
0x101: {  	v13 =	vld [tilespmem:s24+$0x40];
	v15 =	vbroadcast v15, $0x0;
	v12 =	vmul.f32 v8, v12;
	v9 =	vpop (erf)  }
0x102: {  	v14 =	vld [tilespmem:s30+$0x0];
	v17 =	vbroadcast v17, $0x0;
	v11 =	vmul.f32 v9, v11  }
0x103: {  	(erf) = vpow2.f32 v15;
	v15 =	vld [tilespmem:s14+$0x0];
	[tilespmem:s22+$0xFFFFFF60] =	vst v12  }
0x104: {  	(xrf2) =	vadd.scan.msk.f32 $0xffff, v10;
	(erf) = vpow2.f32 v17;
	v10, _, _ =	vpop (xrf2);
	v12 =	vmul.f32 v18, v16;
	v16 =	vld [tilespmem:s24+$0xFFFFFF10]  }
0x105: {  	(v2sf) =	vpush v10, $0xF;
	[tilespmem:s22+$0xFFFFFFB0] =	vst v11;
	v10 =	vld [tilespmem:s12+$0xFFFFFF90]  }
0x106: {  	v17 =	vld [tilespmem:s24+$0xFFFFFF90];
	v11 =	vpop (erf)  }
0x107: {  	v18 =	vld [tilespmem:s12+$0xFFFFFFD0];
	v13 =	vmul.f32 v11, v13  }
0x108: {  	v20 =	vld [tilespmem:s13+$0xFFFFFFD0];
	v14 =	vmul.f32 v15, v14  }
0x109: {  	v21 =	vld [tilespmem:s13+$0x50];
	(xrf2) =	vadd.scan.msk.f32 $0xffff, v12;
	[tilespmem:s22+$0x0] =	vst v13  }
0x10a: {  	(xrf2) =	vadd.scan.msk.f32 $0xffff, v14;
	s16 =	spop (v2sf);
	v14 =	vmul.f32 v10, v16;
	v15 =	vld [tilespmem:s24+$0x10]  }
0x10b: {  	s0 =	smax.f32 s16, $-5.000000000e+00;
	v22 =	vld [tilespmem:s12+$0x10];
	v13 =	vpop (erf)  }
0x10c: {  	s17 =	spop (v2sf);
	v17 =	vmul.f32 v18, v17;
	s0 =	smin.f32 s0, $5.000000000e+00;
	v19 =	vmul.f32 v13, v19;
	v12 =	vpop (erf)  }
0x10d: {  	(xrf2) =	vadd.scan.msk.f32 $0xffff, v14;
	v16 =	vmul.f32 v12, v20;
	v20 =	vmov s0;
	v10 =	vpop (erf);
	s0 =	smax.f32 s17, $-5.000000000e+00  }
0x10e: {  	v14, _, _ =	vpop (xrf2);
	(xrf2) =	vadd.scan.msk.f32 $0xffff, v17;
	[tilespmem:s8+$0xFFFFFF70] =	vst v19;
	v18 =	vmul.f32 $1.442695020e+00, v20;
	s0 =	smin.f32 s0, $5.000000000e+00  }
0x10f: {  	(v2sf) =	vpush v14, $0xF;
	v19 =	vld [tilespmem:s13+$0xFFFFFF20];
	[tilespmem:s8+$0xFFFFFFC0] =	vst v16;
	v16 =	vmul.f32 v10, v21;
	v17 =	vmov s0  }
0x110: {  	v20 =	vld [tilespmem:s9+$0xFFFFFFA0];
	v15 =	vmul.f32 v22, v15;
	v17 =	vmul.f32 $1.442695020e+00, v17  }
0x111: {  	v14 =	vbroadcast v18, $0x0;
	v18 =	vld [tilespmem:s13+$0xFFFFFFA0]  }
0x112: {  	v21 =	vld [tilespmem:s9+$0xFFFFFFE0];
	[tilespmem:s8+$0x10] =	vst v16;
	(xrf2) =	vadd.scan.msk.f32 $0xffff, v15;
	v15 =	vbroadcast v17, $0x0  }
0x113: {  	(erf) = vpow2.f32 v14;
	v14 =	vld [tilespmem:s13+$0x20];
	v16, _, _ =	vpop (xrf2)  }
0x114: {  	s20 =	spop (v2sf);
	(v2sf) =	vpush v16, $0xF;
	v16 =	vld [tilespmem:s9+$0x20]  }
0x115: {  	s0 =	smax.f32 s20, $-5.000000000e+00;
	v17 =	vmul.f32 v20, v19;
	(erf) = vpow2.f32 v15  }
0x116: {  	s0 =	smin.f32 s0, $5.000000000e+00;
	v15, _, _ =	vpop (xrf2)  }
0x117: {  	(xrf2) =	vadd.scan.msk.f32 $0xffff, v17;
	v17 =	vmov s0;
	(v2sf) =	vpush v15, $0xF  }
0x118: {  	v18 =	vmul.f32 v21, v18;
	v15 =	vld [tilespmem:s30+$0xC0];
	v17 =	vmul.f32 $1.442695020e+00, v17  }
0x119: {  	v14 =	vmul.f32 v16, v14;
	v16, _, _ =	vpop (xrf2)  }
0x11a: {  	(xrf2) =	vadd.scan.msk.f32 $0xffff, v18;
	v18 =	vld [tilespmem:s24+$0xD0];
	(v2sf) =	vpush v16, $0xF  }
0x11b: {  	s31 =	simm.s32 $0x980;
	v16, _, _ =	vpop (xrf2);
	(xrf2) =	vadd.scan.msk.f32 $0xffff, v14;
	v14 =	vbroadcast v17, $0x0  }
0x11c: {  	s26 =	simm.s32 $0x2E00;
	v17 =	vpop (erf);
	(v2sf) =	vpush v16, $0xF;
	v16 =	vld [tilespmem:s31+$0x80]  }
0x11d: {  	v21, _, _ =	vpop (xrf2);
	v15 =	vmul.f32 v17, v15;
	(erf) = vpow2.f32 v14;
	v14 =	vld [tilespmem:s26+$0x40]  }
0x11e: {  	s0 =	simm.s32 $0x7DA0;
	(v2sf) =	vpush v21, $0xF;
	v19 =	vpop (erf);
	s21 =	spop (v2sf)  }
0x11f: {  	v24 =	vld [tilespmem:s13+$0xE0];
	[tilespmem:s0+$0x50] =	vst v15;
	v18 =	vmul.f32 v19, v18;
	s16 =	smax.f32 s21, $-5.000000000e+00  }
0x120: {  	v15 =	vld [tilespmem:s30+$0x90];
	s16 =	smin.f32 s16, $5.000000000e+00  }
0x121: {  	v21 =	vld [tilespmem:s14+$0x50];
	v23, _, _ =	vpop (xrf2);
	[tilespmem:s22+$0x60] =	vst v18;
	v18 =	vmov s16  }
0x122: {  	(v2sf) =	vpush v23, $0xF;
	v18 =	vmul.f32 $1.442695020e+00, v18;
	v25 =	vld [tilespmem:s12+$0x60];
	v14 =	vmul.f32 v14, v16  }
0x123: {  	v16 =	vld [tilespmem:s24+$0xA0];
	s25 =	spop (v2sf)  }
0x124: {  	v23, _, _ =	vpop (xrf2);
	v18 =	vbroadcast v18, $0x0;
	s16 =	smax.f32 s25, $-5.000000000e+00;
	(xrf2) =	vadd.scan.msk.f32 $0xffff, v14  }
0x125: {  	(v2sf) =	vpush v23, $0xF;
	s16 =	smin.f32 s16, $5.000000000e+00  }
0x126: {  	v26 =	vld [tilespmem:s30+$0x40];
	v15 =	vmul.f32 v21, v15;
	(erf) = vpow2.f32 v18;
	v23 =	vmov s16;
	s1 =	spop (v2sf);
	v21 =	vpop (erf)  }
0x127: {  	v30 =	vld [tilespmem:s31+$0xFFFFFF80];
	v27, _, _ =	vpop (xrf2);
	v23 =	vmul.f32 $1.442695020e+00, v23;
	s16 =	smax.f32 s1, $-5.000000000e+00;
	v18 =	vmul.f32 v21, v24  }
0x128: {  	v33 =	vld [tilespmem:s31+$0xFFFFFF00];
	(v2sf) =	vpush v27, $0xF;
	v16 =	vmul.f32 v25, v16;
	s16 =	smin.f32 s16, $5.000000000e+00  }
0x129: {  	v20 =	vld [tilespmem:s30+$0xFFFFFF40];
	(xrf2) =	vadd.scan.msk.f32 $0xffff, v15;
	v23 =	vbroadcast v23, $0x0;
	v24 =	vmov s16;
	s17 =	spop (v2sf);
	[tilespmem:s8+$0x70] =	vst v18  }
0x12a: {  	(xrf2) =	vadd.scan.msk.f32 $0xffff, v16;
	v18 =	vmul.f32 $1.442695020e+00, v24;
	s16 =	smax.f32 s17, $-5.000000000e+00;
	v16 =	vld [tilespmem:s9+$0x70]  }
0x12b: {  	s17 =	spop (v2sf);
	(erf) = vpow2.f32 v23;
	v23 =	vld [tilespmem:s13+$0xB0];
	s16 =	smin.f32 s16, $5.000000000e+00  }
0x12c: {  	v35 =	vld [tilespmem:s31+$0x0];
	s20 =	smax.f32 s17, $-5.000000000e+00;
	v18 =	vbroadcast v18, $0x0;
	v24 =	vmov s16  }
0x12d: {  	v31 =	vld [tilespmem:s26+$0xFFFFFFC0];
	s21 =	spop (v2sf);
	s16 =	smin.f32 s20, $5.000000000e+00;
	v24 =	vmul.f32 $1.442695020e+00, v24  }
0x12e: {  	v29 =	vld [tilespmem:s26+$0xFFFFFF80];
	(erf) = vpow2.f32 v18;
	v18 =	vmov s16;
	v25, _, _ =	vpop (xrf2);
	s16 =	smax.f32 s21, $-5.000000000e+00  }
0x12f: {  	v37 =	vld [tilespmem:s26+$0x0];
	v27 =	vpop (erf);
	v24 =	vbroadcast v24, $0x0;
	v18 =	vmul.f32 $1.442695020e+00, v18;
	(v2sf) =	vpush v25, $0xF;
	s16 =	smin.f32 s16, $5.000000000e+00  }
0x130: {  	v22 =	vld [tilespmem:s30+$0xFFFFFFC0];
	v38 =	vmul.f32 v27, v20;
	v16 =	vmul.f32 v16, v23;
	v23 =	vmov s16  }
0x131: {  	v32 =	vld [tilespmem:s24+$0xFFFFFFD0];
	s25 =	spop (v2sf);
	v18 =	vbroadcast v18, $0x0;
	v39 =	vmul.f32 $1.442695020e+00, v23  }
0x132: {  	v34 =	vld [tilespmem:s24+$0x50];
	(erf) = vpow2.f32 v24;
	s16 =	smax.f32 s25, $-5.000000000e+00;
	(xrf2) =	vadd.scan.msk.f32 $0xffff, v16;
	v16 =	vmul.f32 v31, v30  }
0x133: {  	v36 =	vld [tilespmem:s13+$0xFFFFFFE0];
	s16 =	smin.f32 s16, $5.000000000e+00;
	v24, _, _ =	vpop (xrf2);
	v30 =	vbroadcast v39, $0x0;
	(erf) = vpow2.f32 v18  }
0x134: {  	v14 =	vld [tilespmem:s24+$0xFFFFFF50];
	(v2sf) =	vpush v24, $0xF;
	v28 =	vpop (erf);
	v24 =	vmul.f32 v29, v33;
	v29 =	vmov s16  }
0x135: {  	v15 =	vld [tilespmem:s13+$0xFFFFFF60];
	[tilespmem:s0+$0xFFFFFF60] =	vst v38;
	s1 =	spop (v2sf);
	v18, _, _ =	vpop (xrf2);
	v31 =	vmul.f32 v28, v22;
	v46 =	vmul.f32 $1.442695020e+00, v29  }
0x136: {  	s20 =	smax.f32 s1, $-5.000000000e+00;
	(xrf2) =	vadd.scan.msk.f32 $0xffff, v24;
	(v2sf) =	vpush v18, $0xF;
	v18 =	vld [tilespmem:s30+$0xFFFFFF10]  }
0x137: {  	s16 =	smin.f32 s20, $5.000000000e+00;
	(erf) = vpow2.f32 v30;
	s21 =	spop (v2sf);
	[tilespmem:s0+$0xFFFFFFB0] =	vst v31;
	v31 =	vld [tilespmem:s14+$0xFFFFFF90];
	v30 =	vbroadcast v46, $0x0  }
0x138: {  	v24 =	vmov s16;
	s16 =	smax.f32 s21, $-5.000000000e+00;
	v29 =	vpop (erf);
	(xrf2) =	vadd.scan.msk.f32 $0xffff, v16;
	v47 =	vld [tilespmem:s30+$0xFFFFFF90]  }
0x139: {  	v24 =	vmul.f32 $1.442695020e+00, v24;
	s16 =	smin.f32 s16, $5.000000000e+00;
	v26 =	vmul.f32 v29, v26;
	v48 =	vld [tilespmem:s14+$0xFFFFFFD0]  }
0x13a: {  	v25 =	vld [tilespmem:s13+$0x60];
	v16 =	vmul.f32 v37, v35;
	v50 =	vmov s16;
	(erf) = vpow2.f32 v30  }
0x13b: {  	v20 =	vld [tilespmem:s31+$0xFFFFFF40];
	v49 =	vbroadcast v24, $0x0;
	[tilespmem:s0+$0x0] =	vst v26;
	v26 =	vmul.f32 $1.442695020e+00, v50;
	v30 =	vpop (erf)  }
0x13c: {  	v23 =	vld [tilespmem:s31+$0xFFFFFFC0];
	(xrf2) =	vadd.scan.msk.f32 $0xffff, v16;
	v14 =	vmul.f32 v30, v14;
	v18 =	vmul.f32 v31, v18  }
0x13d: {  	v51 =	vld [tilespmem:s30+$0x10];
	(erf) = vpow2.f32 v49;
	v26 =	vbroadcast v26, $0x0;
	v53, _, _ =	vpop (xrf2)  }
0x13e: {  	v52 =	vld [tilespmem:s14+$0x10];
	v31 =	vpop (erf);
	(v2sf) =	vpush v53, $0xF;
	[tilespmem:s22+$0xFFFFFF70] =	vst v14;
	(xrf2) =	vadd.scan.msk.f32 $0xffff, v18;
	v18 =	vmul.f32 v48, v47  }
0x13f: {  	v32 =	vmul.f32 v31, v32;
	(erf) = vpow2.f32 v26;
	s25 =	spop (v2sf);
	v54 =	vld [tilespmem:s24+$0xFFFFFF20]  }
0x140: {  	v26 =	vld [tilespmem:s12+$0xFFFFFFA0];
	s16 =	smax.f32 s25, $-5.000000000e+00;
	v55, _, _ =	vpop (xrf2)  }
0x141: {  	v22 =	vld [tilespmem:s31+$0x40];
	v33 =	vpop (erf);
	[tilespmem:s22+$0xFFFFFFC0] =	vst v32;
	s16 =	smin.f32 s16, $5.000000000e+00;
	(v2sf) =	vpush v55, $0xF  }
0x142: {  	v56 =	vmul.f32 v33, v34;
	v40 =	vld [tilespmem:s24+$0xFFFFFFA0];
	(xrf2) =	vadd.scan.msk.f32 $0xffff, v18;
	v57 =	vmov s16;
	v18, _, _ =	vpop (xrf2)  }
0x143: {  	v37 =	vmul.f32 v52, v51;
	v58 =	vld [tilespmem:s12+$0xFFFFFFE0];
	v35 =	vpop (erf);
	v41 =	vmul.f32 $1.442695020e+00, v57;
	s1 =	spop (v2sf)  }
0x144: {  	v24 =	vld [tilespmem:s30+$0xFFFFFF50];
	[tilespmem:s22+$0x10] =	vst v56;
	(v2sf) =	vpush v18, $0xF;
	v15 =	vmul.f32 v35, v15;
	s16 =	smax.f32 s1, $-5.000000000e+00  }
0x145: {  	v32 =	vld [tilespmem:s24+$0x20];
	(xrf2) =	vadd.scan.msk.f32 $0xffff, v37;
	v26 =	vmul.f32 v26, v54;
	v59 =	vbroadcast v41, $0x0;
	s16 =	smin.f32 s16, $5.000000000e+00  }
0x146: {  	v61 =	vld [tilespmem:s12+$0x20];
	v42, _, _ =	vpop (xrf2);
	s17 =	spop (v2sf);
	[tilespmem:s8+$0xFFFFFF80] =	vst v15;
	v60 =	vmov s16  }
0x147: {  	v34 =	vpop (erf);
	(v2sf) =	vpush v42, $0xF;
	s16 =	smax.f32 s17, $-5.000000000e+00;
	(xrf2) =	vadd.scan.msk.f32 $0xffff, v26;
	(erf) = vpow2.f32 v59;
	v62 =	vld [tilespmem:s13+$0xFFFFFF30];
	v39 =	vmul.f32 $1.442695020e+00, v60  }
0x148: {  	v43 =	vmul.f32 v34, v36;
	v26 =	vmul.f32 v58, v40;
	v46 =	vld [tilespmem:s9+$0xFFFFFFB0];
	s16 =	smin.f32 s16, $5.000000000e+00;
	v36 =	vpop (erf)  }
0x149: {  	v16 =	vld [tilespmem:s30+$0xFFFFFFD0];
	v45 =	vmov s16;
	v25 =	vmul.f32 v36, v25;
	v63 =	vbroadcast v39, $0x0  }
0x14a: {  	v51 =	vld [tilespmem:s31+$0xC0];
	s17 =	simm.s32 $0x2F00;
	v47, _, _ =	vpop (xrf2);
	v39 =	vmul.f32 $1.442695020e+00, v45  }
0x14b: {  	[tilespmem:s8+$0xFFFFFFD0] =	vst v43;
	v57 =	vld [tilespmem:s17+$0x40];
	(xrf2) =	vadd.scan.msk.f32 $0xffff, v26;
	(v2sf) =	vpush v47, $0xF;
	(erf) = vpow2.f32 v63  }
0x14c: {  	v2 =	vnsel vm0, $0x0, v2;
	v48 =	vld [tilespmem:s13+$0xFFFFFFB0];
	v50 =	vbroadcast v39, $0x0  }
0x14d: {  	v53 =	vnsel vm0, $0x0, v8;
	v26 =	vmul.f32 v61, v32;
	v49 =	vld [tilespmem:s9+$0xFFFFFFF0];
	[tilespmem:s8+$0x20] =	vst v25;
	v8 =	vmul.f32 v46, v62;
	v25, _, _ =	vpop (xrf2);
	s20 =	spop (v2sf)  }
0x14e: {  	v5 =	vnsel vm0, $0x0, v5;
	v52 =	vld [tilespmem:s13+$0x30];
	(v2sf) =	vpush v25, $0xF;
	(erf) = vpow2.f32 v50;
	s21 =	smax.f32 s20, $-5.000000000e+00  }
0x14f: {  	v3 =	vnsel vm0, $0x0, v3;
	v2 =	vsel vm1, v2, v7;
	v54 =	vnsel vm0, $0x0, v9;
	v7 =	vld [tilespmem:s9+$0x30];
	(xrf2) =	vadd.scan.msk.f32 $0xffff, v26;
	v9, _, _ =	vpop (xrf2);
	s16 =	smin.f32 s21, $5.000000000e+00  }
0x150: {  	v5 =	vsel vm1, v5, v13;
	v55 =	vnsel vm0, $0x0, v11;
	s9 =	simm.s32 $0xB80;
	v25 =	vld [tilespmem:s30+$0xD0];
	v11 =	vmov s16;
	v13 =	vpop (erf);
	s25 =	spop (v2sf)  }
0x151: {  	v56 =	vld [tilespmem:s9+$0x80];
	(xrf2) =	vadd.scan.msk.f32 $0xffff, v8;
	(v2sf) =	vpush v9, $0xF;
	v9 =	vmul.f32 $1.442695020e+00, v11;
	v8, _, _ =	vpop (xrf2);
	v11 =	vmul.f32 v13, v51;
	s16 =	smax.f32 s25, $-5.000000000e+00  }
0x152: {  	v4 =	vnsel vm0, $0x0, v4;
	v3 =	vsel vm1, v3, v12;
	v14 =	vld [tilespmem:s30+$0x50];
	(v2sf) =	vpush v8, $0xF;
	s20 =	smin.f32 s16, $5.000000000e+00  }
0x153: {  	v12 =	vmul.f32 v49, v48;
	v8 =	vld [tilespmem:s24+$0xE0];
	s21 =	spop (v2sf);
	s16 =	simm.s32 $0x7EE0;
	v9 =	vbroadcast v9, $0x0;
	v58 =	vmov s20  }
0x154: {  	v4 =	vsel vm1, v4, v10;
	v63 =	vld [tilespmem:s17+$0xFFFFFF80];
	v7 =	vmul.f32 v7, v52;
	s1 =	smax.f32 s21, $-5.000000000e+00;
	[tilespmem:s16+$0x50] =	vst v11;
	v59 =	vpop (erf);
	v10 =	vmul.f32 $1.442695020e+00, v58  }
0x155: {  	v6 =	vnsel vm0, $0x0, v6;
	(xrf2) =	vadd.scan.msk.f32 $0xffff, v12;
	s20 =	smin.f32 s1, $5.000000000e+00;
	v11, _, _ =	vpop (xrf2);
	v60 =	vld [tilespmem:s31+$0x90];
	(erf) = vpow2.f32 v9;
	v25 =	vmul.f32 v59, v25  }
0x156: {  	(xrf2) =	vadd.scan.msk.f32 $0xffff, v7;
	v7 =	vmul.f32 v57, v56;
	s21 =	spop (v2sf);
	v9 =	vmov s20;
	(v2sf) =	vpush v11, $0xF;
	v11 =	vld [tilespmem:s26+$0x50]  }
0x157: {  	v17 =	vnsel vm0, $0x0, v17;
	v48 =	vld [tilespmem:s9+$0xFFFFFF00];
	s20 =	smax.f32 s21, $-5.000000000e+00;
	v10 =	vbroadcast v10, $0x0;
	v39 =	vpop (erf);
	v9 =	vmul.f32 $1.442695020e+00, v9;
	[tilespmem:s0+$0x60] =	vst v25  }
0x158: {  	v6 =	vsel vm1, v6, v19;
	v2 =	vsel vm2, v2, v21;
	s20 =	smin.f32 s20, $5.000000000e+00;
	v8 =	vmul.f32 v39, v8;
	v61 =	vld [tilespmem:s30+$0xA0]  }
0x159: {  	(erf) = vpow2.f32 v10;
	v19 =	vbroadcast v9, $0x0;
	v9 =	vmov s20;
	v25, _, _ =	vpop (xrf2);
	(xrf2) =	vadd.scan.msk.f32 $0xffff, v7;
	v7 =	vld [tilespmem:s14+$0x60]  }
0x15a: {  	v32 =	vsel vm1, v54, v31;
	v31 =	vsel vm1, v55, v33;
	v12 =	vld [tilespmem:s13+$0xFFFFFF70];
	s25 =	spop (v2sf);
	[tilespmem:s22+$0x70] =	vst v8;
	v21 =	vmul.f32 $1.442695020e+00, v9  }
0x15b: {  	s20 =	smax.f32 s25, $-5.000000000e+00;
	(v2sf) =	vpush v25, $0xF;
	v11 =	vmul.f32 v11, v60;
	v62 =	vld [tilespmem:s24+$0xB0];
	(erf) = vpow2.f32 v19  }
0x15c: {  	v33 =	vmul.f32 v63, v48;
	v10 =	vnsel vm0, $0x0, v29;
	v9 =	vnsel vm0, $0x0, v28;
	s20 =	smin.f32 s20, $5.000000000e+00;
	v28 =	vld [tilespmem:s12+$0x70]  }
0x15d: {  	v8 =	vnsel vm0, $0x0, v27;
	v27 =	vld [tilespmem:s13+$0x70];
	v21 =	vbroadcast v21, $0x0;
	v29 =	vmov s20;
	v19, _, _ =	vpop (xrf2);
	s1 =	spop (v2sf);
	(xrf2) =	vadd.scan.msk.f32 $0xffff, v11  }
0x15e: {  	v25 =	vld [tilespmem:s13+$0xFFFFFFF0];
	v29 =	vmul.f32 $1.442695020e+00, v29;
	(v2sf) =	vpush v19, $0xF;
	s20 =	smax.f32 s1, $-5.000000000e+00;
	v37 =	vpop (erf);
	v7 =	vmul.f32 v7, v61  }
0x15f: {  	v11 =	vsel vm1, v53, v30;
	v30 =	vsel vm2, v5, v35;
	v19 =	vld [tilespmem:s13+$0xF0];
	(erf) = vpow2.f32 v21;
	v5, _, _ =	vpop (xrf2);
	s13 =	smin.f32 s20, $5.000000000e+00  }
0x160: {  	s21 =	spop (v2sf);
	v21 =	vbroadcast v29, $0x0;
	(v2sf) =	vpush v5, $0xF;
	v29 =	vmov s13;
	(xrf2) =	vadd.scan.msk.f32 $0xffff, v7;
	v7 =	vld [tilespmem:s9+$0xFFFFFF80]  }
0x161: {  	v5, _, _ =	vpop (xrf2);
	v50 =	vmul.f32 v28, v62;
	s13 =	smax.f32 s21, $-5.000000000e+00;
	v49 =	vmul.f32 $1.442695020e+00, v29;
	v29 =	vsel vm2, v3, v34;
	v3 =	vld [tilespmem:s17+$0xFFFFFFC0];
	s25 =	spop (v2sf)  }
0x162: {  	v18 =	vld [tilespmem:s24+$0xFFFFFF60];
	v28 =	vsel vm2, v4, v36;
	(v2sf) =	vpush v5, $0xF;
	s13 =	smin.f32 s13, $5.000000000e+00;
	v51 =	vpop (erf);
	(erf) = vpow2.f32 v21;
	s20 =	smax.f32 s25, $-5.000000000e+00  }
0x163: {  	v15 =	vld [tilespmem:s24+$0xFFFFFFE0];
	v21 =	vmov s13;
	v52 =	vbroadcast v49, $0x0;
	v53 =	vmul.f32 v51, v20;
	s1 =	smin.f32 s20, $5.000000000e+00;
	v5, _, _ =	vpop (xrf2)  }
0x164: {  	v38 =	vld [tilespmem:s17+$0x0];
	v54 =	vmul.f32 $1.442695020e+00, v21;
	(xrf2) =	vadd.scan.msk.f32 $0xffff, v50;
	v55 =	vpop (erf);
	v44 =	vmov s1;
	(v2sf) =	vpush v5, $0xF  }
0x165: {  	v26 =	vld [tilespmem:s24+$0x60];
	v5 =	vsel vm1, v17, v59;
	v17 =	vmul.f32 v55, v23;
	v56 =	vmul.f32 $1.442695020e+00, v44;
	(xrf2) =	vadd.scan.msk.f32 $0xffff, v33  }
0x166: {  	v4 =	vnsel vm0, $0x0, v13;
	v13 =	vld [tilespmem:s9+$0x0];
	s20 =	spop (v2sf);
	[tilespmem:s16+$0xFFFFFF60] =	vst v53;
	v57 =	vbroadcast v54, $0x0;
	v3 =	vmul.f32 v3, v7  }
0x167: {  	(erf) = vpow2.f32 v52;
	s13 =	smax.f32 s20, $-5.000000000e+00;
	v59 =	vld [tilespmem:s31+$0xFFFFFF10];
	v58, _, _ =	vpop (xrf2);
	v7 =	vbroadcast v56, $0x0  }
0x168: {  	s13 =	smin.f32 s13, $5.000000000e+00;
	v60 =	vpop (erf);
	[tilespmem:s16+$0xFFFFFFB0] =	vst v17;
	v17 =	vld [tilespmem:s26+$0xFFFFFF90];
	(erf) = vpow2.f32 v57;
	(v2sf) =	vpush v58, $0xF  }
0x169: {  	v61 =	vmov s13;
	v22 =	vmul.f32 v60, v22;
	v62 =	vld [tilespmem:s31+$0xFFFFFF90];
	(erf) = vpow2.f32 v7  }
0x16a: {  	v6 =	vsel vm2, v6, v39;
	(xrf2) =	vadd.scan.msk.f32 $0xffff, v3;
	v63 =	vld [tilespmem:s26+$0xFFFFFFD0];
	v33 =	vmul.f32 $1.442695020e+00, v61;
	s21 =	spop (v2sf);
	v3, _, _ =	vpop (xrf2)  }
0x16b: {  	v21 =	vld [tilespmem:s9+$0xFFFFFF40];
	v39 =	vmul.f32 v37, v19;
	v13 =	vmul.f32 v38, v13;
	[tilespmem:s16+$0x0] =	vst v22;
	s25 =	smax.f32 s21, $-5.000000000e+00;
	v48 =	vpop (erf);
	(v2sf) =	vpush v3, $0xF  }
0x16c: {  	v37 =	vsel vm3, v2, v37;
	v2 =	vbroadcast v33, $0x0;
	v49 =	vld [tilespmem:s31+$0x10];
	s13 =	smin.f32 s25, $5.000000000e+00;
	v24 =	vmul.f32 v48, v24  }
0x16d: {  	v50 =	vld [tilespmem:s26+$0x10];
	v7 =	vmov s13;
	s1 =	spop (v2sf)  }
0x16e: {  	v20 =	vld [tilespmem:s9+$0xFFFFFFC0];
	(xrf2) =	vadd.scan.msk.f32 $0xffff, v13;
	(erf) = vpow2.f32 v2;
	v19 =	vmul.f32 $1.442695020e+00, v7;
	v7 =	vnsel vm0, $0x0, v51;
	s13 =	smax.f32 s1, $-5.000000000e+00;
	v51, _, _ =	vpop (xrf2)  }
0x16f: {  	v23 =	vld [tilespmem:s9+$0x40];
	v3 =	vnsel vm0, $0x0, v55;
	v36 =	vmul.f32 v17, v59;
	v35 =	vmul.f32 v63, v62;
	[tilespmem:s0+$0xFFFFFF70] =	vst v24;
	s13 =	smin.f32 s13, $5.000000000e+00;
	v13, _, _ =	vpop (xrf2)  }
0x170: {  	s20 =	spop (v2sf);
	(v2sf) =	vpush v51, $0xF;
	v53 =	vld [tilespmem:s30+$0xFFFFFF20];
	v52 =	vbroadcast v19, $0x0;
	v17 =	vmov s13;
	v24 =	vpop (erf)  }
0x171: {  	v2 =	vnsel vm0, $0x0, v60;
	v55 =	vld [tilespmem:s14+$0xFFFFFFA0];
	s21 =	spop (v2sf);
	s13 =	smax.f32 s20, $-5.000000000e+00;
	v54 =	vmul.f32 $1.442695020e+00, v17;
	v16 =	vmul.f32 v24, v16;
	v56 =	vpop (erf)  }
0x172: {  	v22 =	vld [tilespmem:s31+$0xFFFFFF50];
	(xrf2) =	vadd.scan.msk.f32 $0xffff, v36;
	v33 =	vmul.f32 v50, v49;
	s20 =	smax.f32 s21, $-5.000000000e+00;
	(v2sf) =	vpush v13, $0xF;
	s13 =	smin.f32 s13, $5.000000000e+00;
	(erf) = vpow2.f32 v52;
	v58 =	vpop (erf)  }
0x173: {  	v19 =	vld [tilespmem:s31+$0xFFFFFFD0];
	s25 =	smin.f32 s20, $5.000000000e+00;
	v57 =	vbroadcast v54, $0x0;
	[tilespmem:s0+$0xFFFFFFC0] =	vst v16;
	v16 =	vmov s13;
	v18 =	vmul.f32 v58, v18;
	s1 =	spop (v2sf)  }
0x174: {  	v13 =	vld [tilespmem:s30+$0xFFFFFF60];
	v14 =	vmul.f32 v56, v14;
	v60 =	vmov s25;
	v61, _, _ =	vpop (xrf2);
	v16 =	vmul.f32 $1.442695020e+00, v16;
	s21 =	smax.f32 s1, $-5.000000000e+00  }
0x175: {  	(xrf2) =	vadd.scan.msk.f32 $0xffff, v35;
	(v2sf) =	vpush v61, $0xF;
	v62 =	vmul.f32 $1.442695020e+00, v60;
	v59 =	vld [tilespmem:s30+$0xFFFFFFA0];
	(erf) = vpow2.f32 v57;
	s13 =	smin.f32 s21, $5.000000000e+00  }
0x176: {  	[tilespmem:s0+$0x10] =	vst v14;
	v14 =	vld [tilespmem:s14+$0xFFFFFFE0];
	v38 =	vmul.f32 v55, v53;
	v16 =	vbroadcast v16, $0x0;
	v45 =	vmov s13  }
0x177: {  	(xrf2) =	vadd.scan.msk.f32 $0xffff, v33;
	v63 =	vld [tilespmem:s30+$0x20];
	[tilespmem:s22+$0xFFFFFF80] =	vst v18;
	v34 =	vbroadcast v62, $0x0;
	v18 =	vpop (erf);
	s25 =	spop (v2sf);
	v33 =	vmul.f32 $1.442695020e+00, v45  }
0x178: {  	v9 =	vsel vm1, v9, v24;
	v24 =	vld [tilespmem:s14+$0x20];
	v47 =	vmul.f32 v18, v15;
	s13 =	smax.f32 s25, $-5.000000000e+00;
	(erf) = vpow2.f32 v16  }
0x179: {  	v8 =	vsel vm1, v8, v48;
	v52, _, _ =	vpop (xrf2);
	v46 =	vld [tilespmem:s24+$0xFFFFFF30];
	(xrf2) =	vadd.scan.msk.f32 $0xffff, v38;
	s13 =	smin.f32 s13, $5.000000000e+00;
	(erf) = vpow2.f32 v34  }
0x17a: {  	v48 =	vld [tilespmem:s12+$0xFFFFFFB0];
	v16 =	vbroadcast v33, $0x0;
	[tilespmem:s22+$0xFFFFFFD0] =	vst v47;
	v51 =	vmov s13;
	s1 =	spop (v2sf);
	(v2sf) =	vpush v52, $0xF  }
0x17b: {  	v50 =	vmul.f32 v14, v59;
	v14 =	vsel vm2, v32, v18;
	v49 =	vpop (erf);
	v53 =	vld [tilespmem:s24+$0xFFFFFFB0];
	v18 =	vmul.f32 $1.442695020e+00, v51  }
0x17c: {  	v54, _, _ =	vpop (xrf2);
	v26 =	vmul.f32 v49, v26;
	(erf) = vpow2.f32 v16;
	s13 =	smax.f32 s1, $-5.000000000e+00;
	v16 =	vsel vm2, v31, v49;
	v31 =	vld [tilespmem:s12+$0xFFFFFFF0]  }
0x17d: {  	v17 =	vld [tilespmem:s31+$0x50];
	v11 =	vsel vm2, v11, v58;
	v24 =	vmul.f32 v24, v63;
	(v2sf) =	vpush v54, $0xF;
	s13 =	smin.f32 s13, $5.000000000e+00  }
0x17e: {  	v15 =	vld [tilespmem:s30+$0xFFFFFFE0];
	(xrf2) =	vadd.scan.msk.f32 $0xffff, v50;
	[tilespmem:s22+$0x20] =	vst v26;
	v26 =	vbroadcast v18, $0x0;
	v55 =	vmov s13;
	v58 =	vpop (erf)  }
0x17f: {  	v10 =	vsel vm1, v10, v56;
	v32 =	vld [tilespmem:s31+$0xD0];
	v36 =	vmul.f32 v48, v46;
	s20 =	spop (v2sf);
	v18, _, _ =	vpop (xrf2);
	v33 =	vmul.f32 $1.442695020e+00, v55  }
0x180: {  	[tilespmem:s8+$0x90] =	vst v37;
	v56 =	vld [tilespmem:s24+$0x30];
	s21 =	smax.f32 s20, $-5.000000000e+00;
	(v2sf) =	vpush v18, $0xF;
	(erf) = vpow2.f32 v26;
	v26 =	vmul.f32 v58, v12  }
0x181: {  	(xrf2) =	vadd.scan.msk.f32 $0xffff, v24;
	v57 =	vld [tilespmem:s12+$0x30];
	v30 =	vsel vm3, v30, v58;
	s12 =	smin.f32 s21, $5.000000000e+00;
	v60 =	vbroadcast v33, $0x0;
	v33 =	vmul.f32 v31, v53;
	v31 =	vpop (erf)  }
0x182: {  	[tilespmem:s8+$0x80] =	vst v39;
	v59, _, _ =	vpop (xrf2);
	v61 =	vmov s12;
	v62 =	vmul.f32 v31, v25;
	v25 =	vsel vm3, v29, v31;
	v31 =	vld [tilespmem:s9+$0xC0]  }
0x183: {  	v24 =	vld [tilespmem:s24+$0xFFFFFFF0];
	s25 =	spop (v2sf);
	[tilespmem:s8+$0xFFFFFFA0] =	vst v30;
	(v2sf) =	vpush v59, $0xF;
	v63, _, _ =	vpop (xrf2);
	v30 =	vmul.f32 $1.442695020e+00, v61  }
0x184: {  	(xrf2) =	vadd.scan.msk.f32 $0xffff, v36;
	s12 =	smax.f32 s25, $-5.000000000e+00;
	[tilespmem:s8+$0xFFFFFF90] =	vst v26;
	v26 =	vld [tilespmem:s24+$0x70];
	v29 =	vpop (erf);
	(erf) = vpow2.f32 v60  }
0x185: {  	s13 =	simm.s32 $0x2F00;
	v18 =	vld [tilespmem:s30+$0x60];
	s12 =	smin.f32 s12, $5.000000000e+00;
	s25 =	spop (v2sf);
	(v2sf) =	vpush v63, $0xF;
	[tilespmem:s8+$0xFFFFFFF0] =	vst v25;
	v28 =	vsel vm3, v28, v29;
	v30 =	vbroadcast v30, $0x0  }
0x186: {  	s20 =	simm.s32 $0x10;
	v12 =	vld [tilespmem:s24+$0xFFFFFF70];
	s21 =	simm.s32 $0xD80;
	v35 =	vmov s12;
	v29 =	vmul.f32 v29, v27;
	s12 =	simm.s32 $0x7EE0;
	v34 =	vmul.f32 v57, v56;
	[tilespmem:s8+$0xFFFFFFE0] =	vst v62;
	v25 =	vpop (erf)  }
.LBB2_5:
0x187: {  	v36 =	vld [tilespmem:s21+$0x80];
	s25 =	smax.f32 s25, $-5.000000000e+00;
	v37 =	vmul.f32 v25, v31;
	v31 =	vnsel vm0, $0x0, v25;
	s17 =	sadd.s32 $0x100, s17;
	(xrf2) =	vadd.scan.msk.f32 $0xffff, v33;
	(erf) = vpow2.f32 v30;
	v25 =	vmovc v14  }
0x188: {  	v33 =	vmul.f32 $1.442695020e+00, v35;
	s16 =	sadd.s32 $0x140, s16;
	v30 =	vmov v24;
	v14 =	vld [tilespmem:s17+$0x40];
	s25 =	smin.f32 s25, $5.000000000e+00;
	v35, _, _ =	vpop (xrf2);
	[tilespmem:s8+$0x30] =	vst v29;
	v29 =	vmov v16  }
0x189: {  	v27 =	vmov v26;
	s20 =	sadd.s32 $0x4, s20;
	v16 =	vmov s25;
	[tilespmem:s16+$0x50] =	vst v37;
	s25 =	spop (v2sf);
	v24 =	vld [tilespmem:s30+$0xE0];
	(v2sf) =	vpush v35, $0xF  }
0x18a: {  	v26 =	vbroadcast v33, $0x0;
	v16 =	vmul.f32 $1.442695020e+00, v16;
	s25 =	smax.f32 s25, $-5.000000000e+00;
	v33 =	vld [tilespmem:s9+$0x90];
	v35 =	vpop (erf);
	(xrf2) =	vadd.scan.msk.f32 $0xffff, v34;
	[tilespmem:s8+$0x40] =	vst v28;
	s8 =	smov.u32 s22;
	s22 =	smov.u32 s0  }
0x18b: {  	s0 =	smov.u32 s12;
	s12 =	smov.u32 s16;
	s25 =	smin.f32 s25, $5.000000000e+00;
	v28 =	vld [tilespmem:s13+$0x50];
	v38 =	vmul.f32 v35, v32;
	v34 =	vsel vm1, v4, v35;
	v35, _, _ =	vpop (xrf2);
	v4 =	vmov v31  }
0x18c: {  	p1 =	slt.u32 s20, $0x4C;
	v16 =	vbroadcast v16, $0x0;
	v31 =	vmov s25;
	(erf) = vpow2.f32 v26;
	s25 =	spop (v2sf);
	v26 =	vld [tilespmem:s24+$0xF0];
	s24 =	smov.u32 s30  }
0x18d: {  	v37 =	vld [tilespmem:s17+$0xFFFFFF80];
	v14 =	vmul.f32 v14, v36;
	v31 =	vmul.f32 $1.442695020e+00, v31;
	s25 =	smax.f32 s25, $-5.000000000e+00;
	[tilespmem:s0+$0x60] =	vst v38;
	(v2sf) =	vpush v35, $0xF;
	v32 =	vpop (erf)  }
0x18e: {  	s30 =	smov.u32 s31;
	(erf) = vpow2.f32 v16;
	s25 =	smin.f32 s25, $5.000000000e+00;
	v16 =	vld [tilespmem:s31+$0xA0];
	v36 =	vmul.f32 v32, v24;
	v32 =	vsel vm2, v5, v32;
	v5, _, _ =	vpop (xrf2);
	s31 =	smov.u32 s9  }
0x18f: {  	s9 =	smov.u32 s21;
	(xrf2) =	vadd.scan.msk.f32 $0xffff, v14;
	v14 =	vbroadcast v31, $0x0;
	v31 =	vmov s25;
	v35 =	vld [tilespmem:s26+$0x60];
	s25 =	spop (v2sf);
	(v2sf) =	vpush v5, $0xF;
	v5 =	vmovc v34  }
0x190: {  	v34 =	vld [tilespmem:s21+$0xFFFFFF80];
	v31 =	vmul.f32 $1.442695020e+00, v31;
	s25 =	smax.f32 s25, $-5.000000000e+00;
	[tilespmem:s22+$0x70] =	vst v36;
	v24 =	vpop (erf)  }
0x191: {  	v28 =	vmul.f32 v28, v33;
	s25 =	smin.f32 s25, $5.000000000e+00;
	v33 =	vld [tilespmem:s24+$0xB0];
	v39 =	vmul.f32 v24, v26;
	v38 =	vsel vm3, v6, v24;
	v24, _, _ =	vpop (xrf2)  }
0x192: {  	v6 =	vmovc v32;
	(erf) = vpow2.f32 v14;
	v14 =	vbroadcast v31, $0x0;
	v31 =	vmov s25;
	s25 =	spop (v2sf);
	v36 =	vld [tilespmem:s14+$0x70];
	[tilespmem:s8+$0x90] =	vst v38  }
0x193: {  	v32 =	vld [tilespmem:s17+$0xFFFFFFC0];
	(xrf2) =	vadd.scan.msk.f32 $0xffff, v28;
	v28 =	vmul.f32 $1.442695020e+00, v31;
	s25 =	smax.f32 s25, $-5.000000000e+00;
	[tilespmem:s8+$0x80] =	vst v39;
	(v2sf) =	vpush v24, $0xF  }
0x194: {  	v24 =	vld [tilespmem:s21+$0x0];
	s25 =	smin.f32 s25, $5.000000000e+00;
	v16 =	vmul.f32 v35, v16;
	v26, _, _ =	vpop (xrf2)  }
0x195: {  	v31 =	vld [tilespmem:s17+$0x0];
	v35 =	vpop (erf);
	v28 =	vbroadcast v28, $0x0;
	v38 =	vmov s25;
	(erf) = vpow2.f32 v14;
	s25 =	spop (v2sf)  }
0x196: {  	v14 =	vld [tilespmem:s21+$0xFFFFFF00];
	v40 =	vmul.f32 v35, v21;
	v38 =	vmul.f32 $1.442695020e+00, v38;
	(xrf2) =	vadd.scan.msk.f32 $0xffff, v16;
	s25 =	smax.f32 s25, $-5.000000000e+00;
	(v2sf) =	vpush v26, $0xF  }
0x197: {  	v16 =	vnsel vm0, $0x0, v35;
	v21 =	vld [tilespmem:s21+$0xFFFFFF40];
	v26 =	vpop (erf);
	s25 =	smin.f32 s25, $5.000000000e+00;
	v33 =	vmul.f32 v36, v33  }
0x198: {  	v32 =	vmul.f32 v32, v34;
	[tilespmem:s16+$0xFFFFFF60] =	vst v40;
	v40 =	vmul.f32 v26, v20;
	v20 =	vld [tilespmem:s21+$0xFFFFFFC0];
	v35 =	vmov s25;
	s25 =	spop (v2sf)  }
0x199: {  	v26 =	vnsel vm0, $0x0, v26;
	v38 =	vbroadcast v38, $0x0;
	v36 =	vld [tilespmem:s21+$0x40];
	v39, _, _ =	vpop (xrf2);
	(erf) = vpow2.f32 v28;
	s25 =	smax.f32 s25, $-5.000000000e+00;
	(xrf2) =	vadd.scan.msk.f32 $0xffff, v33  }
0x19a: {  	v24 =	vmul.f32 v31, v24;
	(v2sf) =	vpush v39, $0xF;
	v28 =	vld [tilespmem:s31+$0xFFFFFF10];
	[tilespmem:s16+$0xFFFFFFB0] =	vst v40;
	v31 =	vmul.f32 $1.442695020e+00, v35;
	s25 =	smin.f32 s25, $5.000000000e+00  }
0x19b: {  	v14 =	vmul.f32 v37, v14;
	v33 =	vld [tilespmem:s13+$0xFFFFFF90];
	v34 =	vpop (erf);
	(erf) = vpow2.f32 v38;
	v35 =	vmov s25  }
0x19c: {  	v37 =	vld [tilespmem:s31+$0xFFFFFF90];
	v40 =	vmul.f32 v34, v23;
	v34 =	vnsel vm0, $0x0, v34;
	v35 =	vmul.f32 $1.442695020e+00, v35;
	s25 =	spop (v2sf)  }
0x19d: {  	v31 =	vbroadcast v31, $0x0;
	(xrf2) =	vadd.scan.msk.f32 $0xffff, v14;
	v14 =	vld [tilespmem:s13+$0xFFFFFFD0];
	v38, _, _ =	vpop (xrf2);
	s25 =	smax.f32 s25, $-5.000000000e+00  }
0x19e: {  	v39 =	vld [tilespmem:s31+$0xFFFFFF50];
	[tilespmem:s16+$0x0] =	vst v40;
	(v2sf) =	vpush v38, $0xF;
	v38 =	vpop (erf);
	v35 =	vbroadcast v35, $0x0;
	s25 =	smin.f32 s25, $5.000000000e+00;
	s1 =	spop (v2sf);
	v23 =	vmov v36  }
0x19f: {  	v36 =	vld [tilespmem:s31+$0x10];
	v22 =	vmul.f32 v38, v22;
	v40 =	vmov s25;
	(erf) = vpow2.f32 v31;
	s1 =	smax.f32 s1, $-5.000000000e+00  }
0x1a0: {  	(xrf2) =	vadd.scan.msk.f32 $0xffff, v32;
	v28 =	vmul.f32 v33, v28;
	v31 =	vld [tilespmem:s13+$0x10];
	v32 =	vsel vm1, v7, v38;
	v7, _, _ =	vpop (xrf2);
	v33 =	vmul.f32 $1.442695020e+00, v40;
	s1 =	smin.f32 s1, $5.000000000e+00  }
0x1a1: {  	v38 =	vld [tilespmem:s31+$0xFFFFFFD0];
	[tilespmem:s0+$0xFFFFFF70] =	vst v22;
	(v2sf) =	vpush v7, $0xF;
	v22 =	vmov s1;
	v7 =	vmov v16  }
0x1a2: {  	v14 =	vmul.f32 v14, v37;
	v16 =	vld [tilespmem:s31+$0x50];
	v37 =	vpop (erf);
	v33 =	vbroadcast v33, $0x0;
	s1 =	spop (v2sf)  }
0x1a3: {  	(xrf2) =	vadd.scan.msk.f32 $0xffff, v24;
	v24 =	vld [tilespmem:s30+$0xFFFFFF20];
	v19 =	vmul.f32 v37, v19;
	v37 =	vsel vm1, v3, v37;
	(erf) = vpow2.f32 v35;
	v3, _, _ =	vpop (xrf2);
	s1 =	smax.f32 s1, $-5.000000000e+00  }
0x1a4: {  	v41 =	vmul.f32 $1.442695020e+00, v22;
	v35 =	vld [tilespmem:s26+$0xFFFFFFA0];
	v40 =	vpop (erf);
	(v2sf) =	vpush v3, $0xF;
	s1 =	smin.f32 s1, $5.000000000e+00;
	v3 =	vmov v26  }
0x1a5: {  	v22 =	vmovc v39;
	v26 =	vmul.f32 v31, v36;
	v31 =	vld [tilespmem:s30+$0xFFFFFF60];
	[tilespmem:s0+$0xFFFFFFC0] =	vst v19;
	v43 =	vmul.f32 v40, v17;
	v42 =	vmov s1;
	s1 =	spop (v2sf)  }
0x1a6: {  	v36 =	vsel vm1, v2, v40;
	v2 =	vmovc v34;
	(xrf2) =	vadd.scan.msk.f32 $0xffff, v28;
	v28 =	vld [tilespmem:s30+$0xFFFFFFA0];
	(erf) = vpow2.f32 v33;
	v33 =	vmul.f32 $1.442695020e+00, v42;
	s1 =	smax.f32 s1, $-5.000000000e+00  }
0x1a7: {  	v40 =	vbroadcast v41, $0x0;
	v34, _, _ =	vpop (xrf2);
	v39 =	vld [tilespmem:s26+$0xFFFFFFE0];
	[tilespmem:s0+$0x10] =	vst v43;
	s1 =	smin.f32 s1, $5.000000000e+00;
	v19 =	vmov v38;
	v17 =	vmov v16  }
0x1a8: {  	(v2sf) =	vpush v34, $0xF;
	v16 =	vld [tilespmem:s30+$0x20];
	v34 =	vpop (erf);
	v33 =	vbroadcast v33, $0x0;
	v38 =	vmov s1  }
0x1a9: {  	s1 =	spop (v2sf);
	(xrf2) =	vadd.scan.msk.f32 $0xffff, v14;
	v24 =	vmul.f32 v35, v24;
	v35 =	vld [tilespmem:s26+$0x20];
	v14 =	vmul.f32 v34, v13;
	v34 =	vsel vm2, v8, v34  }
0x1aa: {  	v38 =	vmul.f32 $1.442695020e+00, v38;
	v8 =	vmov v32;
	s1 =	smax.f32 s1, $-5.000000000e+00;
	v41, _, _ =	vpop (xrf2);
	v42 =	vld [tilespmem:s30+$0xFFFFFFE0];
	v13 =	vmov v31  }
0x1ab: {  	s1 =	smin.f32 s1, $5.000000000e+00;
	(v2sf) =	vpush v41, $0xF;
	v31 =	vld [tilespmem:s30+$0x60];
	[tilespmem:s22+$0xFFFFFF80] =	vst v14;
	(erf) = vpow2.f32 v40  }
0x1ac: {  	v38 =	vbroadcast v38, $0x0;
	v14 =	vmov s1;
	(xrf2) =	vadd.scan.msk.f32 $0xffff, v26;
	v26 =	vmul.f32 v39, v28;
	v28 =	vld [tilespmem:s24+$0xFFFFFF30];
	v32 =	vpop (erf)  }
0x1ad: {  	v39 =	vmul.f32 $1.442695020e+00, v14;
	v40, _, _ =	vpop (xrf2);
	s1 =	spop (v2sf);
	v41 =	vld [tilespmem:s14+$0xFFFFFFB0];
	v43 =	vmul.f32 v32, v15;
	v14 =	vsel vm2, v9, v32  }
0x1ae: {  	v9 =	vmovc v37;
	(v2sf) =	vpush v40, $0xF;
	s1 =	smax.f32 s1, $-5.000000000e+00;
	v32 =	vmul.f32 v35, v16;
	v35 =	vld [tilespmem:s24+$0xFFFFFF70];
	(erf) = vpow2.f32 v33  }
0x1af: {  	v33 =	vbroadcast v39, $0x0;
	s1 =	smin.f32 s1, $5.000000000e+00;
	(xrf2) =	vadd.scan.msk.f32 $0xffff, v24;
	[tilespmem:s22+$0xFFFFFFD0] =	vst v43;
	v15 =	vpop (erf);
	(erf) = vpow2.f32 v38  }
0x1b0: {  	v24 =	vmov s1;
	v37, _, _ =	vpop (xrf2);
	s1 =	spop (v2sf);
	v38 =	vld [tilespmem:s24+$0xFFFFFFB0];
	v39 =	vmul.f32 v15, v18;
	v16 =	vsel vm2, v10, v15  }
0x1b1: {  	v10 =	vmovc v36;
	v15 =	vmovc v42;
	(erf) = vpow2.f32 v33;
	v33 =	vmul.f32 $1.442695020e+00, v24;
	(v2sf) =	vpush v37, $0xF;
	s1 =	smax.f32 s1, $-5.000000000e+00;
	v37 =	vld [tilespmem:s14+$0xFFFFFFF0]  }
0x1b2: {  	v18 =	vmov v31;
	s1 =	smin.f32 s1, $5.000000000e+00;
	(xrf2) =	vadd.scan.msk.f32 $0xffff, v26;
	v28 =	vmul.f32 v41, v28;
	v24 =	vld [tilespmem:s24+$0xFFFFFFF0];
	[tilespmem:s22+$0x20] =	vst v39  }
0x1b3: {  	v26 =	vbroadcast v33, $0x0;
	v31, _, _ =	vpop (xrf2);
	v33 =	vmov s1;
	v36 =	vld [tilespmem:s24+$0x30];
	s1 =	spop (v2sf)  }
0x1b4: {  	(v2sf) =	vpush v31, $0xF;
	v33 =	vmul.f32 $1.442695020e+00, v33;
	v39 =	vld [tilespmem:s14+$0x30];
	s1 =	smax.f32 s1, $-5.000000000e+00;
	v31 =	vpop (erf);
	s14 =	smov.u32 s26;
	s26 =	smov.u32 s13  }
0x1b5: {  	s13 =	smov.u32 s17;
	(erf) = vpow2.f32 v26;
	(xrf2) =	vadd.scan.msk.f32 $0xffff, v32;
	v26 =	vld [tilespmem:s24+$0x70];
	s1 =	smin.f32 s1, $5.000000000e+00;
	v41 =	vmul.f32 v31, v12;
	v32 =	vsel vm3, v11, v31;
	v11 =	vmovc v34  }
.Ltmp3:
0x1b6: {  	v31 =	vld [tilespmem:s21+$0xC0];
	v34, _, _ =	vpop (xrf2);
	v42 =	vbroadcast v33, $0x0;
	v33 =	vmul.f32 v37, v38;
	v37 =	vmov s1;
	[tilespmem:s8+$0xFFFFFFA0] =	vst v32;
	(pc) =	sbr.rel @p1 .LBB2_5-.Ltmp3, $4  }
0x1b7: {  	v12 =	vmov v35;
	s1 =	spop (v2sf);
	(v2sf) =	vpush v34, $0xF;
	v32 =	vmul.f32 $1.442695020e+00, v37;
	[tilespmem:s8+$0xFFFFFF90] =	vst v41;
	v34 =	vpop (erf)  }
0x1b8: {  	s1 =	smax.f32 s1, $-5.000000000e+00;
	(erf) = vpow2.f32 v42;
	(xrf2) =	vadd.scan.msk.f32 $0xffff, v28;
	v37 =	vmul.f32 v34, v30;
	v41 =	vsel vm3, v25, v34;
	v38 =	vpop (erf)  }
0x1b9: {  	s1 =	smin.f32 s1, $5.000000000e+00;
	v40, _, _ =	vpop (xrf2);
	v34 =	vmul.f32 v39, v36;
	v30 =	vbroadcast v32, $0x0;
	[tilespmem:s8+$0xFFFFFFF0] =	vst v41;
	v28 =	vsel vm3, v29, v38  }
0x1ba: {  	s21 =	sadd.s32 $0x200, s21;
	v29 =	vmul.f32 v38, v27;
	v35 =	vmov s1;
	s25 =	spop (v2sf);
	v25 =	vpop (erf);
	v32 =	vld [tilespmem:s31+$0xD0];
	(v2sf) =	vpush v40, $0xF;
	[tilespmem:s8+$0xFFFFFFE0] =	vst v37  }
0x1bb: {  	s1 =	smax.f32 s25, $-5.000000000e+00  }
0x1bc: {  	s1 =	smin.f32 s1, $5.000000000e+00  }
0x1bd: {  	v27 =	vmul.f32 $1.442695020e+00, v35;
	v49 =	vmov s1  }
0x1be: {  	v35 =	vmul.f32 $1.442695020e+00, v49  }
0x1bf: {  	s21 =	spop (v2sf);
	v27 =	vbroadcast v27, $0x0  }
0x1c0: {  	(erf) = vpow2.f32 v30;
	s1 =	smax.f32 s21, $-5.000000000e+00;
	v50 =	vbroadcast v35, $0x0  }
0x1c1: {  	s1 =	smin.f32 s1, $5.000000000e+00;
	(erf) = vpow2.f32 v27  }
0x1c2: {  	v51 =	vmov s1;
	(erf) = vpow2.f32 v50  }
0x1c3: {  	v52 =	vmul.f32 $1.442695020e+00, v51  }
0x1c4: {  	v31 =	vmul.f32 v25, v31  }
0x1c5: {  	v53 =	vld [tilespmem:s30+$0xE0];
	v27 =	vbroadcast v52, $0x0;
	_ =	sdelay $0x1  }
0x1c6: {  	s16 =	sadd.s32 $0x140, s16;
	v30 =	vpop (erf);
	(erf) = vpow2.f32 v27  }
0x1c7: {  	[tilespmem:s16+$0x50] =	vst v31;
	v54 =	vmul.f32 v30, v32;
	v31 =	vpop (erf)  }
0x1c8: {  	v36 =	vld [tilespmem:s9+$0x90];
	v32 =	vpop (erf)  }
0x1c9: {  	v37 =	vld [tilespmem:s13+$0x50];
	[tilespmem:s12+$0x60] =	vst v54;
	v35 =	vmul.f32 v31, v53;
	v27 =	vpop (erf)  }
0x1ca: {  	v38 =	vld [tilespmem:s31+$0xA0];
	v55 =	vmul.f32 v27, v21;
	v21 =	vpop (erf)  }
0x1cb: {  	v39 =	vld [tilespmem:s26+$0x60];
	[tilespmem:s0+$0x70] =	vst v35;
	v20 =	vmul.f32 v21, v20  }
0x1cc: {  	v40 =	vld [tilespmem:s30+$0xB0]  }
0x1cd: {  	(xrf2) =	vadd.scan.msk.f32 $0xffff, v33;
	v41 =	vld [tilespmem:s14+$0x70];
	[tilespmem:s16+$0xFFFFFF60] =	vst v55  }
0x1ce: {  	(xrf2) =	vadd.scan.msk.f32 $0xffff, v34;
	v35 =	vld [tilespmem:s9+$0xFFFFFF10]  }
0x1cf: {  	v56 =	vld [tilespmem:s13+$0xFFFFFF90];
	[tilespmem:s16+$0xFFFFFFB0] =	vst v20;
	v20 =	vpop (erf)  }
0x1d0: {  	v57 =	vmul.f32 v37, v36;
	v58 =	vld [tilespmem:s9+$0xFFFFFF90];
	v23 =	vmul.f32 v20, v23  }
0x1d1: {  	v59 =	vmul.f32 v39, v38;
	v60 =	vld [tilespmem:s13+$0xFFFFFFD0]  }
0x1d2: {  	v61, _, _ =	vpop (xrf2);
	(xrf2) =	vadd.scan.msk.f32 $0xffff, v57;
	[tilespmem:s16+$0x0] =	vst v23  }
0x1d3: {  	(v2sf) =	vpush v61, $0xF;
	(xrf2) =	vadd.scan.msk.f32 $0xffff, v59;
	v62 =	vmul.f32 v41, v40;
	v63 =	vld [tilespmem:s9+$0x10]  }
0x1d4: {  	v39, _, _ =	vpop (xrf2);
	v33 =	vmul.f32 v56, v35;
	v40 =	vld [tilespmem:s13+$0x10]  }
0x1d5: {  	(v2sf) =	vpush v39, $0xF;
	v42, _, _ =	vpop (xrf2);
	(xrf2) =	vadd.scan.msk.f32 $0xffff, v62  }
0x1d6: {  	s25 =	spop (v2sf);
	(v2sf) =	vpush v42, $0xF;
	(xrf2) =	vadd.scan.msk.f32 $0xffff, v33;
	v41 =	vmul.f32 v60, v58  }
0x1d7: {  	s1 =	smax.f32 s25, $-5.000000000e+00;
	v44, _, _ =	vpop (xrf2)  }
0x1d8: {  	s1 =	smin.f32 s1, $5.000000000e+00;
	s17 =	spop (v2sf);
	(v2sf) =	vpush v44, $0xF;
	v46, _, _ =	vpop (xrf2);
	(xrf2) =	vadd.scan.msk.f32 $0xffff, v41  }
0x1d9: {  	v43 =	vmov s1;
	s1 =	smax.f32 s17, $-5.000000000e+00;
	s17 =	spop (v2sf);
	(v2sf) =	vpush v46, $0xF;
	v45 =	vmul.f32 v40, v63  }
0x1da: {  	_ = 	snop  }
0x1db: {  	(xrf2) =	vadd.scan.msk.f32 $0xffff, v45  }
0x1dc: {  	v48, _, _ =	vpop (xrf2)  }
0x1dd: {  	(v2sf) =	vpush v48, $0xF;
	v50, _, _ =	vpop (xrf2)  }
0x1de: {  	(v2sf) =	vpush v50, $0xF  }
0x1df: {  	s1 =	smin.f32 s1, $5.000000000e+00;
	s17 =	smax.f32 s17, $-5.000000000e+00;
	v51, _, _ =	vpop (xrf2)  }
0x1e0: {  	v47 =	vmov s1;
	s20 =	smin.f32 s17, $5.000000000e+00;
	(v2sf) =	vpush v51, $0xF;
	v53, _, _ =	vpop (xrf2)  }
0x1e1: {  	v49 =	vmov s20;
	s21 =	spop (v2sf);
	v23 =	vmul.f32 $1.442695020e+00, v43;
	(v2sf) =	vpush v53, $0xF  }
0x1e2: {  	s1 =	smax.f32 s21, $-5.000000000e+00;
	s25 =	spop (v2sf);
	v35 =	vmul.f32 $1.442695020e+00, v49;
	v33 =	vmul.f32 $1.442695020e+00, v47;
	v54, _, _ =	vpop (xrf2)  }
0x1e3: {  	s1 =	smin.f32 s1, $5.000000000e+00;
	s17 =	smax.f32 s25, $-5.000000000e+00;
	v23 =	vbroadcast v23, $0x0;
	(v2sf) =	vpush v54, $0xF  }
0x1e4: {  	v55 =	vmov s1;
	s17 =	smin.f32 s17, $5.000000000e+00;
	v52 =	vbroadcast v35, $0x0;
	v33 =	vbroadcast v33, $0x0;
	s20 =	spop (v2sf)  }
0x1e5: {  	v57 =	vmov s17;
	(erf) = vpow2.f32 v23;
	v23 =	vmul.f32 $1.442695020e+00, v55;
	s20 =	smax.f32 s20, $-5.000000000e+00;
	s25 =	spop (v2sf);
	v56, _, _ =	vpop (xrf2)  }
0x1e6: {  	v58 =	vmul.f32 $1.442695020e+00, v57;
	(erf) = vpow2.f32 v33;
	s21 =	smin.f32 s20, $5.000000000e+00;
	s17 =	smax.f32 s25, $-5.000000000e+00;
	(v2sf) =	vpush v56, $0xF  }
0x1e7: {  	v60 =	vbroadcast v23, $0x0;
	s20 =	spop (v2sf);
	s1 =	smin.f32 s17, $5.000000000e+00  }
0x1e8: {  	v33 =	vbroadcast v58, $0x0;
	(erf) = vpow2.f32 v52;
	v59 =	vmov s21;
	s21 =	smax.f32 s20, $-5.000000000e+00;
	s25 =	spop (v2sf)  }
0x1e9: {  	v34 =	vmul.f32 $1.442695020e+00, v59;
	(erf) = vpow2.f32 v60;
	v62 =	vmov s1;
	s1 =	smin.f32 s21, $5.000000000e+00;
	s17 =	smax.f32 s25, $-5.000000000e+00  }
0x1ea: {  	v35 =	vmul.f32 $1.442695020e+00, v62;
	(erf) = vpow2.f32 v33;
	v44 =	vmov s1;
	s17 =	smin.f32 s17, $5.000000000e+00  }
0x1eb: {  	v34 =	vbroadcast v34, $0x0;
	v33 =	vmul.f32 $1.442695020e+00, v44;
	v45 =	vmov s17  }
0x1ec: {  	v35 =	vbroadcast v35, $0x0;
	v46 =	vmul.f32 $1.442695020e+00, v45;
	s20 =	spop (v2sf)  }
0x1ed: {  	(erf) = vpow2.f32 v34;
	v33 =	vbroadcast v33, $0x0;
	s21 =	smax.f32 s20, $-5.000000000e+00;
	s25 =	spop (v2sf)  }
0x1ee: {  	v23 =	vpop (erf);
	(erf) = vpow2.f32 v35;
	v34 =	vbroadcast v46, $0x0;
	s1 =	smin.f32 s21, $5.000000000e+00;
	s17 =	smax.f32 s25, $-5.000000000e+00  }
0x1ef: {  	v61 =	vmul.f32 v23, v22;
	v22 =	vpop (erf);
	(erf) = vpow2.f32 v33;
	v47 =	vmov s1;
	s17 =	smin.f32 s17, $5.000000000e+00;
	s20 =	spop (v2sf)  }
0x1f0: {  	v42 =	vld [tilespmem:s9+$0xFFFFFFD0];
	v63 =	vmul.f32 v22, v19;
	v35 =	vmul.f32 $1.442695020e+00, v47;
	v48 =	vmov s17;
	s21 =	smax.f32 s20, $-5.000000000e+00;
	s25 =	spop (v2sf)  }
0x1f1: {  	v43 =	vld [tilespmem:s9+$0x50];
	v19 =	vpop (erf);
	(erf) = vpow2.f32 v34;
	v49 =	vmul.f32 $1.442695020e+00, v48;
	s1 =	smin.f32 s21, $5.000000000e+00;
	s17 =	smax.f32 s25, $-5.000000000e+00  }
0x1f2: {  	v41 =	vld [tilespmem:s9+$0xFFFFFF50];
	v17 =	vmul.f32 v19, v17;
	v50 =	vbroadcast v35, $0x0;
	v51 =	vmov s1;
	s17 =	smin.f32 s17, $5.000000000e+00;
	s20 =	spop (v2sf)  }
0x1f3: {  	v59 =	vld [tilespmem:s9+$0xD0];
	[tilespmem:s12+$0xFFFFFF70] =	vst v61;
	v33 =	vbroadcast v49, $0x0;
	v35 =	vmul.f32 $1.442695020e+00, v51;
	v52 =	vmov s17;
	s21 =	smax.f32 s20, $-5.000000000e+00  }
0x1f4: {  	v39 =	vld [tilespmem:s31+$0xFFFFFF20];
	(erf) = vpow2.f32 v50;
	v36 =	vmul.f32 $1.442695020e+00, v52;
	s1 =	smin.f32 s21, $5.000000000e+00  }
0x1f5: {  	v44 =	vld [tilespmem:s26+$0xFFFFFFA0];
	[tilespmem:s12+$0xFFFFFFC0] =	vst v63;
	(erf) = vpow2.f32 v33;
	v53 =	vbroadcast v35, $0x0;
	v54 =	vmov s1;
	s25 =	spop (v2sf)  }
0x1f6: {  	v34 =	vpop (erf);
	v45 =	vld [tilespmem:s31+$0xFFFFFFA0];
	v55 =	vbroadcast v36, $0x0;
	v56 =	vmul.f32 $1.442695020e+00, v54;
	s1 =	smax.f32 s25, $-5.000000000e+00  }
0x1f7: {  	v46 =	vld [tilespmem:s26+$0xFFFFFFE0];
	[tilespmem:s12+$0x10] =	vst v17;
	v13 =	vmul.f32 v34, v13;
	(erf) = vpow2.f32 v53;
	s1 =	smin.f32 s1, $5.000000000e+00  }
0x1f8: {  	v47 =	vld [tilespmem:s31+$0x20];
	v35 =	vpop (erf);
	(erf) = vpow2.f32 v55;
	v57 =	vbroadcast v56, $0x0;
	v58 =	vmov s1  }
0x1f9: {  	v48 =	vld [tilespmem:s26+$0x20];
	v37 =	vpop (erf);
	v60 =	vmul.f32 $1.442695020e+00, v58  }
0x1fa: {  	[tilespmem:s0+$0xFFFFFF80] =	vst v13;
	v50 =	vld [tilespmem:s31+$0xE0];
	v15 =	vmul.f32 v35, v15;
	v40 =	vpop (erf);
	(erf) = vpow2.f32 v57  }
0x1fb: {  	v49 =	vld [tilespmem:s30+$0xFFFFFF30];
	v38 =	vpop (erf);
	v61 =	vbroadcast v60, $0x0  }
0x1fc: {  	v51 =	vld [tilespmem:s14+$0xFFFFFFB0];
	v62 =	vmul.f32 v37, v18;
	[tilespmem:s0+$0xFFFFFFD0] =	vst v15;
	v36 =	vpop (erf)  }
0x1fd: {  	v52 =	vld [tilespmem:s30+$0xFFFFFFB0];
	v13 =	vpop (erf);
	(erf) = vpow2.f32 v61  }
0x1fe: {  	v53 =	vld [tilespmem:s14+$0xFFFFFFF0];
	[tilespmem:s0+$0x20] =	vst v62;
	v63 =	vmul.f32 v13, v59  }
0x1ff: {  	v54 =	vld [tilespmem:s30+$0x30];
	v56 =	vmul.f32 v44, v39;
	v33 =	vpop (erf)  }
0x200: {  	v45 =	vmul.f32 v46, v45;
	v57 =	vld [tilespmem:s14+$0x30];
	v39 =	vpop (erf);
	[tilespmem:s16+$0x60] =	vst v63;
	v58 =	vmul.f32 v33, v50  }
0x201: {  	v47 =	vmul.f32 v48, v47;
	(xrf2) =	vadd.scan.msk.f32 $0xffff, v56;
	v46 =	vld [tilespmem:s9+$0xA0];
	v17 =	vpop (erf)  }
0x202: {  	(xrf2) =	vadd.scan.msk.f32 $0xffff, v45;
	v59 =	vld [tilespmem:s13+$0x60];
	[tilespmem:s12+$0x70] =	vst v58;
	v60 =	vmul.f32 v17, v41  }
0x203: {  	(xrf2) =	vadd.scan.msk.f32 $0xffff, v47;
	v62 =	vld [tilespmem:s31+$0xB0];
	v61 =	vmul.f32 v51, v49;
	v18 =	vpop (erf)  }
0x204: {  	v63 =	vld [tilespmem:s26+$0x70];
	[tilespmem:s16+$0xFFFFFF70] =	vst v60;
	v42 =	vmul.f32 v18, v42  }
0x205: {  	v53 =	vmul.f32 v53, v52;
	(xrf2) =	vadd.scan.msk.f32 $0xffff, v61;
	v41 =	vld [tilespmem:s9+$0xFFFFFF20]  }
0x206: {  	v56 =	vmul.f32 v57, v54;
	v55 =	vld [tilespmem:s13+$0xFFFFFFA0];
	[tilespmem:s16+$0xFFFFFFC0] =	vst v42;
	v15 =	vpop (erf)  }
0x207: {  	(xrf2) =	vadd.scan.msk.f32 $0xffff, v53;
	v57 =	vld [tilespmem:s9+$0xFFFFFFA0];
	v43 =	vmul.f32 v15, v43  }
0x208: {  	v59 =	vmul.f32 v59, v46;
	(xrf2) =	vadd.scan.msk.f32 $0xffff, v56;
	v58 =	vld [tilespmem:s13+$0xFFFFFFE0]  }
0x209: {  	v60 =	vmul.f32 v63, v62;
	[tilespmem:s16+$0x10] =	vst v43  }
0x20a: {  	(xrf2) =	vadd.scan.msk.f32 $0xffff, v59;
	v61 =	vld [tilespmem:s9+$0x20]  }
0x20b: {  	v63, _, _ =	vpop (xrf2);
	(xrf2) =	vadd.scan.msk.f32 $0xffff, v60;
	v41 =	vmul.f32 v55, v41;
	v62 =	vld [tilespmem:s13+$0x20]  }
0x20c: {  	v48, _, _ =	vpop (xrf2);
	(v2sf) =	vpush v63, $0xF  }
0x20d: {  	(v2sf) =	vpush v48, $0xF;
	v49, _, _ =	vpop (xrf2);
	(xrf2) =	vadd.scan.msk.f32 $0xffff, v41;
	v44 =	vmul.f32 v58, v57;
	_ =	sdelay $0x1  }
0x20e: {  	(v2sf) =	vpush v49, $0xF;
	v50, _, _ =	vpop (xrf2);
	(xrf2) =	vadd.scan.msk.f32 $0xffff, v44  }
0x20f: {  	(v2sf) =	vpush v50, $0xF;
	v51 =	vmul.f32 v62, v61  }
0x210: {  	v52, _, _ =	vpop (xrf2)  }
0x211: {  	(v2sf) =	vpush v52, $0xF;
	v53, _, _ =	vpop (xrf2);
	(xrf2) =	vadd.scan.msk.f32 $0xffff, v51  }
0x212: {  	(v2sf) =	vpush v53, $0xF  }
0x213: {  	v54, _, _ =	vpop (xrf2)  }
0x214: {  	(v2sf) =	vpush v54, $0xF;
	v55, _, _ =	vpop (xrf2)  }
0x215: {  	(v2sf) =	vpush v55, $0xF  }
0x216: {  	v56, _, _ =	vpop (xrf2)  }
0x217: {  	(v2sf) =	vpush v56, $0xF  }
0x218: {  	v57, _, _ =	vpop (xrf2)  }
0x219: {  	(v2sf) =	vpush v57, $0xF  }
0x21a: {  	s17 =	spop (v2sf)  }
0x21b: {  	s1 =	smax.f32 s17, $-5.000000000e+00;
	s20 =	spop (v2sf);
	v58, _, _ =	vpop (xrf2)  }
0x21c: {  	s1 =	smin.f32 s1, $5.000000000e+00;
	s14 =	smax.f32 s20, $-5.000000000e+00;
	(v2sf) =	vpush v58, $0xF  }
0x21d: {  	s21 =	spop (v2sf);
	v59 =	vmov s1;
	s14 =	smin.f32 s14, $5.000000000e+00  }
0x21e: {  	s17 =	smax.f32 s21, $-5.000000000e+00;
	v41 =	vmul.f32 $1.442695020e+00, v59;
	s25 =	spop (v2sf)  }
0x21f: {  	v60 =	vmov s14;
	s20 =	smin.f32 s17, $5.000000000e+00;
	s1 =	smax.f32 s25, $-5.000000000e+00  }
0x220: {  	v42 =	vmul.f32 $1.442695020e+00, v60;
	v61 =	vmov s20;
	v41 =	vbroadcast v41, $0x0;
	s21 =	spop (v2sf);
	s1 =	smin.f32 s1, $5.000000000e+00  }
0x221: {  	v43 =	vmul.f32 $1.442695020e+00, v61;
	s14 =	smax.f32 s21, $-5.000000000e+00;
	s25 =	spop (v2sf)  }
0x222: {  	v42 =	vbroadcast v42, $0x0;
	(erf) = vpow2.f32 v41;
	v62 =	vmov s1;
	s14 =	smin.f32 s14, $5.000000000e+00;
	s20 =	smax.f32 s25, $-5.000000000e+00  }
0x223: {  	v43 =	vbroadcast v43, $0x0;
	s25 =	spop (v2sf);
	v41 =	vmul.f32 $1.442695020e+00, v62;
	v63 =	vmov s14;
	s21 =	smin.f32 s20, $5.000000000e+00  }
0x224: {  	(erf) = vpow2.f32 v42;
	s14 =	smax.f32 s25, $-5.000000000e+00;
	s17 =	spop (v2sf);
	v48 =	vmul.f32 $1.442695020e+00, v63  }
0x225: {  	(erf) = vpow2.f32 v43;
	v49 =	vmov s21;
	s1 =	smin.f32 s14, $5.000000000e+00;
	s14 =	smax.f32 s17, $-5.000000000e+00;
	v41 =	vbroadcast v41, $0x0  }
0x226: {  	v44 =	vmul.f32 $1.442695020e+00, v49;
	s14 =	smin.f32 s14, $5.000000000e+00;
	v51 =	vmov s1;
	v42 =	vbroadcast v48, $0x0;
	s20 =	spop (v2sf)  }
0x227: {  	v52 =	vmov s14;
	v53 =	vmul.f32 $1.442695020e+00, v51;
	(erf) = vpow2.f32 v41;
	s21 =	smax.f32 s20, $-5.000000000e+00  }
0x228: {  	v50 =	vbroadcast v44, $0x0;
	v54 =	vmul.f32 $1.442695020e+00, v52;
	s1 =	smin.f32 s21, $5.000000000e+00;
	s25 =	spop (v2sf)  }
0x229: {  	(erf) = vpow2.f32 v42;
	v42 =	vbroadcast v53, $0x0;
	v55 =	vmov s1;
	s17 =	smax.f32 s25, $-5.000000000e+00  }
0x22a: {  	(erf) = vpow2.f32 v50;
	v43 =	vmul.f32 $1.442695020e+00, v55;
	s20 =	smin.f32 s17, $5.000000000e+00  }
0x22b: {  	v56 =	vld [tilespmem:s31+$0xFFFFFF60];
	v41 =	vbroadcast v54, $0x0;
	(erf) = vpow2.f32 v42;
	v57 =	vmov s20;
	s21 =	spop (v2sf)  }
0x22c: {  	v58 =	vbroadcast v43, $0x0;
	v45 =	vmul.f32 $1.442695020e+00, v57;
	s1 =	smax.f32 s21, $-5.000000000e+00  }
0x22d: {  	v59 =	vld [tilespmem:s31+$0xFFFFFFE0];
	(erf) = vpow2.f32 v41;
	s1 =	smin.f32 s1, $5.000000000e+00  }
0x22e: {  	v63 =	vld [tilespmem:s31+$0x60];
	v47 =	vpop (erf);
	(erf) = vpow2.f32 v58;
	v61 =	vbroadcast v45, $0x0;
	v62 =	vmov s1  }
0x22f: {  	v51 =	vld [tilespmem:s9+$0xFFFFFF60];
	v60 =	vmul.f32 $1.442695020e+00, v62  }
0x230: {  	v52 =	vld [tilespmem:s9+$0xFFFFFFE0];
	v44 =	vmul.f32 v47, v56;
	v46 =	vpop (erf);
	(erf) = vpow2.f32 v61  }
0x231: {  	v42 =	vpop (erf);
	v61 =	vld [tilespmem:s9+$0xE0];
	v45 =	vbroadcast v60, $0x0  }
0x232: {  	v53 =	vld [tilespmem:s9+$0x60];
	[tilespmem:s12+$0xFFFFFF80] =	vst v44;
	v43 =	vmul.f32 v46, v59;
	v54 =	vpop (erf)  }
0x233: {  	v55 =	vld [tilespmem:s31+$0xFFFFFF30];
	v50 =	vpop (erf);
	(erf) = vpow2.f32 v45  }
0x234: {  	v56 =	vld [tilespmem:s26+$0xFFFFFFB0];
	[tilespmem:s12+$0xFFFFFFD0] =	vst v43;
	v48 =	vpop (erf);
	v62 =	vmul.f32 v42, v63  }
0x235: {  	v57 =	vld [tilespmem:s31+$0xFFFFFFB0];
	v45 =	vpop (erf)  }
0x236: {  	v58 =	vld [tilespmem:s26+$0xFFFFFFF0];
	[tilespmem:s12+$0x20] =	vst v62;
	v41 =	vmul.f32 v45, v61;
	v49 =	vpop (erf)  }
0x237: {  	v59 =	vld [tilespmem:s31+$0x30];
	v44 =	vpop (erf)  }
0x238: {  	v60 =	vld [tilespmem:s26+$0x30];
	[tilespmem:s16+$0x70] =	vst v41;
	v63 =	vmul.f32 v44, v51  }
0x239: {  	v43 =	vpop (erf);
	v51 =	vld [tilespmem:s9+$0xB0]  }
0x23a: {  	v55 =	vmul.f32 v56, v55;
	v56 =	vld [tilespmem:s13+$0x70];
	v52 =	vmul.f32 v43, v52;
	[tilespmem:s16+$0xFFFFFF80] =	vst v63  }
0x23b: {  	v61 =	vld [tilespmem:s9+$0xFFFFFF30]  }
0x23c: {  	(xrf2) =	vadd.scan.msk.f32 $0xffff, v55;
	v57 =	vmul.f32 v58, v57;
	[tilespmem:s16+$0xFFFFFFD0] =	vst v52;
	v52 =	vld [tilespmem:s13+$0xFFFFFFB0];
	v41 =	vpop (erf)  }
0x23d: {  	v60 =	vmul.f32 v60, v59;
	v53 =	vmul.f32 v41, v53  }
0x23e: {  	(xrf2) =	vadd.scan.msk.f32 $0xffff, v57;
	v58 =	vld [tilespmem:s9+$0xFFFFFFB0]  }
0x23f: {  	(xrf2) =	vadd.scan.msk.f32 $0xffff, v60;
	v51 =	vmul.f32 v56, v51;
	[tilespmem:s16+$0x20] =	vst v53;
	v53 =	vld [tilespmem:s13+$0xFFFFFFF0]  }
0x240: {  	v62 =	vld [tilespmem:s9+$0x30]  }
0x241: {  	v63 =	vld [tilespmem:s13+$0x30];
	(xrf2) =	vadd.scan.msk.f32 $0xffff, v51;
	v60 =	vmul.f32 v52, v61;
	_ =	sdelay $0x1  }
0x242: {  	(xrf2) =	vadd.scan.msk.f32 $0xffff, v60;
	_ =	sdelay $0x1  }
0x243: {  	v61 =	vmul.f32 v53, v58  }
0x244: {  	v62 =	vmul.f32 v63, v62;
	v63, _, _ =	vpop (xrf2)  }
0x245: {  	(xrf2) =	vadd.scan.msk.f32 $0xffff, v61;
	(v2sf) =	vpush v63, $0xF  }
0x246: {  	v56, _, _ =	vpop (xrf2);
	(xrf2) =	vadd.scan.msk.f32 $0xffff, v62  }
0x247: {  	v57, _, _ =	vpop (xrf2);
	(v2sf) =	vpush v56, $0xF  }
0x248: {  	(v2sf) =	vpush v57, $0xF  }
0x249: {  	v58, _, _ =	vpop (xrf2)  }
0x24a: {  	(v2sf) =	vpush v58, $0xF  }
0x24b: {  	v59, _, _ =	vpop (xrf2)  }
0x24c: {  	(v2sf) =	vpush v59, $0xF;
	_ =	sdelay $0x2  }
0x24d: {  	v60, _, _ =	vpop (xrf2)  }
0x24e: {  	(v2sf) =	vpush v60, $0xF;
	v62, _, _ =	vpop (xrf2)  }
0x24f: {  	(v2sf) =	vpush v62, $0xF;
	_ =	sdelay $0x2  }
0x250: {  	[tilespmem:s8+$0x40] =	vst v28;
	v4 =	vsel vm1, v4, v30;
	s25 =	spop (v2sf)  }
0x251: {  	[tilespmem:s8+$0x30] =	vst v29;
	v5 =	vsel vm2, v5, v31;
	v6 =	vsel vm3, v6, v32;
	v11 =	vsel vm3, v11, v40;
	v61 =	vld [tilespmem:s24+$0xF0];
	s1 =	smax.f32 s25, $-5.000000000e+00  }
0x252: {  	v9 =	vsel vm2, v9, v35;
	v10 =	vsel vm2, v10, v37;
	[tilespmem:s22+$0xFFFFFFA0] =	vst v11;
	v14 =	vsel vm3, v14, v38;
	s26 =	spop (v2sf);
	s1 =	smin.f32 s1, $5.000000000e+00  }
0x253: {  	[tilespmem:s22+$0xFFFFFFF0] =	vst v14;
	v16 =	vsel vm3, v16, v36;
	v4 =	vsel vm2, v4, v33;
	v5 =	vsel vm3, v5, v39;
	s8 =	smax.f32 s26, $-5.000000000e+00;
	s13 =	spop (v2sf)  }
0x254: {  	v53 =	vmul.f32 v38, v24;
	[tilespmem:s22+$0x90] =	vst v6;
	v6 =	vsel vm1, v7, v23;
	v52 =	vmov s1;
	s1 =	smin.f32 s8, $5.000000000e+00;
	s8 =	smax.f32 s13, $-5.000000000e+00  }
0x255: {  	[tilespmem:s22+$0x40] =	vst v16;
	v56 =	vmul.f32 v36, v26;
	v11 =	vmul.f32 $1.442695020e+00, v52;
	v57 =	vmov s1;
	s14 =	smin.f32 s8, $5.000000000e+00;
	s17 =	spop (v2sf)  }
0x256: {  	v51 =	vld [tilespmem:s30+$0xF0];
	[tilespmem:s0+$0x90] =	vst v5;
	v63 =	vmul.f32 v32, v61;
	v58 =	vmul.f32 $1.442695020e+00, v57;
	v59 =	vmov s14;
	s20 =	smax.f32 s17, $-5.000000000e+00  }
0x257: {  	[tilespmem:s22+$0xFFFFFFE0] =	vst v53;
	v32 =	vsel vm2, v8, v34;
	v11 =	vbroadcast v11, $0x0;
	v24 =	vmul.f32 $1.442695020e+00, v59;
	s1 =	smin.f32 s20, $5.000000000e+00;
	s21 =	spop (v2sf)  }
0x258: {  	v26 =	vld [tilespmem:s31+$0xF0];
	[tilespmem:s22+$0x30] =	vst v56;
	v34 =	vmul.f32 v40, v12;
	v8 =	vbroadcast v58, $0x0;
	v62 =	vmov s1;
	s1 =	smax.f32 s21, $-5.000000000e+00  }
0x259: {  	v61 =	vld [tilespmem:s30+$0x70];
	v7 =	vsel vm3, v32, v54;
	[tilespmem:s22+$0x80] =	vst v63;
	(erf) = vpow2.f32 v11;
	v63 =	vbroadcast v24, $0x0;
	s1 =	smin.f32 s1, $5.000000000e+00  }
0x25a: {  	v55 =	vld [tilespmem:s30+$0xFFFFFF70];
	[tilespmem:s22+$0xFFFFFF90] =	vst v34;
	v11 =	vmul.f32 $1.442695020e+00, v62;
	(erf) = vpow2.f32 v8;
	v29 =	vmov s1  }
0x25b: {  	v4 =	vsel vm3, v4, v49;
	[tilespmem:s0+$0xFFFFFFA0] =	vst v7;
	v60 =	vld [tilespmem:s30+$0xFFFFFFF0];
	(erf) = vpow2.f32 v63;
	s22 =	spop (v2sf);
	v7 =	vmul.f32 $1.442695020e+00, v29  }
0x25c: {  	v10 =	vsel vm3, v10, v48;
	[tilespmem:s12+$0x90] =	vst v4;
	v12 =	vmul.f32 v39, v51;
	v28 =	vbroadcast v11, $0x0;
	s24 =	smax.f32 s22, $-5.000000000e+00;
	s25 =	spop (v2sf)  }
0x25d: {  	v9 =	vsel vm3, v9, v50;
	[tilespmem:s0+$0x40] =	vst v10;
	v36 =	vmul.f32 v49, v26;
	s1 =	smin.f32 s24, $5.000000000e+00;
	s8 =	smax.f32 s25, $-5.000000000e+00;
	v7 =	vbroadcast v7, $0x0  }
0x25e: {  	[tilespmem:s0+$0x80] =	vst v12;
	v32 =	vmul.f32 v48, v61;
	(erf) = vpow2.f32 v28;
	v33 =	vmov s1;
	s26 =	smin.f32 s8, $5.000000000e+00  }
0x25f: {  	v31 =	vld [tilespmem:s31+$0xFFFFFF70];
	[tilespmem:s12+$0x80] =	vst v36;
	v5 =	vmul.f32 $1.442695020e+00, v33;
	v34 =	vmov s26;
	(erf) = vpow2.f32 v7  }
0x260: {  	v37 =	vld [tilespmem:s31+$0x70];
	[tilespmem:s0+$0xFFFFFFF0] =	vst v9;
	v30 =	vmul.f32 v50, v60;
	v8 =	vmul.f32 $1.442695020e+00, v34  }
0x261: {  	v35 =	vld [tilespmem:s31+$0xFFFFFFF0];
	[tilespmem:s0+$0x30] =	vst v32;
	v24 =	vmul.f32 v54, v55;
	v5 =	vbroadcast v5, $0x0  }
0x262: {  	v3 =	vsel vm1, v3, v22;
	v6 =	vsel vm2, v6, v47;
	[tilespmem:s0+$0xFFFFFFE0] =	vst v30;
	v38 =	vpop (erf);
	v39 =	vbroadcast v8, $0x0  }
0x263: {  	v3 =	vsel vm2, v3, v46;
	[tilespmem:s0+$0xFFFFFF90] =	vst v24;
	v4 =	vsel vm3, v6, v38;
	v46 =	vpop (erf);
	(erf) = vpow2.f32 v5  }
0x264: {  	v47 =	vld [tilespmem:s9+$0xF0];
	v40 =	vmul.f32 v38, v31;
	[tilespmem:s12+$0xFFFFFFA0] =	vst v4;
	v48 =	vpop (erf);
	v3 =	vsel vm3, v3, v46;
	(erf) = vpow2.f32 v39  }
0x265: {  	v2 =	vsel vm1, v2, v19;
	[tilespmem:s12+$0xFFFFFFF0] =	vst v3;
	v3 =	vmul.f32 v48, v37  }
0x266: {  	v53 =	vnsel vm0, $0x0, v27;
	v51 =	vld [tilespmem:s9+$0xFFFFFF70];
	v50 =	vnsel vm0, $0x0, v25;
	v49 =	vmul.f32 v46, v35;
	[tilespmem:s12+$0xFFFFFF90] =	vst v40  }
0x267: {  	v2 =	vsel vm2, v2, v42;
	v4 =	vsel vm1, v50, v13;
	v52 =	vpop (erf);
	[tilespmem:s12+$0x30] =	vst v3;
	v3 =	vsel vm1, v53, v17  }
0x268: {  	v54 =	vld [tilespmem:s9+$0xFFFFFFF0];
	v4 =	vsel vm2, v4, v45;
	v2 =	vsel vm3, v2, v48;
	[tilespmem:s12+$0xFFFFFFE0] =	vst v49;
	v3 =	vsel vm2, v3, v44;
	v57 =	vpop (erf)  }
0x269: {  	v55 =	vld [tilespmem:s9+$0x70];
	[tilespmem:s12+$0x40] =	vst v2;
	v2 =	vmul.f32 v52, v47;
	v4 =	vsel vm3, v4, v52;
	v3 =	vsel vm3, v3, v57  }
0x26a: {  	v56 =	vnsel vm0, $0x0, v21;
	[tilespmem:s16+$0x90] =	vst v4  }
0x26b: {  	v5 =	vsel vm1, v56, v18;
	[tilespmem:s16+$0x80] =	vst v2;
	v2 =	vmul.f32 v57, v51  }
0x26c: {  	v58 =	vsel vm2, v5, v43;
	[tilespmem:s16+$0xFFFFFFA0] =	vst v3;
	v3 =	vpop (erf)  }
0x26d: {  	v59 =	vnsel vm0, $0x0, v20;
	[tilespmem:s16+$0xFFFFFF90] =	vst v2;
	v2 =	vmul.f32 v3, v54;
	v3 =	vsel vm3, v58, v3;
	v60 =	vpop (erf)  }
0x26e: {  	v5 =	vsel vm1, v59, v15;
	[tilespmem:s16+$0xFFFFFFF0] =	vst v3;
	v3 =	vmul.f32 v60, v55  }
0x26f: {  	v5 =	vsel vm2, v5, v41;
	[tilespmem:s16+$0xFFFFFFE0] =	vst v2  }
0x270: {  	v2 =	vsel vm3, v5, v60;
	[tilespmem:s16+$0x30] =	vst v3  }
0x271: {  	[tilespmem:s16+$0x40] =	vst v2  }
0x272: {  	v2 =	vld [tilespmem:$0x50]  }
0x273: {  	v3 =	vld [tilespmem:$0x60]  }
0x274: {  	v61 =	vld [tilespmem:$0x70]  }
0x275: {  	v62 =	vld [tilespmem:$0x80]  }
0x276: {  	v63 =	vld [tilespmem:$0x90]  }
0x277: {  	p1 =	sne.s32 s23, $0x7C;
	[tilespmem:$0x1E0] =	vst v2  }
.Ltmp4:
0x278: {  	[tilespmem:$0x1F0] =	vst v3;
	(pc) =	sbr.rel @p1 .LBB2_8-.Ltmp4, $4  }
0x279: {  	[tilespmem:$0x200] =	vst v61  }
0x27a: {  	[tilespmem:$0x210] =	vst v62  }
0x27b: {  	s31 =	simm.s32 $0x1E0;
	s30 =	simm.s32 $0x7A80;
	[tilespmem:$0x220] =	vst v63  }
0x27c: {  	[spmem:s2] =	stream.indirect.scatter.add.f32 [tilespmem:s30], [sflag:$0x5], $0x50, s31, s28, $0xb8;
	[tilespmem:$0x16FD0] =	vst v63  }
0x27d: {  	_ =	swait.ge [sflag:s18], $0x2800  }
.Ltmp5:
0x27e: {  	[sflag:s18] =	ssyncset.done $0x0;
	(pc) =	sbr.rel .LBB2_9-.Ltmp5, $4  }
0x27f: {  	[sflag:s18] =	ssyncadd.s32 $0xFFFFD800  }
0x280: {  	_ =	swait.ge [sflag:s18], $0x1400  }
0x281: {  	[sflag:s18] =	ssyncset.done $0x0  }
0x282: {  	[sflag:s18] =	ssyncadd.s32 $0xFFFFEC00  }
.LBB2_8:
0x283: {  	s0 =	smul.u32 $0xA0, s23  }
0x284: {  	s1 =	rddreg [dreg:$0xa]  }
0x285: {  	s0 =	sadd.s32 s0, s1  }
0x286: {  	s0 =	sshrl.u32 s0, $0x3  }
0x287: {  	s25 =	sadd.s32 s6, s0  }
0x288: {  	[tilespmem:s4], [sflag:$0x1] =	stream.linear.gather [hbm4b:s25+s4], $0x50, $0x38;
	[tilespmem:$0x16FD0] =	vst v63  }
0x289: {  	s0 =	sadd.s32 s7, s0  }
0x28a: {  	[tilespmem:s28], [sflag:$0x1] =	stream.linear.gather [hbm4b:s0+s4], $0x50, $0x38;
	[tilespmem:$0x16FD0] =	vst v63  }
0x28b: {  	_ =	swait.ge [sflag:s18], $0x2800  }
0x28c: {  	[sflag:s18] =	ssyncset.done $0x0  }
0x28d: {  	[sflag:s18] =	ssyncadd.s32 $0xFFFFD800  }
0x28e: {  	_ =	swait.ge [sflag:s18], $0x1400  }
0x28f: {  	[sflag:s18] =	ssyncset.done $0x0  }
0x290: {  	[sflag:s18] =	ssyncadd.s32 $0xFFFFEC00  }
0x291: {  	_ =	swait.ge [sflag:s29], $0x50  }
0x292: {  	[sflag:s29] =	ssyncset.done $0x0  }
0x293: {  	[sflag:s29] =	ssyncadd.s32 $0xFFFFFFB0  }
0x294: {  	_ =	swait.ge [sflag:s29], $0x50  }
0x295: {  	[sflag:s29] =	ssyncset.done $0x0  }
0x296: {  	[sflag:s29] =	ssyncadd.s32 $0xFFFFFFB0  }
0x297: {  	v2 =	vld [tilespmem:$0x0]  }
0x298: {  	v3 =	vld [tilespmem:$0x50]  }
0x299: {  	v4 =	vld [tilespmem:$0x10]  }
0x29a: {  	v5 =	vld [tilespmem:$0x60]  }
0x29b: {  	v6 =	vld [tilespmem:$0x20]  }
0x29c: {  	v7 =	vld [tilespmem:$0x70];
	v2 =	vadd.s32 v0, v2  }
0x29d: {  	[tilespmem:$0x0] =	vst v2;
	v2 =	vadd.s32 v0, v3;
	v3 =	vld [tilespmem:$0x30]  }
0x29e: {  	v61 =	vld [tilespmem:$0x80];
	[tilespmem:$0xA0] =	vst v2;
	v2 =	vadd.s32 v0, v4  }
0x29f: {  	v62 =	vld [tilespmem:$0x40];
	[tilespmem:$0x10] =	vst v2;
	v2 =	vadd.s32 v0, v5  }
0x2a0: {  	v63 =	vld [tilespmem:$0x90];
	[tilespmem:$0xB0] =	vst v2;
	v2 =	vadd.s32 v0, v6  }
0x2a1: {  	[tilespmem:$0x20] =	vst v2;
	v2 =	vadd.s32 v0, v7  }
0x2a2: {  	[tilespmem:$0xC0] =	vst v2;
	v2 =	vadd.s32 v0, v3  }
0x2a3: {  	[tilespmem:$0x30] =	vst v2;
	v2 =	vadd.s32 v0, v61  }
0x2a4: {  	[tilespmem:$0xD0] =	vst v2;
	v2 =	vadd.s32 v0, v62  }
.Ltmp6:
0x2a5: {  	[tilespmem:$0x40] =	vst v2;
	v2 =	vadd.s32 v0, v63;
	(pc) =	sbr.rel @p0 .LBB2_10-.Ltmp6, $4  }
0x2a6: {  	s26 =	simm.s32 $0x280;
	[tilespmem:$0xE0] =	vst v2  }
0x2a7: {  	[tilespmem:s26], [sflag:$0x3] =	stream.indirect.gather [hbm4b:s5+s28], $0x80, s4, s28, $0xb8;
	[tilespmem:$0x16FD0] =	vst v63  }
0x2a8: {  	s31 =	simm.s32 $0xA0;
	s8 =	simm.s32 $0x2A80;
	s30 =	rddreg [dreg:$0x1]  }
0x2a9: {  	[tilespmem:s8], [sflag:$0x3] =	stream.indirect.gather [hbm4b:s30+s28], $0x40, s31, s28, $0xb8;
	[tilespmem:$0x16FD0] =	vst v63  }
.LBB2_9:
0x2aa: {  	_ =	swait.ge [sflag:s19], $0x1900  }
0x2ab: {  	[sflag:s19] =	ssyncset.done $0x0  }
0x2ac: {  	[sflag:s19] =	ssyncadd.s32 $0xFFFFE700  }
.LBB2_10:
0x2ad: {  	s13 =	simm.s32 $0x3F80  }
0x2ae: {  	s9 =	simm.s32 $0x6700;
	v2 =	vld [tilespmem:s13+$0x80]  }
0x2af: {  	v3 =	vld [tilespmem:s9+$0x40];
	_ =	sdelay $0x4  }
0x2b0: {  	v2 =	vmul.f32 v3, v2;
	_ =	sdelay $0x1  }
0x2b1: {  	(xrf2) =	vadd.scan.msk.f32 $0xffff, v2;
	_ =	sdelay $0x9  }
0x2b2: {  	v2, _, _ =	vpop (xrf2)  }
0x2b3: {  	(v2sf) =	vpush v2, $0xF;
	_ =	sdelay $0x6  }
0x2b4: {  	v4 =	vld [tilespmem:s13+$0xFFFFFF00]  }
0x2b5: {  	v2 =	vld [tilespmem:s9+$0xFFFFFF80]  }
0x2b6: {  	v5 =	vld [tilespmem:s9+$0xFFFFFFC0]  }
0x2b7: {  	v6 =	vld [tilespmem:s13+$0x0]  }
0x2b8: {  	v3 =	vld [tilespmem:s13+$0xFFFFFF80]  }
0x2b9: {  	v7 =	vld [tilespmem:s9+$0x0]  }
0x2ba: {  	v2 =	vmul.f32 v2, v4;
	_ =	sdelay $0x1  }
0x2bb: {  	(xrf2) =	vadd.scan.msk.f32 $0xffff, v2;
	s0 =	spop (v2sf)  }
0x2bc: {  	v3 =	vmul.f32 v5, v3;
	s0 =	smax.f32 s0, $-5.000000000e+00  }
0x2bd: {  	v2 =	vmul.f32 v7, v6;
	s0 =	smin.f32 s0, $5.000000000e+00  }
0x2be: {  	(xrf2) =	vadd.scan.msk.f32 $0xffff, v3;
	v3 =	vmov s0  }
0x2bf: {  	(xrf2) =	vadd.scan.msk.f32 $0xffff, v2;
	v2 =	vmul.f32 $1.442695020e+00, v3;
	_ =	sdelay $0x1  }
0x2c0: {  	v2 =	vbroadcast v2, $0x0;
	_ =	sdelay $0x2  }
0x2c1: {  	(erf) = vpow2.f32 v2  }
0x2c2: {  	v2, _, _ =	vpop (xrf2)  }
0x2c3: {  	(v2sf) =	vpush v2, $0xF  }
0x2c4: {  	s12 =	simm.s32 $0x6800  }
0x2c5: {  	v5 =	vld [tilespmem:s12+$0x40];
	v2, _, _ =	vpop (xrf2)  }
0x2c6: {  	s24 =	simm.s32 $0x4180;
	v3 =	vld [tilespmem:s13+$0xC0];
	(v2sf) =	vpush v2, $0xF;
	v2, _, _ =	vpop (xrf2)  }
0x2c7: {  	v4 =	vld [tilespmem:s24+$0x80];
	(v2sf) =	vpush v2, $0xF;
	_ =	sdelay $0x2  }
0x2c8: {  	v2 =	vpop (erf)  }
0x2c9: {  	v3 =	vmul.f32 v2, v3  }
0x2ca: {  	s8 =	simm.s32 $0x9420;
	v4 =	vmul.f32 v5, v4  }
0x2cb: {  	[tilespmem:s8+$0x50] =	vst v3  }
0x2cc: {  	(xrf2) =	vadd.scan.msk.f32 $0xffff, v4;
	v3 =	vld [tilespmem:s13+$0x90]  }
0x2cd: {  	v4 =	vld [tilespmem:s9+$0x50];
	_ =	sdelay $0x2  }
0x2ce: {  	s16 =	spop (v2sf)  }
0x2cf: {  	s0 =	smax.f32 s16, $-5.000000000e+00  }
0x2d0: {  	v3 =	vmul.f32 v4, v3;
	s0 =	smin.f32 s0, $5.000000000e+00  }
0x2d1: {  	s1 =	spop (v2sf);
	v4 =	vmov s0  }
0x2d2: {  	s1 =	smax.f32 s1, $-5.000000000e+00;
	(xrf2) =	vadd.scan.msk.f32 $0xffff, v3;
	s20 =	spop (v2sf);
	v3 =	vmul.f32 $1.442695020e+00, v4  }
0x2d3: {  	s17 =	smin.f32 s1, $5.000000000e+00;
	s0 =	smax.f32 s20, $-5.000000000e+00  }
0x2d4: {  	v5, _, _ =	vpop (xrf2);
	v4 =	vmov s17;
	s0 =	smin.f32 s0, $5.000000000e+00;
	v3 =	vbroadcast v3, $0x0  }
0x2d5: {  	(v2sf) =	vpush v5, $0xF;
	v4 =	vmul.f32 $1.442695020e+00, v4;
	v5 =	vmov s0  }
0x2d6: {  	(erf) = vpow2.f32 v3;
	v3 =	vmul.f32 $1.442695020e+00, v5  }
0x2d7: {  	v4 =	vbroadcast v4, $0x0  }
0x2d8: {  	v3 =	vbroadcast v3, $0x0  }
0x2d9: {  	(erf) = vpow2.f32 v4;
	_ =	sdelay $0x1  }
0x2da: {  	v4 =	vld [tilespmem:s13+$0xFFFFFF40];
	(erf) = vpow2.f32 v3  }
0x2db: {  	v8 =	vld [tilespmem:s24+$0xFFFFFF00];
	v3, _, _ =	vpop (xrf2)  }
0x2dc: {  	v6 =	vld [tilespmem:s13+$0xFFFFFFC0];
	(v2sf) =	vpush v3, $0xF  }
0x2dd: {  	v7 =	vld [tilespmem:s12+$0xFFFFFF80]  }
0x2de: {  	v9 =	vld [tilespmem:s13+$0x40];
	v5 =	vpop (erf)  }
0x2df: {  	v10 =	vld [tilespmem:s24+$0xFFFFFF80];
	v4 =	vmul.f32 v5, v4  }
0x2e0: {  	v11 =	vld [tilespmem:s12+$0xFFFFFFC0]  }
0x2e1: {  	v12 =	vld [tilespmem:s24+$0x0];
	v3 =	vpop (erf)  }
0x2e2: {  	v7 =	vmul.f32 v7, v8;
	v8 =	vld [tilespmem:s12+$0x0];
	v6 =	vmul.f32 v3, v6;
	[tilespmem:s8+$0xFFFFFF60] =	vst v4  }
0x2e3: {  	v13 =	vld [tilespmem:s13+$0xFFFFFF10];
	v4 =	vpop (erf)  }
0x2e4: {  	s21 =	spop (v2sf);
	[tilespmem:s8+$0xFFFFFFB0] =	vst v6;
	v6 =	vld [tilespmem:s9+$0xFFFFFF90];
	v9 =	vmul.f32 v4, v9  }
0x2e5: {  	(xrf2) =	vadd.scan.msk.f32 $0xffff, v7;
	v7 =	vmul.f32 v11, v10;
	s0 =	smax.f32 s21, $-5.000000000e+00;
	v10 =	vld [tilespmem:s13+$0xFFFFFF90]  }
0x2e6: {  	s0 =	smin.f32 s0, $5.000000000e+00;
	v11 =	vld [tilespmem:s9+$0xFFFFFFD0];
	[tilespmem:s8+$0x0] =	vst v9  }
0x2e7: {  	(xrf2) =	vadd.scan.msk.f32 $0xffff, v7;
	v7 =	vmov s0;
	v9 =	vld [tilespmem:s13+$0x10]  }
0x2e8: {  	v8 =	vmul.f32 v8, v12;
	v7 =	vmul.f32 $1.442695020e+00, v7;
	v12 =	vld [tilespmem:s9+$0x10];
	_ =	sdelay $0x1  }
0x2e9: {  	(xrf2) =	vadd.scan.msk.f32 $0xffff, v8;
	v7 =	vbroadcast v7, $0x0  }
0x2ea: {  	v6 =	vmul.f32 v6, v13;
	s22 =	spop (v2sf)  }
0x2eb: {  	(erf) = vpow2.f32 v7;
	v7 =	vmul.f32 v11, v10;
	s0 =	smax.f32 s22, $-5.000000000e+00  }
0x2ec: {  	(xrf2) =	vadd.scan.msk.f32 $0xffff, v6;
	v6 =	vmul.f32 v12, v9;
	s0 =	smin.f32 s0, $5.000000000e+00  }
0x2ed: {  	(xrf2) =	vadd.scan.msk.f32 $0xffff, v7;
	v7 =	vmov s0  }
0x2ee: {  	v8, _, _ =	vpop (xrf2);
	(xrf2) =	vadd.scan.msk.f32 $0xffff, v6;
	v6 =	vmul.f32 $1.442695020e+00, v7  }
0x2ef: {  	(v2sf) =	vpush v8, $0xF  }
0x2f0: {  	v8 =	vld [tilespmem:s24+$0xC0];
	v7, _, _ =	vpop (xrf2);
	v6 =	vbroadcast v6, $0x0  }
0x2f1: {  	(v2sf) =	vpush v7, $0xF;
	_ =	sdelay $0x1  }
0x2f2: {  	v7, _, _ =	vpop (xrf2)  }
0x2f3: {  	(erf) = vpow2.f32 v6;
	v6 =	vpop (erf)  }
0x2f4: {  	s14 =	simm.s32 $0x6900;
	(v2sf) =	vpush v7, $0xF;
	v8 =	vmul.f32 v6, v8  }
0x2f5: {  	s30 =	simm.s32 $0x4380;
	v10 =	vld [tilespmem:s14+$0x40]  }
0x2f6: {  	s22 =	simm.s32 $0x9560;
	v7 =	vld [tilespmem:s30+$0x80];
	v9, _, _ =	vpop (xrf2)  }
0x2f7: {  	(v2sf) =	vpush v9, $0xF;
	v9 =	vld [tilespmem:s13+$0xD0];
	[tilespmem:s22+$0x50] =	vst v8  }
0x2f8: {  	v11 =	vld [tilespmem:s24+$0x90];
	v8, _, _ =	vpop (xrf2)  }
0x2f9: {  	v12 =	vld [tilespmem:s12+$0x50];
	(v2sf) =	vpush v8, $0xF;
	v8, _, _ =	vpop (xrf2)  }
0x2fa: {  	(v2sf) =	vpush v8, $0xF;
	_ =	sdelay $0x1  }
0x2fb: {  	v8 =	vmul.f32 v10, v7;
	v7 =	vpop (erf)  }
0x2fc: {  	s25 =	spop (v2sf);
	v9 =	vmul.f32 v7, v9  }
0x2fd: {  	s0 =	smax.f32 s25, $-5.000000000e+00;
	(xrf2) =	vadd.scan.msk.f32 $0xffff, v8;
	v8 =	vmul.f32 v12, v11  }
0x2fe: {  	s0 =	smin.f32 s0, $5.000000000e+00;
	[tilespmem:s8+$0x60] =	vst v9;
	s26 =	spop (v2sf)  }
0x2ff: {  	v9 =	vmov s0;
	v10 =	vld [tilespmem:s13+$0xA0];
	(xrf2) =	vadd.scan.msk.f32 $0xffff, v8;
	s0 =	smax.f32 s26, $-5.000000000e+00  }
0x300: {  	v8 =	vmul.f32 $1.442695020e+00, v9;
	v9 =	vld [tilespmem:s9+$0x60];
	s0 =	smin.f32 s0, $5.000000000e+00  }
0x301: {  	v11 =	vmov s0  }
0x302: {  	s1 =	spop (v2sf);
	v8 =	vbroadcast v8, $0x0;
	v11 =	vmul.f32 $1.442695020e+00, v11  }
0x303: {  	s0 =	smax.f32 s1, $-5.000000000e+00  }
0x304: {  	(erf) = vpow2.f32 v8;
	s0 =	smin.f32 s0, $5.000000000e+00;
	v8 =	vbroadcast v11, $0x0  }
0x305: {  	s16 =	spop (v2sf);
	v9 =	vmul.f32 v9, v10;
	v11 =	vmov s0  }
0x306: {  	s0 =	smax.f32 s16, $-5.000000000e+00;
	v10 =	vmul.f32 $1.442695020e+00, v11;
	(erf) = vpow2.f32 v8  }
0x307: {  	s0 =	smin.f32 s0, $5.000000000e+00;
	s17 =	spop (v2sf)  }
0x308: {  	v14 =	vld [tilespmem:s30+$0xFFFFFF00];
	(xrf2) =	vadd.scan.msk.f32 $0xffff, v9;
	v9 =	vmov s0;
	v11, _, _ =	vpop (xrf2);
	v8 =	vbroadcast v10, $0x0;
	s20 =	smax.f32 s17, $-5.000000000e+00;
	s21 =	spop (v2sf)  }
0x309: {  	v10 =	vld [tilespmem:s14+$0xFFFFFF80];
	v9 =	vmul.f32 $1.442695020e+00, v9;
	(v2sf) =	vpush v11, $0xF;
	v13, _, _ =	vpop (xrf2);
	s0 =	smin.f32 s20, $5.000000000e+00;
	s1 =	smax.f32 s21, $-5.000000000e+00  }
0x30a: {  	v12 =	vld [tilespmem:s24+$0xFFFFFF40];
	(erf) = vpow2.f32 v8;
	(v2sf) =	vpush v13, $0xF;
	v8 =	vmov s0;
	s25 =	smin.f32 s1, $5.000000000e+00  }
0x30b: {  	v11 =	vld [tilespmem:s24+$0xFFFFFFC0];
	v9 =	vbroadcast v9, $0x0;
	v15 =	vmul.f32 $1.442695020e+00, v8;
	v8 =	vmov s25  }
0x30c: {  	v16 =	vld [tilespmem:s30+$0xFFFFFF80]  }
0x30d: {  	v18 =	vld [tilespmem:s14+$0xFFFFFFC0];
	(erf) = vpow2.f32 v9  }
0x30e: {  	v19 =	vld [tilespmem:s13+$0xFFFFFF50];
	v17 =	vmul.f32 $1.442695020e+00, v8;
	v10 =	vmul.f32 v10, v14;
	v8 =	vpop (erf)  }
0x30f: {  	v13 =	vld [tilespmem:s24+$0x40];
	v15 =	vbroadcast v15, $0x0;
	v12 =	vmul.f32 v8, v12;
	v9 =	vpop (erf)  }
0x310: {  	v14 =	vld [tilespmem:s30+$0x0];
	v17 =	vbroadcast v17, $0x0;
	v11 =	vmul.f32 v9, v11  }
0x311: {  	(erf) = vpow2.f32 v15;
	v15 =	vld [tilespmem:s14+$0x0];
	[tilespmem:s22+$0xFFFFFF60] =	vst v12  }
0x312: {  	(xrf2) =	vadd.scan.msk.f32 $0xffff, v10;
	(erf) = vpow2.f32 v17;
	v10, _, _ =	vpop (xrf2);
	v12 =	vmul.f32 v18, v16;
	v16 =	vld [tilespmem:s24+$0xFFFFFF10]  }
0x313: {  	(v2sf) =	vpush v10, $0xF;
	[tilespmem:s22+$0xFFFFFFB0] =	vst v11;
	v10 =	vld [tilespmem:s12+$0xFFFFFF90]  }
0x314: {  	v17 =	vld [tilespmem:s24+$0xFFFFFF90];
	v11 =	vpop (erf)  }
0x315: {  	v18 =	vld [tilespmem:s12+$0xFFFFFFD0];
	v13 =	vmul.f32 v11, v13  }
0x316: {  	v20 =	vld [tilespmem:s13+$0xFFFFFFD0];
	v14 =	vmul.f32 v15, v14  }
0x317: {  	v21 =	vld [tilespmem:s13+$0x50];
	(xrf2) =	vadd.scan.msk.f32 $0xffff, v12;
	[tilespmem:s22+$0x0] =	vst v13  }
0x318: {  	(xrf2) =	vadd.scan.msk.f32 $0xffff, v14;
	s26 =	spop (v2sf);
	v14 =	vmul.f32 v10, v16;
	v15 =	vld [tilespmem:s24+$0x10]  }
0x319: {  	s0 =	smax.f32 s26, $-5.000000000e+00;
	v22 =	vld [tilespmem:s12+$0x10];
	v13 =	vpop (erf)  }
0x31a: {  	s1 =	spop (v2sf);
	v17 =	vmul.f32 v18, v17;
	s0 =	smin.f32 s0, $5.000000000e+00;
	v19 =	vmul.f32 v13, v19;
	v12 =	vpop (erf)  }
0x31b: {  	(xrf2) =	vadd.scan.msk.f32 $0xffff, v14;
	v16 =	vmul.f32 v12, v20;
	v20 =	vmov s0;
	v10 =	vpop (erf);
	s0 =	smax.f32 s1, $-5.000000000e+00  }
0x31c: {  	v14, _, _ =	vpop (xrf2);
	(xrf2) =	vadd.scan.msk.f32 $0xffff, v17;
	[tilespmem:s8+$0xFFFFFF70] =	vst v19;
	v18 =	vmul.f32 $1.442695020e+00, v20;
	s0 =	smin.f32 s0, $5.000000000e+00  }
0x31d: {  	(v2sf) =	vpush v14, $0xF;
	v19 =	vld [tilespmem:s13+$0xFFFFFF20];
	[tilespmem:s8+$0xFFFFFFC0] =	vst v16;
	v16 =	vmul.f32 v10, v21;
	v17 =	vmov s0  }
0x31e: {  	v20 =	vld [tilespmem:s9+$0xFFFFFFA0];
	v15 =	vmul.f32 v22, v15;
	v17 =	vmul.f32 $1.442695020e+00, v17  }
0x31f: {  	v14 =	vbroadcast v18, $0x0;
	v18 =	vld [tilespmem:s13+$0xFFFFFFA0]  }
0x320: {  	v21 =	vld [tilespmem:s9+$0xFFFFFFE0];
	[tilespmem:s8+$0x10] =	vst v16;
	(xrf2) =	vadd.scan.msk.f32 $0xffff, v15;
	v15 =	vbroadcast v17, $0x0  }
0x321: {  	(erf) = vpow2.f32 v14;
	v14 =	vld [tilespmem:s13+$0x20];
	v16, _, _ =	vpop (xrf2)  }
0x322: {  	s16 =	spop (v2sf);
	(v2sf) =	vpush v16, $0xF;
	v16 =	vld [tilespmem:s9+$0x20]  }
0x323: {  	s0 =	smax.f32 s16, $-5.000000000e+00;
	v17 =	vmul.f32 v20, v19;
	(erf) = vpow2.f32 v15  }
0x324: {  	s0 =	smin.f32 s0, $5.000000000e+00;
	v15, _, _ =	vpop (xrf2)  }
0x325: {  	(xrf2) =	vadd.scan.msk.f32 $0xffff, v17;
	v17 =	vmov s0;
	(v2sf) =	vpush v15, $0xF  }
0x326: {  	v18 =	vmul.f32 v21, v18;
	v15 =	vld [tilespmem:s30+$0xC0];
	v17 =	vmul.f32 $1.442695020e+00, v17  }
0x327: {  	v14 =	vmul.f32 v16, v14;
	v16, _, _ =	vpop (xrf2)  }
0x328: {  	(xrf2) =	vadd.scan.msk.f32 $0xffff, v18;
	v18 =	vld [tilespmem:s24+$0xD0];
	(v2sf) =	vpush v16, $0xF  }
0x329: {  	s31 =	simm.s32 $0x4580;
	v16, _, _ =	vpop (xrf2);
	(xrf2) =	vadd.scan.msk.f32 $0xffff, v14;
	v14 =	vbroadcast v17, $0x0  }
0x32a: {  	s26 =	simm.s32 $0x6A00;
	v17 =	vpop (erf);
	(v2sf) =	vpush v16, $0xF;
	v16 =	vld [tilespmem:s31+$0x80]  }
0x32b: {  	v21, _, _ =	vpop (xrf2);
	v15 =	vmul.f32 v17, v15;
	(erf) = vpow2.f32 v14;
	v14 =	vld [tilespmem:s26+$0x40]  }
0x32c: {  	s0 =	simm.s32 $0x96A0;
	(v2sf) =	vpush v21, $0xF;
	v19 =	vpop (erf);
	s17 =	spop (v2sf)  }
0x32d: {  	v24 =	vld [tilespmem:s13+$0xE0];
	[tilespmem:s0+$0x50] =	vst v15;
	v18 =	vmul.f32 v19, v18;
	s1 =	smax.f32 s17, $-5.000000000e+00  }
0x32e: {  	v15 =	vld [tilespmem:s30+$0x90];
	s1 =	smin.f32 s1, $5.000000000e+00  }
0x32f: {  	v21 =	vld [tilespmem:s14+$0x50];
	v23, _, _ =	vpop (xrf2);
	[tilespmem:s22+$0x60] =	vst v18;
	v18 =	vmov s1  }
0x330: {  	(v2sf) =	vpush v23, $0xF;
	v18 =	vmul.f32 $1.442695020e+00, v18;
	v25 =	vld [tilespmem:s12+$0x60];
	v14 =	vmul.f32 v14, v16  }
0x331: {  	v16 =	vld [tilespmem:s24+$0xA0];
	s20 =	spop (v2sf)  }
0x332: {  	v23, _, _ =	vpop (xrf2);
	v18 =	vbroadcast v18, $0x0;
	s1 =	smax.f32 s20, $-5.000000000e+00;
	(xrf2) =	vadd.scan.msk.f32 $0xffff, v14  }
0x333: {  	(v2sf) =	vpush v23, $0xF;
	s1 =	smin.f32 s1, $5.000000000e+00  }
0x334: {  	v26 =	vld [tilespmem:s30+$0x40];
	v15 =	vmul.f32 v21, v15;
	(erf) = vpow2.f32 v18;
	v23 =	vmov s1;
	s21 =	spop (v2sf);
	v21 =	vpop (erf)  }
0x335: {  	v30 =	vld [tilespmem:s31+$0xFFFFFF80];
	v27, _, _ =	vpop (xrf2);
	v23 =	vmul.f32 $1.442695020e+00, v23;
	s1 =	smax.f32 s21, $-5.000000000e+00;
	v18 =	vmul.f32 v21, v24  }
0x336: {  	v33 =	vld [tilespmem:s31+$0xFFFFFF00];
	(v2sf) =	vpush v27, $0xF;
	v16 =	vmul.f32 v25, v16;
	s1 =	smin.f32 s1, $5.000000000e+00  }
0x337: {  	v20 =	vld [tilespmem:s30+$0xFFFFFF40];
	(xrf2) =	vadd.scan.msk.f32 $0xffff, v15;
	v23 =	vbroadcast v23, $0x0;
	v24 =	vmov s1;
	s25 =	spop (v2sf);
	[tilespmem:s8+$0x70] =	vst v18  }
0x338: {  	(xrf2) =	vadd.scan.msk.f32 $0xffff, v16;
	v18 =	vmul.f32 $1.442695020e+00, v24;
	s1 =	smax.f32 s25, $-5.000000000e+00;
	v16 =	vld [tilespmem:s9+$0x70]  }
0x339: {  	s16 =	spop (v2sf);
	(erf) = vpow2.f32 v23;
	v23 =	vld [tilespmem:s13+$0xB0];
	s1 =	smin.f32 s1, $5.000000000e+00  }
0x33a: {  	v35 =	vld [tilespmem:s31+$0x0];
	s16 =	smax.f32 s16, $-5.000000000e+00;
	v18 =	vbroadcast v18, $0x0;
	v24 =	vmov s1  }
0x33b: {  	v31 =	vld [tilespmem:s26+$0xFFFFFFC0];
	s17 =	spop (v2sf);
	s1 =	smin.f32 s16, $5.000000000e+00;
	v24 =	vmul.f32 $1.442695020e+00, v24  }
0x33c: {  	v32 =	vld [tilespmem:s24+$0xFFFFFFD0];
	(erf) = vpow2.f32 v18;
	v18 =	vmov s1;
	v25, _, _ =	vpop (xrf2);
	s1 =	smax.f32 s17, $-5.000000000e+00  }
0x33d: {  	v29 =	vld [tilespmem:s26+$0xFFFFFF80];
	v27 =	vpop (erf);
	v24 =	vbroadcast v24, $0x0;
	v18 =	vmul.f32 $1.442695020e+00, v18;
	(v2sf) =	vpush v25, $0xF;
	s1 =	smin.f32 s1, $5.000000000e+00  }
0x33e: {  	v22 =	vld [tilespmem:s30+$0xFFFFFFC0];
	v38 =	vmul.f32 v27, v20;
	v16 =	vmul.f32 v16, v23;
	v23 =	vmov s1  }
0x33f: {  	v34 =	vld [tilespmem:s24+$0x50];
	s20 =	spop (v2sf);
	v18 =	vbroadcast v18, $0x0;
	v39 =	vmul.f32 $1.442695020e+00, v23  }
0x340: {  	v37 =	vld [tilespmem:s26+$0x0];
	(erf) = vpow2.f32 v24;
	s1 =	smax.f32 s20, $-5.000000000e+00;
	(xrf2) =	vadd.scan.msk.f32 $0xffff, v16;
	v16 =	vmul.f32 v31, v30  }
0x341: {  	v36 =	vld [tilespmem:s13+$0xFFFFFFE0];
	s1 =	smin.f32 s1, $5.000000000e+00;
	v24, _, _ =	vpop (xrf2);
	v30 =	vbroadcast v39, $0x0;
	(erf) = vpow2.f32 v18  }
0x342: {  	v14 =	vld [tilespmem:s24+$0xFFFFFF50];
	(v2sf) =	vpush v24, $0xF;
	v28 =	vpop (erf);
	v24 =	vmul.f32 v29, v33;
	v29 =	vmov s1  }
0x343: {  	v15 =	vld [tilespmem:s13+$0xFFFFFF60];
	[tilespmem:s0+$0xFFFFFF60] =	vst v38;
	s21 =	spop (v2sf);
	v18, _, _ =	vpop (xrf2);
	v31 =	vmul.f32 v28, v22;
	v46 =	vmul.f32 $1.442695020e+00, v29  }
0x344: {  	s25 =	smax.f32 s21, $-5.000000000e+00;
	(xrf2) =	vadd.scan.msk.f32 $0xffff, v24;
	(v2sf) =	vpush v18, $0xF;
	v18 =	vld [tilespmem:s30+$0xFFFFFF10]  }
0x345: {  	s1 =	smin.f32 s25, $5.000000000e+00;
	(erf) = vpow2.f32 v30;
	s16 =	spop (v2sf);
	[tilespmem:s0+$0xFFFFFFB0] =	vst v31;
	v31 =	vld [tilespmem:s14+$0xFFFFFF90];
	v30 =	vbroadcast v46, $0x0  }
0x346: {  	v24 =	vmov s1;
	s1 =	smax.f32 s16, $-5.000000000e+00;
	v29 =	vpop (erf);
	(xrf2) =	vadd.scan.msk.f32 $0xffff, v16;
	v47 =	vld [tilespmem:s30+$0xFFFFFF90]  }
0x347: {  	v24 =	vmul.f32 $1.442695020e+00, v24;
	s1 =	smin.f32 s1, $5.000000000e+00;
	v26 =	vmul.f32 v29, v26;
	v48 =	vld [tilespmem:s14+$0xFFFFFFD0]  }
0x348: {  	v25 =	vld [tilespmem:s13+$0x60];
	v16 =	vmul.f32 v37, v35;
	v50 =	vmov s1;
	(erf) = vpow2.f32 v30  }
0x349: {  	v20 =	vld [tilespmem:s31+$0xFFFFFF40];
	v49 =	vbroadcast v24, $0x0;
	[tilespmem:s0+$0x0] =	vst v26;
	v26 =	vmul.f32 $1.442695020e+00, v50;
	v30 =	vpop (erf)  }
0x34a: {  	v23 =	vld [tilespmem:s31+$0xFFFFFFC0];
	(xrf2) =	vadd.scan.msk.f32 $0xffff, v16;
	v14 =	vmul.f32 v30, v14;
	v18 =	vmul.f32 v31, v18  }
0x34b: {  	v51 =	vld [tilespmem:s30+$0x10];
	(erf) = vpow2.f32 v49;
	v26 =	vbroadcast v26, $0x0;
	v53, _, _ =	vpop (xrf2)  }
0x34c: {  	v52 =	vld [tilespmem:s14+$0x10];
	v31 =	vpop (erf);
	(v2sf) =	vpush v53, $0xF;
	[tilespmem:s22+$0xFFFFFF70] =	vst v14;
	(xrf2) =	vadd.scan.msk.f32 $0xffff, v18;
	v18 =	vmul.f32 v48, v47  }
0x34d: {  	v32 =	vmul.f32 v31, v32;
	(erf) = vpow2.f32 v26;
	s17 =	spop (v2sf);
	v54 =	vld [tilespmem:s24+$0xFFFFFF20]  }
0x34e: {  	v26 =	vld [tilespmem:s12+$0xFFFFFFA0];
	s1 =	smax.f32 s17, $-5.000000000e+00;
	v55, _, _ =	vpop (xrf2)  }
0x34f: {  	v22 =	vld [tilespmem:s31+$0x40];
	v33 =	vpop (erf);
	[tilespmem:s22+$0xFFFFFFC0] =	vst v32;
	s1 =	smin.f32 s1, $5.000000000e+00;
	(v2sf) =	vpush v55, $0xF  }
0x350: {  	v56 =	vmul.f32 v33, v34;
	v40 =	vld [tilespmem:s24+$0xFFFFFFA0];
	(xrf2) =	vadd.scan.msk.f32 $0xffff, v18;
	v57 =	vmov s1;
	v18, _, _ =	vpop (xrf2)  }
0x351: {  	v37 =	vmul.f32 v52, v51;
	v58 =	vld [tilespmem:s12+$0xFFFFFFE0];
	v35 =	vpop (erf);
	v41 =	vmul.f32 $1.442695020e+00, v57;
	s20 =	spop (v2sf)  }
0x352: {  	v24 =	vld [tilespmem:s30+$0xFFFFFF50];
	[tilespmem:s22+$0x10] =	vst v56;
	(v2sf) =	vpush v18, $0xF;
	v15 =	vmul.f32 v35, v15;
	s1 =	smax.f32 s20, $-5.000000000e+00  }
0x353: {  	v32 =	vld [tilespmem:s24+$0x20];
	(xrf2) =	vadd.scan.msk.f32 $0xffff, v37;
	v26 =	vmul.f32 v26, v54;
	v59 =	vbroadcast v41, $0x0;
	s1 =	smin.f32 s1, $5.000000000e+00  }
0x354: {  	v61 =	vld [tilespmem:s12+$0x20];
	v42, _, _ =	vpop (xrf2);
	s21 =	spop (v2sf);
	[tilespmem:s8+$0xFFFFFF80] =	vst v15;
	v60 =	vmov s1  }
0x355: {  	v34 =	vpop (erf);
	(v2sf) =	vpush v42, $0xF;
	s1 =	smax.f32 s21, $-5.000000000e+00;
	(xrf2) =	vadd.scan.msk.f32 $0xffff, v26;
	(erf) = vpow2.f32 v59;
	v62 =	vld [tilespmem:s13+$0xFFFFFF30];
	v39 =	vmul.f32 $1.442695020e+00, v60  }
0x356: {  	v43 =	vmul.f32 v34, v36;
	v26 =	vmul.f32 v58, v40;
	v46 =	vld [tilespmem:s9+$0xFFFFFFB0];
	s1 =	smin.f32 s1, $5.000000000e+00;
	v36 =	vpop (erf)  }
0x357: {  	v16 =	vld [tilespmem:s30+$0xFFFFFFD0];
	v45 =	vmov s1;
	v25 =	vmul.f32 v36, v25;
	v63 =	vbroadcast v39, $0x0  }
0x358: {  	s17 =	simm.s32 $0x6B00;
	v51 =	vld [tilespmem:s31+$0xC0];
	v47, _, _ =	vpop (xrf2);
	v39 =	vmul.f32 $1.442695020e+00, v45  }
0x359: {  	v57 =	vld [tilespmem:s17+$0x40];
	[tilespmem:s8+$0xFFFFFFD0] =	vst v43;
	(xrf2) =	vadd.scan.msk.f32 $0xffff, v26;
	(v2sf) =	vpush v47, $0xF;
	(erf) = vpow2.f32 v63  }
0x35a: {  	v2 =	vnsel vm0, $0x0, v2;
	v48 =	vld [tilespmem:s13+$0xFFFFFFB0];
	v50 =	vbroadcast v39, $0x0  }
0x35b: {  	v53 =	vnsel vm0, $0x0, v8;
	v26 =	vmul.f32 v61, v32;
	v49 =	vld [tilespmem:s9+$0xFFFFFFF0];
	[tilespmem:s8+$0x20] =	vst v25;
	v8 =	vmul.f32 v46, v62;
	v25, _, _ =	vpop (xrf2);
	s25 =	spop (v2sf)  }
0x35c: {  	v5 =	vnsel vm0, $0x0, v5;
	v52 =	vld [tilespmem:s13+$0x30];
	(v2sf) =	vpush v25, $0xF;
	(erf) = vpow2.f32 v50;
	s1 =	smax.f32 s25, $-5.000000000e+00  }
0x35d: {  	v3 =	vnsel vm0, $0x0, v3;
	v2 =	vsel vm1, v2, v7;
	v54 =	vnsel vm0, $0x0, v9;
	v7 =	vld [tilespmem:s9+$0x30];
	(xrf2) =	vadd.scan.msk.f32 $0xffff, v26;
	v9, _, _ =	vpop (xrf2);
	s1 =	smin.f32 s1, $5.000000000e+00  }
0x35e: {  	v5 =	vsel vm1, v5, v13;
	v55 =	vnsel vm0, $0x0, v11;
	s9 =	simm.s32 $0x4780;
	v25 =	vld [tilespmem:s30+$0xD0];
	v11 =	vmov s1;
	v13 =	vpop (erf);
	s16 =	spop (v2sf)  }
0x35f: {  	v56 =	vld [tilespmem:s9+$0x80];
	(xrf2) =	vadd.scan.msk.f32 $0xffff, v8;
	(v2sf) =	vpush v9, $0xF;
	v9 =	vmul.f32 $1.442695020e+00, v11;
	v8, _, _ =	vpop (xrf2);
	v11 =	vmul.f32 v13, v51;
	s1 =	smax.f32 s16, $-5.000000000e+00  }
0x360: {  	v4 =	vnsel vm0, $0x0, v4;
	v3 =	vsel vm1, v3, v12;
	v14 =	vld [tilespmem:s30+$0x50];
	(v2sf) =	vpush v8, $0xF;
	s1 =	smin.f32 s1, $5.000000000e+00  }
0x361: {  	v12 =	vmul.f32 v49, v48;
	s16 =	simm.s32 $0x97E0;
	v8 =	vld [tilespmem:s24+$0xE0];
	s20 =	spop (v2sf);
	v9 =	vbroadcast v9, $0x0;
	v58 =	vmov s1  }
0x362: {  	v4 =	vsel vm1, v4, v10;
	v63 =	vld [tilespmem:s17+$0xFFFFFF80];
	v7 =	vmul.f32 v7, v52;
	[tilespmem:s16+$0x50] =	vst v11;
	s20 =	smax.f32 s20, $-5.000000000e+00;
	v59 =	vpop (erf);
	v10 =	vmul.f32 $1.442695020e+00, v58  }
0x363: {  	v6 =	vnsel vm0, $0x0, v6;
	(xrf2) =	vadd.scan.msk.f32 $0xffff, v12;
	v60 =	vld [tilespmem:s31+$0x90];
	s1 =	smin.f32 s20, $5.000000000e+00;
	v11, _, _ =	vpop (xrf2);
	(erf) = vpow2.f32 v9;
	v25 =	vmul.f32 v59, v25  }
0x364: {  	(xrf2) =	vadd.scan.msk.f32 $0xffff, v7;
	v7 =	vmul.f32 v57, v56;
	s21 =	spop (v2sf);
	v9 =	vmov s1;
	(v2sf) =	vpush v11, $0xF;
	v11 =	vld [tilespmem:s26+$0x50]  }
0x365: {  	v17 =	vnsel vm0, $0x0, v17;
	v48 =	vld [tilespmem:s9+$0xFFFFFF00];
	s1 =	smax.f32 s21, $-5.000000000e+00;
	v10 =	vbroadcast v10, $0x0;
	v39 =	vpop (erf);
	v9 =	vmul.f32 $1.442695020e+00, v9;
	[tilespmem:s0+$0x60] =	vst v25  }
0x366: {  	v6 =	vsel vm1, v6, v19;
	v2 =	vsel vm2, v2, v21;
	s1 =	smin.f32 s1, $5.000000000e+00;
	v8 =	vmul.f32 v39, v8;
	v61 =	vld [tilespmem:s30+$0xA0]  }
0x367: {  	(erf) = vpow2.f32 v10;
	v19 =	vbroadcast v9, $0x0;
	v9 =	vmov s1;
	v25, _, _ =	vpop (xrf2);
	(xrf2) =	vadd.scan.msk.f32 $0xffff, v7;
	v7 =	vld [tilespmem:s14+$0x60]  }
0x368: {  	v38 =	vld [tilespmem:s17+$0x0];
	v32 =	vsel vm1, v54, v31;
	v31 =	vsel vm1, v55, v33;
	s25 =	spop (v2sf);
	[tilespmem:s22+$0x70] =	vst v8;
	v21 =	vmul.f32 $1.442695020e+00, v9  }
0x369: {  	s1 =	smax.f32 s25, $-5.000000000e+00;
	(v2sf) =	vpush v25, $0xF;
	v11 =	vmul.f32 v11, v60;
	v62 =	vld [tilespmem:s24+$0xB0];
	(erf) = vpow2.f32 v19  }
0x36a: {  	v33 =	vmul.f32 v63, v48;
	v10 =	vnsel vm0, $0x0, v29;
	v9 =	vnsel vm0, $0x0, v28;
	s1 =	smin.f32 s1, $5.000000000e+00;
	v28 =	vld [tilespmem:s12+$0x70]  }
0x36b: {  	v12 =	vld [tilespmem:s13+$0xFFFFFF70];
	v8 =	vnsel vm0, $0x0, v27;
	v21 =	vbroadcast v21, $0x0;
	v29 =	vmov s1;
	v19, _, _ =	vpop (xrf2);
	s20 =	spop (v2sf);
	(xrf2) =	vadd.scan.msk.f32 $0xffff, v11  }
0x36c: {  	v27 =	vld [tilespmem:s13+$0x70];
	v29 =	vmul.f32 $1.442695020e+00, v29;
	(v2sf) =	vpush v19, $0xF;
	s1 =	smax.f32 s20, $-5.000000000e+00;
	v37 =	vpop (erf);
	v7 =	vmul.f32 v7, v61  }
0x36d: {  	v25 =	vld [tilespmem:s13+$0xFFFFFFF0];
	v11 =	vsel vm1, v53, v30;
	v30 =	vsel vm2, v5, v35;
	(erf) = vpow2.f32 v21;
	v5, _, _ =	vpop (xrf2);
	s1 =	smin.f32 s1, $5.000000000e+00  }
0x36e: {  	s21 =	spop (v2sf);
	v21 =	vbroadcast v29, $0x0;
	(v2sf) =	vpush v5, $0xF;
	v29 =	vmov s1;
	(xrf2) =	vadd.scan.msk.f32 $0xffff, v7;
	v7 =	vld [tilespmem:s9+$0xFFFFFF80]  }
0x36f: {  	v5, _, _ =	vpop (xrf2);
	v50 =	vmul.f32 v28, v62;
	s1 =	smax.f32 s21, $-5.000000000e+00;
	v49 =	vmul.f32 $1.442695020e+00, v29;
	v29 =	vsel vm2, v3, v34;
	v3 =	vld [tilespmem:s17+$0xFFFFFFC0];
	s25 =	spop (v2sf)  }
0x370: {  	v19 =	vld [tilespmem:s13+$0xF0];
	v28 =	vsel vm2, v4, v36;
	(v2sf) =	vpush v5, $0xF;
	s1 =	smin.f32 s1, $5.000000000e+00;
	v51 =	vpop (erf);
	(erf) = vpow2.f32 v21;
	s13 =	smax.f32 s25, $-5.000000000e+00  }
0x371: {  	v18 =	vld [tilespmem:s24+$0xFFFFFF60];
	v21 =	vmov s1;
	v52 =	vbroadcast v49, $0x0;
	v53 =	vmul.f32 v51, v20;
	s20 =	smin.f32 s13, $5.000000000e+00;
	v5, _, _ =	vpop (xrf2)  }
0x372: {  	v15 =	vld [tilespmem:s24+$0xFFFFFFE0];
	v54 =	vmul.f32 $1.442695020e+00, v21;
	(xrf2) =	vadd.scan.msk.f32 $0xffff, v50;
	v55 =	vpop (erf);
	v44 =	vmov s20;
	(v2sf) =	vpush v5, $0xF  }
0x373: {  	v26 =	vld [tilespmem:s24+$0x60];
	v5 =	vsel vm1, v17, v59;
	v17 =	vmul.f32 v55, v23;
	v56 =	vmul.f32 $1.442695020e+00, v44;
	(xrf2) =	vadd.scan.msk.f32 $0xffff, v33  }
0x374: {  	v4 =	vnsel vm0, $0x0, v13;
	v13 =	vld [tilespmem:s9+$0x0];
	s21 =	spop (v2sf);
	[tilespmem:s16+$0xFFFFFF60] =	vst v53;
	v57 =	vbroadcast v54, $0x0;
	v3 =	vmul.f32 v3, v7  }
0x375: {  	(erf) = vpow2.f32 v52;
	s1 =	smax.f32 s21, $-5.000000000e+00;
	v59 =	vld [tilespmem:s31+$0xFFFFFF10];
	v58, _, _ =	vpop (xrf2);
	v7 =	vbroadcast v56, $0x0  }
0x376: {  	s1 =	smin.f32 s1, $5.000000000e+00;
	v60 =	vpop (erf);
	[tilespmem:s16+$0xFFFFFFB0] =	vst v17;
	v17 =	vld [tilespmem:s26+$0xFFFFFF90];
	(erf) = vpow2.f32 v57;
	(v2sf) =	vpush v58, $0xF  }
0x377: {  	v61 =	vmov s1;
	v22 =	vmul.f32 v60, v22;
	v62 =	vld [tilespmem:s31+$0xFFFFFF90];
	(erf) = vpow2.f32 v7  }
0x378: {  	v6 =	vsel vm2, v6, v39;
	(xrf2) =	vadd.scan.msk.f32 $0xffff, v3;
	v63 =	vld [tilespmem:s26+$0xFFFFFFD0];
	v33 =	vmul.f32 $1.442695020e+00, v61;
	s25 =	spop (v2sf);
	v3, _, _ =	vpop (xrf2)  }
0x379: {  	v21 =	vld [tilespmem:s9+$0xFFFFFF40];
	v39 =	vmul.f32 v37, v19;
	v13 =	vmul.f32 v38, v13;
	[tilespmem:s16+$0x0] =	vst v22;
	s13 =	smax.f32 s25, $-5.000000000e+00;
	v48 =	vpop (erf);
	(v2sf) =	vpush v3, $0xF  }
0x37a: {  	v37 =	vsel vm3, v2, v37;
	v2 =	vbroadcast v33, $0x0;
	v49 =	vld [tilespmem:s31+$0x10];
	s1 =	smin.f32 s13, $5.000000000e+00;
	v24 =	vmul.f32 v48, v24  }
0x37b: {  	v50 =	vld [tilespmem:s26+$0x10];
	v7 =	vmov s1;
	s20 =	spop (v2sf)  }
0x37c: {  	v20 =	vld [tilespmem:s9+$0xFFFFFFC0];
	(xrf2) =	vadd.scan.msk.f32 $0xffff, v13;
	(erf) = vpow2.f32 v2;
	v19 =	vmul.f32 $1.442695020e+00, v7;
	v7 =	vnsel vm0, $0x0, v51;
	s1 =	smax.f32 s20, $-5.000000000e+00;
	v51, _, _ =	vpop (xrf2)  }
0x37d: {  	v23 =	vld [tilespmem:s9+$0x40];
	v3 =	vnsel vm0, $0x0, v55;
	v36 =	vmul.f32 v17, v59;
	v35 =	vmul.f32 v63, v62;
	[tilespmem:s0+$0xFFFFFF70] =	vst v24;
	s1 =	smin.f32 s1, $5.000000000e+00;
	v13, _, _ =	vpop (xrf2)  }
0x37e: {  	s21 =	spop (v2sf);
	(v2sf) =	vpush v51, $0xF;
	v53 =	vld [tilespmem:s30+$0xFFFFFF20];
	v52 =	vbroadcast v19, $0x0;
	v17 =	vmov s1;
	v24 =	vpop (erf)  }
0x37f: {  	v2 =	vnsel vm0, $0x0, v60;
	v55 =	vld [tilespmem:s14+$0xFFFFFFA0];
	s25 =	spop (v2sf);
	s1 =	smax.f32 s21, $-5.000000000e+00;
	v54 =	vmul.f32 $1.442695020e+00, v17;
	v16 =	vmul.f32 v24, v16;
	v56 =	vpop (erf)  }
0x380: {  	v22 =	vld [tilespmem:s31+$0xFFFFFF50];
	(xrf2) =	vadd.scan.msk.f32 $0xffff, v36;
	v33 =	vmul.f32 v50, v49;
	s13 =	smax.f32 s25, $-5.000000000e+00;
	(v2sf) =	vpush v13, $0xF;
	s1 =	smin.f32 s1, $5.000000000e+00;
	(erf) = vpow2.f32 v52;
	v58 =	vpop (erf)  }
0x381: {  	v19 =	vld [tilespmem:s31+$0xFFFFFFD0];
	s20 =	smin.f32 s13, $5.000000000e+00;
	v57 =	vbroadcast v54, $0x0;
	[tilespmem:s0+$0xFFFFFFC0] =	vst v16;
	v16 =	vmov s1;
	v18 =	vmul.f32 v58, v18;
	s21 =	spop (v2sf)  }
0x382: {  	v13 =	vld [tilespmem:s30+$0xFFFFFF60];
	v14 =	vmul.f32 v56, v14;
	v60 =	vmov s20;
	v61, _, _ =	vpop (xrf2);
	v16 =	vmul.f32 $1.442695020e+00, v16;
	s25 =	smax.f32 s21, $-5.000000000e+00  }
0x383: {  	(xrf2) =	vadd.scan.msk.f32 $0xffff, v35;
	(v2sf) =	vpush v61, $0xF;
	v62 =	vmul.f32 $1.442695020e+00, v60;
	v59 =	vld [tilespmem:s30+$0xFFFFFFA0];
	(erf) = vpow2.f32 v57;
	s1 =	smin.f32 s25, $5.000000000e+00  }
0x384: {  	[tilespmem:s0+$0x10] =	vst v14;
	v14 =	vld [tilespmem:s14+$0xFFFFFFE0];
	v38 =	vmul.f32 v55, v53;
	v16 =	vbroadcast v16, $0x0;
	v45 =	vmov s1  }
0x385: {  	(xrf2) =	vadd.scan.msk.f32 $0xffff, v33;
	v63 =	vld [tilespmem:s30+$0x20];
	[tilespmem:s22+$0xFFFFFF80] =	vst v18;
	v34 =	vbroadcast v62, $0x0;
	v18 =	vpop (erf);
	s13 =	spop (v2sf);
	v33 =	vmul.f32 $1.442695020e+00, v45  }
0x386: {  	v9 =	vsel vm1, v9, v24;
	v24 =	vld [tilespmem:s14+$0x20];
	v47 =	vmul.f32 v18, v15;
	s1 =	smax.f32 s13, $-5.000000000e+00;
	(erf) = vpow2.f32 v16  }
0x387: {  	v8 =	vsel vm1, v8, v48;
	v52, _, _ =	vpop (xrf2);
	v46 =	vld [tilespmem:s24+$0xFFFFFF30];
	(xrf2) =	vadd.scan.msk.f32 $0xffff, v38;
	s1 =	smin.f32 s1, $5.000000000e+00;
	(erf) = vpow2.f32 v34  }
0x388: {  	v48 =	vld [tilespmem:s12+$0xFFFFFFB0];
	v16 =	vbroadcast v33, $0x0;
	[tilespmem:s22+$0xFFFFFFD0] =	vst v47;
	v51 =	vmov s1;
	s20 =	spop (v2sf);
	(v2sf) =	vpush v52, $0xF  }
0x389: {  	v50 =	vmul.f32 v14, v59;
	v14 =	vsel vm2, v32, v18;
	v49 =	vpop (erf);
	v53 =	vld [tilespmem:s24+$0xFFFFFFB0];
	v18 =	vmul.f32 $1.442695020e+00, v51  }
0x38a: {  	v54, _, _ =	vpop (xrf2);
	v26 =	vmul.f32 v49, v26;
	(erf) = vpow2.f32 v16;
	s1 =	smax.f32 s20, $-5.000000000e+00;
	v16 =	vsel vm2, v31, v49;
	v31 =	vld [tilespmem:s12+$0xFFFFFFF0]  }
0x38b: {  	v17 =	vld [tilespmem:s31+$0x50];
	v11 =	vsel vm2, v11, v58;
	v24 =	vmul.f32 v24, v63;
	(v2sf) =	vpush v54, $0xF;
	s1 =	smin.f32 s1, $5.000000000e+00  }
0x38c: {  	v15 =	vld [tilespmem:s30+$0xFFFFFFE0];
	(xrf2) =	vadd.scan.msk.f32 $0xffff, v50;
	[tilespmem:s22+$0x20] =	vst v26;
	v26 =	vbroadcast v18, $0x0;
	v55 =	vmov s1;
	v58 =	vpop (erf)  }
0x38d: {  	v10 =	vsel vm1, v10, v56;
	v32 =	vld [tilespmem:s31+$0xD0];
	v36 =	vmul.f32 v48, v46;
	s21 =	spop (v2sf);
	v18, _, _ =	vpop (xrf2);
	v33 =	vmul.f32 $1.442695020e+00, v55  }
0x38e: {  	[tilespmem:s8+$0x90] =	vst v37;
	v56 =	vld [tilespmem:s24+$0x30];
	s1 =	smax.f32 s21, $-5.000000000e+00;
	(v2sf) =	vpush v18, $0xF;
	(erf) = vpow2.f32 v26;
	v26 =	vmul.f32 v58, v12  }
0x38f: {  	(xrf2) =	vadd.scan.msk.f32 $0xffff, v24;
	v57 =	vld [tilespmem:s12+$0x30];
	v30 =	vsel vm3, v30, v58;
	s1 =	smin.f32 s1, $5.000000000e+00;
	v60 =	vbroadcast v33, $0x0;
	v33 =	vmul.f32 v31, v53;
	v31 =	vpop (erf)  }
0x390: {  	[tilespmem:s8+$0x80] =	vst v39;
	v59, _, _ =	vpop (xrf2);
	v61 =	vmov s1;
	v62 =	vmul.f32 v31, v25;
	v25 =	vsel vm3, v29, v31;
	v31 =	vld [tilespmem:s9+$0xC0]  }
0x391: {  	v24 =	vld [tilespmem:s24+$0xFFFFFFF0];
	s25 =	spop (v2sf);
	[tilespmem:s8+$0xFFFFFFA0] =	vst v30;
	(v2sf) =	vpush v59, $0xF;
	v63, _, _ =	vpop (xrf2);
	v30 =	vmul.f32 $1.442695020e+00, v61  }
0x392: {  	(xrf2) =	vadd.scan.msk.f32 $0xffff, v36;
	s1 =	smax.f32 s25, $-5.000000000e+00;
	[tilespmem:s8+$0xFFFFFF90] =	vst v26;
	v26 =	vld [tilespmem:s24+$0x70];
	v29 =	vpop (erf);
	(erf) = vpow2.f32 v60  }
0x393: {  	s13 =	simm.s32 $0x6B00;
	v18 =	vld [tilespmem:s30+$0x60];
	s1 =	smin.f32 s1, $5.000000000e+00;
	s25 =	spop (v2sf);
	(v2sf) =	vpush v63, $0xF;
	[tilespmem:s8+$0xFFFFFFF0] =	vst v25;
	v28 =	vsel vm3, v28, v29;
	v30 =	vbroadcast v30, $0x0  }
0x394: {  	s20 =	simm.s32 $0x10;
	s21 =	simm.s32 $0x4980;
	s12 =	simm.s32 $0x97E0;
	v12 =	vld [tilespmem:s24+$0xFFFFFF70];
	v35 =	vmov s1;
	v29 =	vmul.f32 v29, v27;
	v34 =	vmul.f32 v57, v56;
	[tilespmem:s8+$0xFFFFFFE0] =	vst v62;
	v25 =	vpop (erf)  }
.LBB2_11:
0x395: {  	v36 =	vld [tilespmem:s21+$0x80];
	s1 =	smax.f32 s25, $-5.000000000e+00;
	v37 =	vmul.f32 v25, v31;
	v31 =	vnsel vm0, $0x0, v25;
	s17 =	sadd.s32 $0x100, s17;
	(xrf2) =	vadd.scan.msk.f32 $0xffff, v33;
	(erf) = vpow2.f32 v30;
	v25 =	vmovc v14  }
0x396: {  	v33 =	vmul.f32 $1.442695020e+00, v35;
	s16 =	sadd.s32 $0x140, s16;
	v30 =	vmov v24;
	v14 =	vld [tilespmem:s17+$0x40];
	s1 =	smin.f32 s1, $5.000000000e+00;
	v35, _, _ =	vpop (xrf2);
	[tilespmem:s8+$0x30] =	vst v29;
	v29 =	vmov v16  }
0x397: {  	v27 =	vmov v26;
	s20 =	sadd.s32 $0x4, s20;
	v16 =	vmov s1;
	[tilespmem:s16+$0x50] =	vst v37;
	s1 =	spop (v2sf);
	v24 =	vld [tilespmem:s30+$0xE0];
	(v2sf) =	vpush v35, $0xF  }
0x398: {  	v26 =	vbroadcast v33, $0x0;
	v16 =	vmul.f32 $1.442695020e+00, v16;
	s1 =	smax.f32 s1, $-5.000000000e+00;
	v33 =	vld [tilespmem:s9+$0x90];
	v35 =	vpop (erf);
	(xrf2) =	vadd.scan.msk.f32 $0xffff, v34;
	[tilespmem:s8+$0x40] =	vst v28;
	s8 =	smov.u32 s22;
	s22 =	smov.u32 s0  }
0x399: {  	s0 =	smov.u32 s12;
	s12 =	smov.u32 s16;
	s1 =	smin.f32 s1, $5.000000000e+00;
	v28 =	vld [tilespmem:s13+$0x50];
	v38 =	vmul.f32 v35, v32;
	v34 =	vsel vm1, v4, v35;
	v35, _, _ =	vpop (xrf2);
	v4 =	vmov v31  }
0x39a: {  	p0 =	slt.u32 s20, $0x4C;
	v16 =	vbroadcast v16, $0x0;
	v31 =	vmov s1;
	(erf) = vpow2.f32 v26;
	s1 =	spop (v2sf);
	v26 =	vld [tilespmem:s24+$0xF0];
	s24 =	smov.u32 s30  }
0x39b: {  	v37 =	vld [tilespmem:s17+$0xFFFFFF80];
	v14 =	vmul.f32 v14, v36;
	v31 =	vmul.f32 $1.442695020e+00, v31;
	s1 =	smax.f32 s1, $-5.000000000e+00;
	[tilespmem:s0+$0x60] =	vst v38;
	(v2sf) =	vpush v35, $0xF;
	v32 =	vpop (erf)  }
0x39c: {  	s30 =	smov.u32 s31;
	(erf) = vpow2.f32 v16;
	s1 =	smin.f32 s1, $5.000000000e+00;
	v16 =	vld [tilespmem:s31+$0xA0];
	v36 =	vmul.f32 v32, v24;
	v32 =	vsel vm2, v5, v32;
	v5, _, _ =	vpop (xrf2);
	s31 =	smov.u32 s9  }
0x39d: {  	s9 =	smov.u32 s21;
	(xrf2) =	vadd.scan.msk.f32 $0xffff, v14;
	v14 =	vbroadcast v31, $0x0;
	v31 =	vmov s1;
	v35 =	vld [tilespmem:s26+$0x60];
	s1 =	spop (v2sf);
	(v2sf) =	vpush v5, $0xF;
	v5 =	vmovc v34  }
0x39e: {  	v34 =	vld [tilespmem:s21+$0xFFFFFF80];
	v31 =	vmul.f32 $1.442695020e+00, v31;
	s1 =	smax.f32 s1, $-5.000000000e+00;
	[tilespmem:s22+$0x70] =	vst v36;
	v24 =	vpop (erf)  }
0x39f: {  	v28 =	vmul.f32 v28, v33;
	s1 =	smin.f32 s1, $5.000000000e+00;
	v33 =	vld [tilespmem:s24+$0xB0];
	v39 =	vmul.f32 v24, v26;
	v38 =	vsel vm3, v6, v24;
	v24, _, _ =	vpop (xrf2)  }
0x3a0: {  	v6 =	vmovc v32;
	(erf) = vpow2.f32 v14;
	v14 =	vbroadcast v31, $0x0;
	v31 =	vmov s1;
	s1 =	spop (v2sf);
	v36 =	vld [tilespmem:s14+$0x70];
	[tilespmem:s8+$0x90] =	vst v38  }
0x3a1: {  	v32 =	vld [tilespmem:s17+$0xFFFFFFC0];
	(xrf2) =	vadd.scan.msk.f32 $0xffff, v28;
	v28 =	vmul.f32 $1.442695020e+00, v31;
	s1 =	smax.f32 s1, $-5.000000000e+00;
	[tilespmem:s8+$0x80] =	vst v39;
	(v2sf) =	vpush v24, $0xF  }
0x3a2: {  	v24 =	vld [tilespmem:s21+$0x0];
	s1 =	smin.f32 s1, $5.000000000e+00;
	v16 =	vmul.f32 v35, v16;
	v26, _, _ =	vpop (xrf2)  }
0x3a3: {  	v31 =	vld [tilespmem:s17+$0x0];
	v35 =	vpop (erf);
	v28 =	vbroadcast v28, $0x0;
	v38 =	vmov s1;
	(erf) = vpow2.f32 v14;
	s1 =	spop (v2sf)  }
0x3a4: {  	v14 =	vld [tilespmem:s21+$0xFFFFFF00];
	v40 =	vmul.f32 v35, v21;
	v38 =	vmul.f32 $1.442695020e+00, v38;
	(xrf2) =	vadd.scan.msk.f32 $0xffff, v16;
	s1 =	smax.f32 s1, $-5.000000000e+00;
	(v2sf) =	vpush v26, $0xF  }
0x3a5: {  	v16 =	vnsel vm0, $0x0, v35;
	v21 =	vld [tilespmem:s21+$0xFFFFFF40];
	v26 =	vpop (erf);
	s1 =	smin.f32 s1, $5.000000000e+00;
	v33 =	vmul.f32 v36, v33  }
0x3a6: {  	v32 =	vmul.f32 v32, v34;
	[tilespmem:s16+$0xFFFFFF60] =	vst v40;
	v40 =	vmul.f32 v26, v20;
	v20 =	vld [tilespmem:s21+$0xFFFFFFC0];
	v35 =	vmov s1;
	s1 =	spop (v2sf)  }
0x3a7: {  	v26 =	vnsel vm0, $0x0, v26;
	v38 =	vbroadcast v38, $0x0;
	v36 =	vld [tilespmem:s21+$0x40];
	v39, _, _ =	vpop (xrf2);
	(erf) = vpow2.f32 v28;
	s1 =	smax.f32 s1, $-5.000000000e+00;
	(xrf2) =	vadd.scan.msk.f32 $0xffff, v33  }
0x3a8: {  	v24 =	vmul.f32 v31, v24;
	(v2sf) =	vpush v39, $0xF;
	v28 =	vld [tilespmem:s31+$0xFFFFFF10];
	[tilespmem:s16+$0xFFFFFFB0] =	vst v40;
	v31 =	vmul.f32 $1.442695020e+00, v35;
	s1 =	smin.f32 s1, $5.000000000e+00  }
0x3a9: {  	v14 =	vmul.f32 v37, v14;
	v33 =	vld [tilespmem:s13+$0xFFFFFF90];
	v34 =	vpop (erf);
	(erf) = vpow2.f32 v38;
	v35 =	vmov s1  }
0x3aa: {  	v37 =	vld [tilespmem:s31+$0xFFFFFF90];
	v40 =	vmul.f32 v34, v23;
	v34 =	vnsel vm0, $0x0, v34;
	v35 =	vmul.f32 $1.442695020e+00, v35;
	s1 =	spop (v2sf)  }
0x3ab: {  	v31 =	vbroadcast v31, $0x0;
	(xrf2) =	vadd.scan.msk.f32 $0xffff, v14;
	v14 =	vld [tilespmem:s13+$0xFFFFFFD0];
	v38, _, _ =	vpop (xrf2);
	s1 =	smax.f32 s1, $-5.000000000e+00  }
0x3ac: {  	v39 =	vld [tilespmem:s31+$0xFFFFFF50];
	[tilespmem:s16+$0x0] =	vst v40;
	(v2sf) =	vpush v38, $0xF;
	v38 =	vpop (erf);
	v35 =	vbroadcast v35, $0x0;
	s1 =	smin.f32 s1, $5.000000000e+00;
	s25 =	spop (v2sf);
	v23 =	vmov v36  }
0x3ad: {  	v36 =	vld [tilespmem:s31+$0x10];
	v22 =	vmul.f32 v38, v22;
	v40 =	vmov s1;
	(erf) = vpow2.f32 v31;
	s1 =	smax.f32 s25, $-5.000000000e+00  }
0x3ae: {  	(xrf2) =	vadd.scan.msk.f32 $0xffff, v32;
	v28 =	vmul.f32 v33, v28;
	v31 =	vld [tilespmem:s13+$0x10];
	v32 =	vsel vm1, v7, v38;
	v7, _, _ =	vpop (xrf2);
	v33 =	vmul.f32 $1.442695020e+00, v40;
	s1 =	smin.f32 s1, $5.000000000e+00  }
0x3af: {  	v38 =	vld [tilespmem:s31+$0xFFFFFFD0];
	[tilespmem:s0+$0xFFFFFF70] =	vst v22;
	(v2sf) =	vpush v7, $0xF;
	v22 =	vmov s1;
	v7 =	vmov v16  }
0x3b0: {  	v14 =	vmul.f32 v14, v37;
	v16 =	vld [tilespmem:s31+$0x50];
	v37 =	vpop (erf);
	v33 =	vbroadcast v33, $0x0;
	s1 =	spop (v2sf)  }
0x3b1: {  	(xrf2) =	vadd.scan.msk.f32 $0xffff, v24;
	v24 =	vld [tilespmem:s30+$0xFFFFFF20];
	v19 =	vmul.f32 v37, v19;
	v37 =	vsel vm1, v3, v37;
	(erf) = vpow2.f32 v35;
	v3, _, _ =	vpop (xrf2);
	s1 =	smax.f32 s1, $-5.000000000e+00  }
0x3b2: {  	v41 =	vmul.f32 $1.442695020e+00, v22;
	v35 =	vld [tilespmem:s26+$0xFFFFFFA0];
	v40 =	vpop (erf);
	(v2sf) =	vpush v3, $0xF;
	s1 =	smin.f32 s1, $5.000000000e+00;
	v3 =	vmov v26  }
0x3b3: {  	v22 =	vmovc v39;
	v26 =	vmul.f32 v31, v36;
	v31 =	vld [tilespmem:s30+$0xFFFFFF60];
	[tilespmem:s0+$0xFFFFFFC0] =	vst v19;
	v43 =	vmul.f32 v40, v17;
	v42 =	vmov s1;
	s1 =	spop (v2sf)  }
0x3b4: {  	v36 =	vsel vm1, v2, v40;
	v2 =	vmovc v34;
	(xrf2) =	vadd.scan.msk.f32 $0xffff, v28;
	v28 =	vld [tilespmem:s30+$0xFFFFFFA0];
	(erf) = vpow2.f32 v33;
	v33 =	vmul.f32 $1.442695020e+00, v42;
	s1 =	smax.f32 s1, $-5.000000000e+00  }
0x3b5: {  	v40 =	vbroadcast v41, $0x0;
	v34, _, _ =	vpop (xrf2);
	v39 =	vld [tilespmem:s26+$0xFFFFFFE0];
	[tilespmem:s0+$0x10] =	vst v43;
	s1 =	smin.f32 s1, $5.000000000e+00;
	v19 =	vmov v38;
	v17 =	vmov v16  }
0x3b6: {  	(v2sf) =	vpush v34, $0xF;
	v16 =	vld [tilespmem:s30+$0x20];
	v34 =	vpop (erf);
	v33 =	vbroadcast v33, $0x0;
	v38 =	vmov s1  }
0x3b7: {  	s1 =	spop (v2sf);
	(xrf2) =	vadd.scan.msk.f32 $0xffff, v14;
	v24 =	vmul.f32 v35, v24;
	v35 =	vld [tilespmem:s26+$0x20];
	v14 =	vmul.f32 v34, v13;
	v34 =	vsel vm2, v8, v34  }
0x3b8: {  	v38 =	vmul.f32 $1.442695020e+00, v38;
	v8 =	vmov v32;
	s1 =	smax.f32 s1, $-5.000000000e+00;
	v41, _, _ =	vpop (xrf2);
	v42 =	vld [tilespmem:s30+$0xFFFFFFE0];
	v13 =	vmov v31  }
0x3b9: {  	s1 =	smin.f32 s1, $5.000000000e+00;
	(v2sf) =	vpush v41, $0xF;
	v31 =	vld [tilespmem:s30+$0x60];
	[tilespmem:s22+$0xFFFFFF80] =	vst v14;
	(erf) = vpow2.f32 v40  }
0x3ba: {  	v38 =	vbroadcast v38, $0x0;
	v14 =	vmov s1;
	(xrf2) =	vadd.scan.msk.f32 $0xffff, v26;
	v26 =	vmul.f32 v39, v28;
	v28 =	vld [tilespmem:s24+$0xFFFFFF30];
	v32 =	vpop (erf)  }
0x3bb: {  	v39 =	vmul.f32 $1.442695020e+00, v14;
	v40, _, _ =	vpop (xrf2);
	s1 =	spop (v2sf);
	v41 =	vld [tilespmem:s14+$0xFFFFFFB0];
	v43 =	vmul.f32 v32, v15;
	v14 =	vsel vm2, v9, v32  }
0x3bc: {  	v9 =	vmovc v37;
	(v2sf) =	vpush v40, $0xF;
	s1 =	smax.f32 s1, $-5.000000000e+00;
	v32 =	vmul.f32 v35, v16;
	v35 =	vld [tilespmem:s24+$0xFFFFFF70];
	(erf) = vpow2.f32 v33  }
0x3bd: {  	v33 =	vbroadcast v39, $0x0;
	s1 =	smin.f32 s1, $5.000000000e+00;
	(xrf2) =	vadd.scan.msk.f32 $0xffff, v24;
	[tilespmem:s22+$0xFFFFFFD0] =	vst v43;
	v15 =	vpop (erf);
	(erf) = vpow2.f32 v38  }
0x3be: {  	v24 =	vmov s1;
	v37, _, _ =	vpop (xrf2);
	s1 =	spop (v2sf);
	v38 =	vld [tilespmem:s24+$0xFFFFFFB0];
	v39 =	vmul.f32 v15, v18;
	v16 =	vsel vm2, v10, v15  }
0x3bf: {  	v10 =	vmovc v36;
	v15 =	vmovc v42;
	(erf) = vpow2.f32 v33;
	v33 =	vmul.f32 $1.442695020e+00, v24;
	(v2sf) =	vpush v37, $0xF;
	s1 =	smax.f32 s1, $-5.000000000e+00;
	v37 =	vld [tilespmem:s14+$0xFFFFFFF0]  }
0x3c0: {  	v18 =	vmov v31;
	s1 =	smin.f32 s1, $5.000000000e+00;
	(xrf2) =	vadd.scan.msk.f32 $0xffff, v26;
	v28 =	vmul.f32 v41, v28;
	v24 =	vld [tilespmem:s24+$0xFFFFFFF0];
	[tilespmem:s22+$0x20] =	vst v39  }
0x3c1: {  	v26 =	vbroadcast v33, $0x0;
	v31, _, _ =	vpop (xrf2);
	v33 =	vmov s1;
	v36 =	vld [tilespmem:s24+$0x30];
	s1 =	spop (v2sf)  }
0x3c2: {  	(v2sf) =	vpush v31, $0xF;
	v33 =	vmul.f32 $1.442695020e+00, v33;
	v39 =	vld [tilespmem:s14+$0x30];
	s1 =	smax.f32 s1, $-5.000000000e+00;
	v31 =	vpop (erf);
	s14 =	smov.u32 s26;
	s26 =	smov.u32 s13  }
0x3c3: {  	s13 =	smov.u32 s17;
	(erf) = vpow2.f32 v26;
	(xrf2) =	vadd.scan.msk.f32 $0xffff, v32;
	v26 =	vld [tilespmem:s24+$0x70];
	s1 =	smin.f32 s1, $5.000000000e+00;
	v41 =	vmul.f32 v31, v12;
	v32 =	vsel vm3, v11, v31;
	v11 =	vmovc v34  }
.Ltmp7:
0x3c4: {  	v31 =	vld [tilespmem:s21+$0xC0];
	v34, _, _ =	vpop (xrf2);
	v42 =	vbroadcast v33, $0x0;
	v33 =	vmul.f32 v37, v38;
	v37 =	vmov s1;
	[tilespmem:s8+$0xFFFFFFA0] =	vst v32;
	(pc) =	sbr.rel @p0 .LBB2_11-.Ltmp7, $4  }
0x3c5: {  	v12 =	vmov v35;
	s1 =	spop (v2sf);
	(v2sf) =	vpush v34, $0xF;
	v32 =	vmul.f32 $1.442695020e+00, v37;
	[tilespmem:s8+$0xFFFFFF90] =	vst v41;
	v34 =	vpop (erf)  }
0x3c6: {  	s1 =	smax.f32 s1, $-5.000000000e+00;
	(erf) = vpow2.f32 v42;
	(xrf2) =	vadd.scan.msk.f32 $0xffff, v28;
	v37 =	vmul.f32 v34, v30;
	v41 =	vsel vm3, v25, v34;
	v38 =	vpop (erf)  }
0x3c7: {  	s1 =	smin.f32 s1, $5.000000000e+00;
	v40, _, _ =	vpop (xrf2);
	v34 =	vmul.f32 v39, v36;
	v30 =	vbroadcast v32, $0x0;
	[tilespmem:s8+$0xFFFFFFF0] =	vst v41;
	v28 =	vsel vm3, v29, v38  }
0x3c8: {  	s21 =	sadd.s32 $0x200, s21;
	v29 =	vmul.f32 v38, v27;
	v35 =	vmov s1;
	s25 =	spop (v2sf);
	v25 =	vpop (erf);
	v32 =	vld [tilespmem:s31+$0xD0];
	(v2sf) =	vpush v40, $0xF;
	[tilespmem:s8+$0xFFFFFFE0] =	vst v37  }
0x3c9: {  	s1 =	smax.f32 s25, $-5.000000000e+00  }
0x3ca: {  	s1 =	smin.f32 s1, $5.000000000e+00  }
0x3cb: {  	v27 =	vmul.f32 $1.442695020e+00, v35;
	v49 =	vmov s1  }
0x3cc: {  	v35 =	vmul.f32 $1.442695020e+00, v49  }
0x3cd: {  	s21 =	spop (v2sf);
	v27 =	vbroadcast v27, $0x0  }
0x3ce: {  	(erf) = vpow2.f32 v30;
	s1 =	smax.f32 s21, $-5.000000000e+00;
	v50 =	vbroadcast v35, $0x0  }
0x3cf: {  	s1 =	smin.f32 s1, $5.000000000e+00;
	(erf) = vpow2.f32 v27  }
0x3d0: {  	v51 =	vmov s1;
	(erf) = vpow2.f32 v50  }
0x3d1: {  	v52 =	vmul.f32 $1.442695020e+00, v51  }
0x3d2: {  	v31 =	vmul.f32 v25, v31  }
0x3d3: {  	v53 =	vld [tilespmem:s30+$0xE0];
	v27 =	vbroadcast v52, $0x0;
	_ =	sdelay $0x1  }
0x3d4: {  	s16 =	sadd.s32 $0x140, s16;
	v30 =	vpop (erf);
	(erf) = vpow2.f32 v27  }
0x3d5: {  	[tilespmem:s16+$0x50] =	vst v31;
	v54 =	vmul.f32 v30, v32;
	v31 =	vpop (erf)  }
0x3d6: {  	v36 =	vld [tilespmem:s9+$0x90];
	v32 =	vpop (erf)  }
0x3d7: {  	v37 =	vld [tilespmem:s13+$0x50];
	[tilespmem:s12+$0x60] =	vst v54;
	v35 =	vmul.f32 v31, v53;
	v27 =	vpop (erf)  }
0x3d8: {  	v38 =	vld [tilespmem:s31+$0xA0];
	v55 =	vmul.f32 v27, v21;
	v21 =	vpop (erf)  }
0x3d9: {  	v39 =	vld [tilespmem:s26+$0x60];
	[tilespmem:s0+$0x70] =	vst v35;
	v20 =	vmul.f32 v21, v20  }
0x3da: {  	v40 =	vld [tilespmem:s30+$0xB0]  }
0x3db: {  	(xrf2) =	vadd.scan.msk.f32 $0xffff, v33;
	v41 =	vld [tilespmem:s14+$0x70];
	[tilespmem:s16+$0xFFFFFF60] =	vst v55  }
0x3dc: {  	(xrf2) =	vadd.scan.msk.f32 $0xffff, v34;
	v35 =	vld [tilespmem:s9+$0xFFFFFF10]  }
0x3dd: {  	v56 =	vld [tilespmem:s13+$0xFFFFFF90];
	[tilespmem:s16+$0xFFFFFFB0] =	vst v20;
	v20 =	vpop (erf)  }
0x3de: {  	v57 =	vmul.f32 v37, v36;
	v58 =	vld [tilespmem:s9+$0xFFFFFF90];
	v23 =	vmul.f32 v20, v23  }
0x3df: {  	v59 =	vmul.f32 v39, v38;
	v60 =	vld [tilespmem:s13+$0xFFFFFFD0]  }
0x3e0: {  	v61, _, _ =	vpop (xrf2);
	(xrf2) =	vadd.scan.msk.f32 $0xffff, v57;
	[tilespmem:s16+$0x0] =	vst v23  }
0x3e1: {  	(v2sf) =	vpush v61, $0xF;
	(xrf2) =	vadd.scan.msk.f32 $0xffff, v59;
	v62 =	vmul.f32 v41, v40;
	v63 =	vld [tilespmem:s9+$0x10]  }
0x3e2: {  	v39, _, _ =	vpop (xrf2);
	v33 =	vmul.f32 v56, v35;
	v40 =	vld [tilespmem:s13+$0x10]  }
0x3e3: {  	(v2sf) =	vpush v39, $0xF;
	v42, _, _ =	vpop (xrf2);
	(xrf2) =	vadd.scan.msk.f32 $0xffff, v62  }
0x3e4: {  	s25 =	spop (v2sf);
	(v2sf) =	vpush v42, $0xF;
	(xrf2) =	vadd.scan.msk.f32 $0xffff, v33;
	v41 =	vmul.f32 v60, v58  }
0x3e5: {  	s1 =	smax.f32 s25, $-5.000000000e+00;
	v44, _, _ =	vpop (xrf2)  }
0x3e6: {  	s1 =	smin.f32 s1, $5.000000000e+00;
	s17 =	spop (v2sf);
	(v2sf) =	vpush v44, $0xF;
	v46, _, _ =	vpop (xrf2);
	(xrf2) =	vadd.scan.msk.f32 $0xffff, v41  }
0x3e7: {  	v43 =	vmov s1;
	s1 =	smax.f32 s17, $-5.000000000e+00;
	s17 =	spop (v2sf);
	(v2sf) =	vpush v46, $0xF;
	v45 =	vmul.f32 v40, v63  }
0x3e8: {  	_ = 	snop  }
0x3e9: {  	(xrf2) =	vadd.scan.msk.f32 $0xffff, v45  }
0x3ea: {  	v48, _, _ =	vpop (xrf2)  }
0x3eb: {  	(v2sf) =	vpush v48, $0xF;
	v50, _, _ =	vpop (xrf2)  }
0x3ec: {  	(v2sf) =	vpush v50, $0xF  }
0x3ed: {  	s1 =	smin.f32 s1, $5.000000000e+00;
	s17 =	smax.f32 s17, $-5.000000000e+00;
	v51, _, _ =	vpop (xrf2)  }
0x3ee: {  	v47 =	vmov s1;
	s20 =	smin.f32 s17, $5.000000000e+00;
	(v2sf) =	vpush v51, $0xF;
	v53, _, _ =	vpop (xrf2)  }
0x3ef: {  	v49 =	vmov s20;
	s21 =	spop (v2sf);
	v23 =	vmul.f32 $1.442695020e+00, v43;
	(v2sf) =	vpush v53, $0xF  }
0x3f0: {  	s1 =	smax.f32 s21, $-5.000000000e+00;
	s25 =	spop (v2sf);
	v35 =	vmul.f32 $1.442695020e+00, v49;
	v33 =	vmul.f32 $1.442695020e+00, v47;
	v54, _, _ =	vpop (xrf2)  }
0x3f1: {  	s1 =	smin.f32 s1, $5.000000000e+00;
	s17 =	smax.f32 s25, $-5.000000000e+00;
	v23 =	vbroadcast v23, $0x0;
	(v2sf) =	vpush v54, $0xF  }
0x3f2: {  	v55 =	vmov s1;
	s17 =	smin.f32 s17, $5.000000000e+00;
	v52 =	vbroadcast v35, $0x0;
	v33 =	vbroadcast v33, $0x0;
	s20 =	spop (v2sf)  }
0x3f3: {  	v57 =	vmov s17;
	(erf) = vpow2.f32 v23;
	v23 =	vmul.f32 $1.442695020e+00, v55;
	s20 =	smax.f32 s20, $-5.000000000e+00;
	s25 =	spop (v2sf);
	v56, _, _ =	vpop (xrf2)  }
0x3f4: {  	v58 =	vmul.f32 $1.442695020e+00, v57;
	(erf) = vpow2.f32 v33;
	s21 =	smin.f32 s20, $5.000000000e+00;
	s17 =	smax.f32 s25, $-5.000000000e+00;
	(v2sf) =	vpush v56, $0xF  }
0x3f5: {  	v60 =	vbroadcast v23, $0x0;
	s20 =	spop (v2sf);
	s1 =	smin.f32 s17, $5.000000000e+00  }
0x3f6: {  	v33 =	vbroadcast v58, $0x0;
	(erf) = vpow2.f32 v52;
	v59 =	vmov s21;
	s21 =	smax.f32 s20, $-5.000000000e+00;
	s25 =	spop (v2sf)  }
0x3f7: {  	v34 =	vmul.f32 $1.442695020e+00, v59;
	(erf) = vpow2.f32 v60;
	v62 =	vmov s1;
	s1 =	smin.f32 s21, $5.000000000e+00;
	s17 =	smax.f32 s25, $-5.000000000e+00  }
0x3f8: {  	v35 =	vmul.f32 $1.442695020e+00, v62;
	(erf) = vpow2.f32 v33;
	v44 =	vmov s1;
	s17 =	smin.f32 s17, $5.000000000e+00  }
0x3f9: {  	v34 =	vbroadcast v34, $0x0;
	v33 =	vmul.f32 $1.442695020e+00, v44;
	v45 =	vmov s17  }
0x3fa: {  	v35 =	vbroadcast v35, $0x0;
	v46 =	vmul.f32 $1.442695020e+00, v45;
	s20 =	spop (v2sf)  }
0x3fb: {  	(erf) = vpow2.f32 v34;
	v33 =	vbroadcast v33, $0x0;
	s21 =	smax.f32 s20, $-5.000000000e+00;
	s25 =	spop (v2sf)  }
0x3fc: {  	v23 =	vpop (erf);
	(erf) = vpow2.f32 v35;
	v34 =	vbroadcast v46, $0x0;
	s1 =	smin.f32 s21, $5.000000000e+00;
	s17 =	smax.f32 s25, $-5.000000000e+00  }
0x3fd: {  	v61 =	vmul.f32 v23, v22;
	v22 =	vpop (erf);
	(erf) = vpow2.f32 v33;
	v47 =	vmov s1;
	s17 =	smin.f32 s17, $5.000000000e+00;
	s20 =	spop (v2sf)  }
0x3fe: {  	v42 =	vld [tilespmem:s9+$0xFFFFFFD0];
	v63 =	vmul.f32 v22, v19;
	v35 =	vmul.f32 $1.442695020e+00, v47;
	v48 =	vmov s17;
	s21 =	smax.f32 s20, $-5.000000000e+00;
	s25 =	spop (v2sf)  }
0x3ff: {  	v43 =	vld [tilespmem:s9+$0x50];
	v19 =	vpop (erf);
	(erf) = vpow2.f32 v34;
	v49 =	vmul.f32 $1.442695020e+00, v48;
	s1 =	smin.f32 s21, $5.000000000e+00;
	s17 =	smax.f32 s25, $-5.000000000e+00  }
0x400: {  	v41 =	vld [tilespmem:s9+$0xFFFFFF50];
	v17 =	vmul.f32 v19, v17;
	v50 =	vbroadcast v35, $0x0;
	v51 =	vmov s1;
	s17 =	smin.f32 s17, $5.000000000e+00;
	s20 =	spop (v2sf)  }
0x401: {  	v59 =	vld [tilespmem:s9+$0xD0];
	[tilespmem:s12+$0xFFFFFF70] =	vst v61;
	v33 =	vbroadcast v49, $0x0;
	v35 =	vmul.f32 $1.442695020e+00, v51;
	v52 =	vmov s17;
	s21 =	smax.f32 s20, $-5.000000000e+00  }
0x402: {  	v39 =	vld [tilespmem:s31+$0xFFFFFF20];
	(erf) = vpow2.f32 v50;
	v36 =	vmul.f32 $1.442695020e+00, v52;
	s1 =	smin.f32 s21, $5.000000000e+00  }
0x403: {  	v44 =	vld [tilespmem:s26+$0xFFFFFFA0];
	[tilespmem:s12+$0xFFFFFFC0] =	vst v63;
	(erf) = vpow2.f32 v33;
	v53 =	vbroadcast v35, $0x0;
	v54 =	vmov s1;
	s25 =	spop (v2sf)  }
0x404: {  	v34 =	vpop (erf);
	v45 =	vld [tilespmem:s31+$0xFFFFFFA0];
	v55 =	vbroadcast v36, $0x0;
	v56 =	vmul.f32 $1.442695020e+00, v54;
	s1 =	smax.f32 s25, $-5.000000000e+00  }
0x405: {  	v46 =	vld [tilespmem:s26+$0xFFFFFFE0];
	[tilespmem:s12+$0x10] =	vst v17;
	v13 =	vmul.f32 v34, v13;
	(erf) = vpow2.f32 v53;
	s1 =	smin.f32 s1, $5.000000000e+00  }
0x406: {  	v47 =	vld [tilespmem:s31+$0x20];
	v35 =	vpop (erf);
	(erf) = vpow2.f32 v55;
	v57 =	vbroadcast v56, $0x0;
	v58 =	vmov s1  }
0x407: {  	v48 =	vld [tilespmem:s26+$0x20];
	v37 =	vpop (erf);
	v60 =	vmul.f32 $1.442695020e+00, v58  }
0x408: {  	[tilespmem:s0+$0xFFFFFF80] =	vst v13;
	v50 =	vld [tilespmem:s31+$0xE0];
	v15 =	vmul.f32 v35, v15;
	v40 =	vpop (erf);
	(erf) = vpow2.f32 v57  }
0x409: {  	v49 =	vld [tilespmem:s30+$0xFFFFFF30];
	v38 =	vpop (erf);
	v61 =	vbroadcast v60, $0x0  }
0x40a: {  	v51 =	vld [tilespmem:s14+$0xFFFFFFB0];
	v62 =	vmul.f32 v37, v18;
	[tilespmem:s0+$0xFFFFFFD0] =	vst v15;
	v36 =	vpop (erf)  }
0x40b: {  	v52 =	vld [tilespmem:s30+$0xFFFFFFB0];
	v13 =	vpop (erf);
	(erf) = vpow2.f32 v61  }
0x40c: {  	v53 =	vld [tilespmem:s14+$0xFFFFFFF0];
	[tilespmem:s0+$0x20] =	vst v62;
	v63 =	vmul.f32 v13, v59  }
0x40d: {  	v54 =	vld [tilespmem:s30+$0x30];
	v56 =	vmul.f32 v44, v39;
	v33 =	vpop (erf)  }
0x40e: {  	v45 =	vmul.f32 v46, v45;
	v57 =	vld [tilespmem:s14+$0x30];
	v39 =	vpop (erf);
	[tilespmem:s16+$0x60] =	vst v63;
	v58 =	vmul.f32 v33, v50  }
0x40f: {  	v47 =	vmul.f32 v48, v47;
	(xrf2) =	vadd.scan.msk.f32 $0xffff, v56;
	v46 =	vld [tilespmem:s9+$0xA0];
	v17 =	vpop (erf)  }
0x410: {  	(xrf2) =	vadd.scan.msk.f32 $0xffff, v45;
	v59 =	vld [tilespmem:s13+$0x60];
	[tilespmem:s12+$0x70] =	vst v58;
	v60 =	vmul.f32 v17, v41  }
0x411: {  	(xrf2) =	vadd.scan.msk.f32 $0xffff, v47;
	v62 =	vld [tilespmem:s31+$0xB0];
	v61 =	vmul.f32 v51, v49;
	v18 =	vpop (erf)  }
0x412: {  	v63 =	vld [tilespmem:s26+$0x70];
	[tilespmem:s16+$0xFFFFFF70] =	vst v60;
	v42 =	vmul.f32 v18, v42  }
0x413: {  	v53 =	vmul.f32 v53, v52;
	(xrf2) =	vadd.scan.msk.f32 $0xffff, v61;
	v41 =	vld [tilespmem:s9+$0xFFFFFF20]  }
0x414: {  	v56 =	vmul.f32 v57, v54;
	v55 =	vld [tilespmem:s13+$0xFFFFFFA0];
	[tilespmem:s16+$0xFFFFFFC0] =	vst v42;
	v15 =	vpop (erf)  }
0x415: {  	(xrf2) =	vadd.scan.msk.f32 $0xffff, v53;
	v57 =	vld [tilespmem:s9+$0xFFFFFFA0];
	v43 =	vmul.f32 v15, v43  }
0x416: {  	v59 =	vmul.f32 v59, v46;
	(xrf2) =	vadd.scan.msk.f32 $0xffff, v56;
	v58 =	vld [tilespmem:s13+$0xFFFFFFE0]  }
0x417: {  	v60 =	vmul.f32 v63, v62;
	[tilespmem:s16+$0x10] =	vst v43  }
0x418: {  	(xrf2) =	vadd.scan.msk.f32 $0xffff, v59;
	v61 =	vld [tilespmem:s9+$0x20]  }
0x419: {  	v63, _, _ =	vpop (xrf2);
	(xrf2) =	vadd.scan.msk.f32 $0xffff, v60;
	v41 =	vmul.f32 v55, v41;
	v62 =	vld [tilespmem:s13+$0x20]  }
0x41a: {  	v48, _, _ =	vpop (xrf2);
	(v2sf) =	vpush v63, $0xF  }
0x41b: {  	(v2sf) =	vpush v48, $0xF;
	v49, _, _ =	vpop (xrf2);
	(xrf2) =	vadd.scan.msk.f32 $0xffff, v41;
	v44 =	vmul.f32 v58, v57;
	_ =	sdelay $0x1  }
0x41c: {  	(v2sf) =	vpush v49, $0xF;
	v50, _, _ =	vpop (xrf2);
	(xrf2) =	vadd.scan.msk.f32 $0xffff, v44  }
0x41d: {  	(v2sf) =	vpush v50, $0xF;
	v51 =	vmul.f32 v62, v61  }
0x41e: {  	v52, _, _ =	vpop (xrf2)  }
0x41f: {  	(v2sf) =	vpush v52, $0xF;
	v53, _, _ =	vpop (xrf2);
	(xrf2) =	vadd.scan.msk.f32 $0xffff, v51  }
0x420: {  	(v2sf) =	vpush v53, $0xF  }
0x421: {  	v54, _, _ =	vpop (xrf2)  }
0x422: {  	(v2sf) =	vpush v54, $0xF;
	v55, _, _ =	vpop (xrf2)  }
0x423: {  	(v2sf) =	vpush v55, $0xF  }
0x424: {  	v56, _, _ =	vpop (xrf2)  }
0x425: {  	(v2sf) =	vpush v56, $0xF  }
0x426: {  	v57, _, _ =	vpop (xrf2)  }
0x427: {  	(v2sf) =	vpush v57, $0xF  }
0x428: {  	s17 =	spop (v2sf)  }
0x429: {  	s1 =	smax.f32 s17, $-5.000000000e+00;
	s20 =	spop (v2sf);
	v58, _, _ =	vpop (xrf2)  }
0x42a: {  	s1 =	smin.f32 s1, $5.000000000e+00;
	s14 =	smax.f32 s20, $-5.000000000e+00;
	(v2sf) =	vpush v58, $0xF  }
0x42b: {  	s21 =	spop (v2sf);
	v59 =	vmov s1;
	s14 =	smin.f32 s14, $5.000000000e+00  }
0x42c: {  	s17 =	smax.f32 s21, $-5.000000000e+00;
	v41 =	vmul.f32 $1.442695020e+00, v59;
	s25 =	spop (v2sf)  }
0x42d: {  	v60 =	vmov s14;
	s20 =	smin.f32 s17, $5.000000000e+00;
	s1 =	smax.f32 s25, $-5.000000000e+00  }
0x42e: {  	v42 =	vmul.f32 $1.442695020e+00, v60;
	v61 =	vmov s20;
	v41 =	vbroadcast v41, $0x0;
	s21 =	spop (v2sf);
	s1 =	smin.f32 s1, $5.000000000e+00  }
0x42f: {  	v43 =	vmul.f32 $1.442695020e+00, v61;
	s14 =	smax.f32 s21, $-5.000000000e+00;
	s25 =	spop (v2sf)  }
0x430: {  	v42 =	vbroadcast v42, $0x0;
	(erf) = vpow2.f32 v41;
	v62 =	vmov s1;
	s14 =	smin.f32 s14, $5.000000000e+00;
	s20 =	smax.f32 s25, $-5.000000000e+00  }
0x431: {  	v43 =	vbroadcast v43, $0x0;
	s25 =	spop (v2sf);
	v41 =	vmul.f32 $1.442695020e+00, v62;
	v63 =	vmov s14;
	s21 =	smin.f32 s20, $5.000000000e+00  }
0x432: {  	(erf) = vpow2.f32 v42;
	s14 =	smax.f32 s25, $-5.000000000e+00;
	s17 =	spop (v2sf);
	v48 =	vmul.f32 $1.442695020e+00, v63  }
0x433: {  	(erf) = vpow2.f32 v43;
	v49 =	vmov s21;
	s1 =	smin.f32 s14, $5.000000000e+00;
	s14 =	smax.f32 s17, $-5.000000000e+00;
	v41 =	vbroadcast v41, $0x0  }
0x434: {  	v44 =	vmul.f32 $1.442695020e+00, v49;
	s14 =	smin.f32 s14, $5.000000000e+00;
	v51 =	vmov s1;
	v42 =	vbroadcast v48, $0x0;
	s20 =	spop (v2sf)  }
0x435: {  	v52 =	vmov s14;
	v53 =	vmul.f32 $1.442695020e+00, v51;
	(erf) = vpow2.f32 v41;
	s21 =	smax.f32 s20, $-5.000000000e+00  }
0x436: {  	v50 =	vbroadcast v44, $0x0;
	v54 =	vmul.f32 $1.442695020e+00, v52;
	s1 =	smin.f32 s21, $5.000000000e+00;
	s25 =	spop (v2sf)  }
0x437: {  	(erf) = vpow2.f32 v42;
	v42 =	vbroadcast v53, $0x0;
	v55 =	vmov s1;
	s17 =	smax.f32 s25, $-5.000000000e+00  }
0x438: {  	(erf) = vpow2.f32 v50;
	v43 =	vmul.f32 $1.442695020e+00, v55;
	s20 =	smin.f32 s17, $5.000000000e+00  }
0x439: {  	v56 =	vld [tilespmem:s31+$0xFFFFFF60];
	v41 =	vbroadcast v54, $0x0;
	(erf) = vpow2.f32 v42;
	v57 =	vmov s20;
	s21 =	spop (v2sf)  }
0x43a: {  	v58 =	vbroadcast v43, $0x0;
	v45 =	vmul.f32 $1.442695020e+00, v57;
	s1 =	smax.f32 s21, $-5.000000000e+00  }
0x43b: {  	v59 =	vld [tilespmem:s31+$0xFFFFFFE0];
	(erf) = vpow2.f32 v41;
	s1 =	smin.f32 s1, $5.000000000e+00  }
0x43c: {  	v63 =	vld [tilespmem:s31+$0x60];
	v47 =	vpop (erf);
	(erf) = vpow2.f32 v58;
	v61 =	vbroadcast v45, $0x0;
	v62 =	vmov s1  }
0x43d: {  	v51 =	vld [tilespmem:s9+$0xFFFFFF60];
	v60 =	vmul.f32 $1.442695020e+00, v62  }
0x43e: {  	v52 =	vld [tilespmem:s9+$0xFFFFFFE0];
	v44 =	vmul.f32 v47, v56;
	v46 =	vpop (erf);
	(erf) = vpow2.f32 v61  }
0x43f: {  	v42 =	vpop (erf);
	v61 =	vld [tilespmem:s9+$0xE0];
	v45 =	vbroadcast v60, $0x0  }
0x440: {  	v53 =	vld [tilespmem:s9+$0x60];
	[tilespmem:s12+$0xFFFFFF80] =	vst v44;
	v43 =	vmul.f32 v46, v59;
	v54 =	vpop (erf)  }
0x441: {  	v55 =	vld [tilespmem:s31+$0xFFFFFF30];
	v50 =	vpop (erf);
	(erf) = vpow2.f32 v45  }
0x442: {  	v56 =	vld [tilespmem:s26+$0xFFFFFFB0];
	[tilespmem:s12+$0xFFFFFFD0] =	vst v43;
	v48 =	vpop (erf);
	v62 =	vmul.f32 v42, v63  }
0x443: {  	v57 =	vld [tilespmem:s31+$0xFFFFFFB0];
	v45 =	vpop (erf)  }
0x444: {  	v58 =	vld [tilespmem:s26+$0xFFFFFFF0];
	[tilespmem:s12+$0x20] =	vst v62;
	v41 =	vmul.f32 v45, v61;
	v49 =	vpop (erf)  }
0x445: {  	v59 =	vld [tilespmem:s31+$0x30];
	v44 =	vpop (erf)  }
0x446: {  	v60 =	vld [tilespmem:s26+$0x30];
	[tilespmem:s16+$0x70] =	vst v41;
	v63 =	vmul.f32 v44, v51  }
0x447: {  	v43 =	vpop (erf);
	v51 =	vld [tilespmem:s9+$0xB0]  }
0x448: {  	v55 =	vmul.f32 v56, v55;
	v56 =	vld [tilespmem:s13+$0x70];
	v52 =	vmul.f32 v43, v52;
	[tilespmem:s16+$0xFFFFFF80] =	vst v63  }
0x449: {  	v61 =	vld [tilespmem:s9+$0xFFFFFF30]  }
0x44a: {  	(xrf2) =	vadd.scan.msk.f32 $0xffff, v55;
	v57 =	vmul.f32 v58, v57;
	[tilespmem:s16+$0xFFFFFFD0] =	vst v52;
	v52 =	vld [tilespmem:s13+$0xFFFFFFB0];
	v41 =	vpop (erf)  }
0x44b: {  	v60 =	vmul.f32 v60, v59;
	v53 =	vmul.f32 v41, v53  }
0x44c: {  	(xrf2) =	vadd.scan.msk.f32 $0xffff, v57;
	v58 =	vld [tilespmem:s9+$0xFFFFFFB0]  }
0x44d: {  	(xrf2) =	vadd.scan.msk.f32 $0xffff, v60;
	v51 =	vmul.f32 v56, v51;
	[tilespmem:s16+$0x20] =	vst v53;
	v53 =	vld [tilespmem:s13+$0xFFFFFFF0]  }
0x44e: {  	v62 =	vld [tilespmem:s9+$0x30]  }
0x44f: {  	v63 =	vld [tilespmem:s13+$0x30];
	(xrf2) =	vadd.scan.msk.f32 $0xffff, v51;
	v60 =	vmul.f32 v52, v61;
	_ =	sdelay $0x1  }
0x450: {  	(xrf2) =	vadd.scan.msk.f32 $0xffff, v60;
	_ =	sdelay $0x1  }
0x451: {  	v61 =	vmul.f32 v53, v58  }
0x452: {  	v62 =	vmul.f32 v63, v62;
	v63, _, _ =	vpop (xrf2)  }
0x453: {  	(xrf2) =	vadd.scan.msk.f32 $0xffff, v61;
	(v2sf) =	vpush v63, $0xF  }
0x454: {  	v56, _, _ =	vpop (xrf2);
	(xrf2) =	vadd.scan.msk.f32 $0xffff, v62  }
0x455: {  	v57, _, _ =	vpop (xrf2);
	(v2sf) =	vpush v56, $0xF  }
0x456: {  	(v2sf) =	vpush v57, $0xF  }
0x457: {  	v58, _, _ =	vpop (xrf2)  }
0x458: {  	(v2sf) =	vpush v58, $0xF  }
0x459: {  	v59, _, _ =	vpop (xrf2)  }
0x45a: {  	(v2sf) =	vpush v59, $0xF;
	_ =	sdelay $0x2  }
0x45b: {  	v60, _, _ =	vpop (xrf2)  }
0x45c: {  	(v2sf) =	vpush v60, $0xF;
	v62, _, _ =	vpop (xrf2)  }
0x45d: {  	(v2sf) =	vpush v62, $0xF;
	_ =	sdelay $0x2  }
0x45e: {  	[tilespmem:s8+$0x40] =	vst v28;
	v4 =	vsel vm1, v4, v30;
	s25 =	spop (v2sf)  }
0x45f: {  	[tilespmem:s8+$0x30] =	vst v29;
	v5 =	vsel vm2, v5, v31;
	v6 =	vsel vm3, v6, v32;
	v11 =	vsel vm3, v11, v40;
	v61 =	vld [tilespmem:s24+$0xF0];
	s1 =	smax.f32 s25, $-5.000000000e+00  }
0x460: {  	v9 =	vsel vm2, v9, v35;
	v10 =	vsel vm2, v10, v37;
	[tilespmem:s22+$0xFFFFFFA0] =	vst v11;
	v14 =	vsel vm3, v14, v38;
	s26 =	spop (v2sf);
	s1 =	smin.f32 s1, $5.000000000e+00  }
0x461: {  	[tilespmem:s22+$0xFFFFFFF0] =	vst v14;
	v16 =	vsel vm3, v16, v36;
	v4 =	vsel vm2, v4, v33;
	v5 =	vsel vm3, v5, v39;
	s8 =	smax.f32 s26, $-5.000000000e+00;
	s13 =	spop (v2sf)  }
0x462: {  	v53 =	vmul.f32 v38, v24;
	[tilespmem:s22+$0x90] =	vst v6;
	v6 =	vsel vm1, v7, v23;
	v52 =	vmov s1;
	s1 =	smin.f32 s8, $5.000000000e+00;
	s8 =	smax.f32 s13, $-5.000000000e+00  }
0x463: {  	[tilespmem:s22+$0x40] =	vst v16;
	v56 =	vmul.f32 v36, v26;
	v11 =	vmul.f32 $1.442695020e+00, v52;
	v57 =	vmov s1;
	s14 =	smin.f32 s8, $5.000000000e+00;
	s17 =	spop (v2sf)  }
0x464: {  	v51 =	vld [tilespmem:s30+$0xF0];
	[tilespmem:s0+$0x90] =	vst v5;
	v63 =	vmul.f32 v32, v61;
	v58 =	vmul.f32 $1.442695020e+00, v57;
	v59 =	vmov s14;
	s20 =	smax.f32 s17, $-5.000000000e+00  }
0x465: {  	[tilespmem:s22+$0xFFFFFFE0] =	vst v53;
	v32 =	vsel vm2, v8, v34;
	v11 =	vbroadcast v11, $0x0;
	v24 =	vmul.f32 $1.442695020e+00, v59;
	s1 =	smin.f32 s20, $5.000000000e+00;
	s21 =	spop (v2sf)  }
0x466: {  	v26 =	vld [tilespmem:s31+$0xF0];
	[tilespmem:s22+$0x30] =	vst v56;
	v34 =	vmul.f32 v40, v12;
	v8 =	vbroadcast v58, $0x0;
	v62 =	vmov s1;
	s1 =	smax.f32 s21, $-5.000000000e+00  }
0x467: {  	v61 =	vld [tilespmem:s30+$0x70];
	v7 =	vsel vm3, v32, v54;
	[tilespmem:s22+$0x80] =	vst v63;
	(erf) = vpow2.f32 v11;
	v63 =	vbroadcast v24, $0x0;
	s1 =	smin.f32 s1, $5.000000000e+00  }
0x468: {  	v55 =	vld [tilespmem:s30+$0xFFFFFF70];
	[tilespmem:s22+$0xFFFFFF90] =	vst v34;
	v11 =	vmul.f32 $1.442695020e+00, v62;
	(erf) = vpow2.f32 v8;
	v29 =	vmov s1  }
0x469: {  	v4 =	vsel vm3, v4, v49;
	[tilespmem:s0+$0xFFFFFFA0] =	vst v7;
	v60 =	vld [tilespmem:s30+$0xFFFFFFF0];
	(erf) = vpow2.f32 v63;
	s22 =	spop (v2sf);
	v7 =	vmul.f32 $1.442695020e+00, v29  }
0x46a: {  	v10 =	vsel vm3, v10, v48;
	[tilespmem:s12+$0x90] =	vst v4;
	v12 =	vmul.f32 v39, v51;
	v28 =	vbroadcast v11, $0x0;
	s24 =	smax.f32 s22, $-5.000000000e+00;
	s25 =	spop (v2sf)  }
0x46b: {  	v9 =	vsel vm3, v9, v50;
	[tilespmem:s0+$0x40] =	vst v10;
	v36 =	vmul.f32 v49, v26;
	s1 =	smin.f32 s24, $5.000000000e+00;
	s8 =	smax.f32 s25, $-5.000000000e+00;
	v7 =	vbroadcast v7, $0x0  }
0x46c: {  	[tilespmem:s0+$0x80] =	vst v12;
	v32 =	vmul.f32 v48, v61;
	(erf) = vpow2.f32 v28;
	v33 =	vmov s1;
	s26 =	smin.f32 s8, $5.000000000e+00  }
0x46d: {  	v31 =	vld [tilespmem:s31+$0xFFFFFF70];
	[tilespmem:s12+$0x80] =	vst v36;
	v5 =	vmul.f32 $1.442695020e+00, v33;
	v34 =	vmov s26;
	(erf) = vpow2.f32 v7  }
0x46e: {  	v37 =	vld [tilespmem:s31+$0x70];
	[tilespmem:s0+$0xFFFFFFF0] =	vst v9;
	v30 =	vmul.f32 v50, v60;
	v8 =	vmul.f32 $1.442695020e+00, v34  }
0x46f: {  	v35 =	vld [tilespmem:s31+$0xFFFFFFF0];
	[tilespmem:s0+$0x30] =	vst v32;
	v24 =	vmul.f32 v54, v55;
	v5 =	vbroadcast v5, $0x0  }
0x470: {  	v3 =	vsel vm1, v3, v22;
	v6 =	vsel vm2, v6, v47;
	[tilespmem:s0+$0xFFFFFFE0] =	vst v30;
	v38 =	vpop (erf);
	v39 =	vbroadcast v8, $0x0  }
0x471: {  	v3 =	vsel vm2, v3, v46;
	[tilespmem:s0+$0xFFFFFF90] =	vst v24;
	v4 =	vsel vm3, v6, v38;
	v46 =	vpop (erf);
	(erf) = vpow2.f32 v5  }
0x472: {  	v47 =	vld [tilespmem:s9+$0xF0];
	v40 =	vmul.f32 v38, v31;
	[tilespmem:s12+$0xFFFFFFA0] =	vst v4;
	v48 =	vpop (erf);
	v3 =	vsel vm3, v3, v46;
	(erf) = vpow2.f32 v39  }
0x473: {  	v2 =	vsel vm1, v2, v19;
	[tilespmem:s12+$0xFFFFFFF0] =	vst v3;
	v3 =	vmul.f32 v48, v37  }
0x474: {  	v53 =	vnsel vm0, $0x0, v27;
	v51 =	vld [tilespmem:s9+$0xFFFFFF70];
	v50 =	vnsel vm0, $0x0, v25;
	v49 =	vmul.f32 v46, v35;
	[tilespmem:s12+$0xFFFFFF90] =	vst v40  }
0x475: {  	v2 =	vsel vm2, v2, v42;
	v4 =	vsel vm1, v50, v13;
	v52 =	vpop (erf);
	[tilespmem:s12+$0x30] =	vst v3;
	v3 =	vsel vm1, v53, v17  }
0x476: {  	v54 =	vld [tilespmem:s9+$0xFFFFFFF0];
	v4 =	vsel vm2, v4, v45;
	v2 =	vsel vm3, v2, v48;
	[tilespmem:s12+$0xFFFFFFE0] =	vst v49;
	v3 =	vsel vm2, v3, v44;
	v57 =	vpop (erf)  }
0x477: {  	v55 =	vld [tilespmem:s9+$0x70];
	[tilespmem:s12+$0x40] =	vst v2;
	v2 =	vmul.f32 v52, v47;
	v4 =	vsel vm3, v4, v52;
	v3 =	vsel vm3, v3, v57  }
0x478: {  	v56 =	vnsel vm0, $0x0, v21;
	[tilespmem:s16+$0x90] =	vst v4  }
0x479: {  	v5 =	vsel vm1, v56, v18;
	[tilespmem:s16+$0x80] =	vst v2;
	v2 =	vmul.f32 v57, v51  }
0x47a: {  	v58 =	vsel vm2, v5, v43;
	[tilespmem:s16+$0xFFFFFFA0] =	vst v3;
	v3 =	vpop (erf)  }
0x47b: {  	v59 =	vnsel vm0, $0x0, v20;
	[tilespmem:s16+$0xFFFFFF90] =	vst v2;
	v2 =	vmul.f32 v3, v54;
	v3 =	vsel vm3, v58, v3;
	v60 =	vpop (erf)  }
0x47c: {  	v5 =	vsel vm1, v59, v15;
	[tilespmem:s16+$0xFFFFFFF0] =	vst v3;
	v3 =	vmul.f32 v60, v55  }
0x47d: {  	v5 =	vsel vm2, v5, v41;
	[tilespmem:s16+$0xFFFFFFE0] =	vst v2  }
0x47e: {  	v2 =	vsel vm3, v5, v60;
	[tilespmem:s16+$0x30] =	vst v3  }
0x47f: {  	[tilespmem:s16+$0x40] =	vst v2  }
0x480: {  	v2 =	vld [tilespmem:$0x140]  }
0x481: {  	v3 =	vld [tilespmem:$0x150]  }
0x482: {  	v61 =	vld [tilespmem:$0x160]  }
0x483: {  	v62 =	vld [tilespmem:$0x170]  }
0x484: {  	v63 =	vld [tilespmem:$0x180]  }
0x485: {  	p0 =	seq.s32 s23, $0x7C;
	[tilespmem:$0x230] =	vst v2  }
.Ltmp8:
0x486: {  	[tilespmem:$0x240] =	vst v3;
	(pc) =	sbr.rel @p0 .LBB2_14-.Ltmp8, $4  }
0x487: {  	[tilespmem:$0x250] =	vst v61  }
0x488: {  	[tilespmem:$0x260] =	vst v62  }
0x489: {  	s31 =	simm.s32 $0x9380;
	s30 =	simm.s32 $0x230;
	[tilespmem:$0x270] =	vst v63  }
0x48a: {  	[spmem:s2] =	stream.indirect.scatter.add.f32 [tilespmem:s31], [sflag:$0x5], $0x50, s30, s28, $0xb8;
	[tilespmem:$0x16FD0] =	vst v63  }
0x48b: {  	s0 =	smul.u32 $0xA0, s23;
	_ =	sdelay $0x1  }
0x48c: {  	s0 =	sadd.s32 s0, s15  }
.Ltmp9:
0x48d: {  	s0 =	sshrl.u32 s0, $0x3;
	(pc) =	sbr.rel .LBB2_4-.Ltmp9, $4  }
0x48e: {  	s1 =	sadd.s32 s6, s0  }
0x48f: {  	[tilespmem:s3], [sflag:$0x2] =	stream.linear.gather [hbm4b:s1+s4], $0x50, $0x38;
	[tilespmem:$0x16FD0] =	vst v63  }
0x490: {  	s31 =	simm.s32 $0x140;
	s23 =	sadd.s32 $0x1, s23;
	s0 =	sadd.s32 s7, s0  }
0x491: {  	[tilespmem:s31], [sflag:$0x2] =	stream.linear.gather [hbm4b:s0+s4], $0x50, $0x38;
	[tilespmem:$0x16FD0] =	vst v63  }
.LBB2_15:
0x492: {  	_ =	sfence.sel $0x180000  }
0x493: {  	[bflag:$0x0] =	sbarrier.arrive $0xFFFF  }
0x494: {  	_ =	strace $0x90000047  }
0x495: {  	s0 =	stileid.u32;
	[bflag:$0x2] =	sbarrier.arrive $0xFFFF  }
0x496: {  	p0 =	sne.s32 s0, $0x0;
	s0 =	rddreg [dreg:$0x3]  }
0x497: {  	s0 =	sadd.s32 @!p0 $0x100000, s0  }
0x498: {  	[sflag:s0] =	ssyncadd.tile.s32 @!p0 $0x1;
	_ =	shalt  }
.Lfunc_end2:
_tile_overlayer_lowered:
.L_overlay_start_2:
0x499: {  	(tag) =	ssettag $0x2  }
0x49a: {  	s0 =	rddreg [dreg:$0x0];
	s2 =	stileid.u32  }
0x49b: {  	s1 =	rddreg [dreg:$0x1];
	p0 =	sne.s32 s2, $0x0  }
0x49c: {  	s3 =	rddreg [dreg:$0x2];
	[bflag:$0x3] =	sbarrier.arrive $0xFFFF;
	s2 =	simm.s32 @!p0 $0x1C06  }
0x49d: {  	[timem:s3], [sflag:s2] =	dma.local @!p0 [hbm:s0], s1  }
0x49e: {  	s0 =	simm.s32 @!p0 $0x6  }
0x49f: {  	_ =	swait.ge @!p0 [sflag:s0], s1  }
0x4a0: {  	s1 =	ssub.s32 @!p0 $0x0, s1;
	[sflag:s0] =	ssyncset.done @!p0 $0x0  }
0x4a1: {  	[sflag:s0] =	ssyncadd.s32 @!p0 s1  }
0x4a2: {  	[bflag:$0x3] =	sbarrier.arrive $0xFFFF  }
0x4a3: {  	_ =	shalt  }

</sc_bundles>
